<compile_context>
chip_gen: v7x
topology: tpu7x:2x2x1
jax: 0.10.2.dev20260603
libtpu: 0.0.44.dev20260713+nightly
codegen_flags: <defaults>
</compile_context>

<pallas_src>
import functools

import jax
import jax.numpy as jnp
from jax import lax
from jax.experimental import pallas as pl
from jax.experimental.pallas import tpu as pltpu
from jax.experimental.pallas import tpu_sc as plsc

N = 10000
E = 640000
NC = 2
NS = 16
NW = NC * NS
BLK = 128
NBLK = 157
EPAD = NW * NBLK * BLK
ROWS = 10112
SLICE = ROWS // NS

_MESH = plsc.VectorSubcoreMesh(core_axis_name="c", subcore_axis_name="s")


def _zero_rows(zbuf, nrows, f):
    def body(i, _):
        for f0 in range(0, f, 16):
            zbuf[i, f0:f0 + 16] = jnp.zeros((16,), jnp.float32)
        return 0
    lax.fori_loop(0, nrows, body, 0)


HR = ROWS // 128


def _make_deg_kernel():
    @functools.partial(
        pl.kernel,
        out_type=jax.ShapeDtypeStruct((NW, ROWS), jnp.float32),
        mesh=_MESH,
        scratch_types=[
            pltpu.VMEM((NBLK, BLK), jnp.int32),
            pltpu.VMEM((ROWS,), jnp.float32),
        ],
        compiler_params=pltpu.CompilerParams(needs_layout_passes=False),
    )
    def deg_kernel(dstp_hbm, out_hbm, dst_v, hist):
        c = lax.axis_index("c")
        s = lax.axis_index("s")
        wid = c * NS + s
        def z(i, _):
            hist[pl.ds(i * 16, 16)] = jnp.zeros((16,), jnp.float32)
            return 0
        lax.fori_loop(0, ROWS // 16, z, 0)
        pltpu.sync_copy(dstp_hbm.at[wid], dst_v)
        ones = jnp.ones((16,), jnp.float32)
        def body(j, _):
            for k in range(0, BLK, 16):
                d = dst_v[j, k:k + 16]
                plsc.addupdate_scatter(hist, [d], ones)
            return 0
        lax.fori_loop(0, NBLK, body, 0)
        pltpu.sync_copy(hist, out_hbm.at[wid])

    return deg_kernel


def _make_scatter_kernel(f):
    @functools.partial(
        pl.kernel,
        out_type=jax.ShapeDtypeStruct((NC, ROWS, f), jnp.float32),
        mesh=_MESH,
        scratch_types=[
            pltpu.VMEM((NBLK, BLK), jnp.int32),
            pltpu.VMEM((NBLK, BLK), jnp.int32),
            pltpu.VMEM((BLK, f), jnp.float32),
            pltpu.VMEM((BLK, f), jnp.float32),
            pltpu.VMEM((SLICE, f), jnp.float32),
            pltpu.VMEM_SHARED((ROWS, f), jnp.float32),
            pltpu.VMEM_SHARED((ROWS, f), jnp.float32),
            pltpu.SemaphoreType.DMA,
            pltpu.SemaphoreType.DMA,
        ],
        compiler_params=pltpu.CompilerParams(use_tc_tiling_on_sc=False),
    )
    def scatter_kernel(g_hbm, srcp_hbm, dstp_hbm, out_hbm,
                       src_v, dst_v, rows_a, rows_b, zbuf, acc, gtab,
                       sem_a, sem_b):
        c = lax.axis_index("c")
        s = lax.axis_index("s")
        wid = c * NS + s
        _zero_rows(zbuf, SLICE, f)
        pltpu.sync_copy(zbuf, acc.at[pl.ds(s * SLICE, SLICE)])
        pltpu.sync_copy(g_hbm.at[pl.ds(s * SLICE, SLICE)],
                        gtab.at[pl.ds(s * SLICE, SLICE)])
        pltpu.sync_copy(srcp_hbm.at[wid], src_v)
        pltpu.sync_copy(dstp_hbm.at[wid], dst_v)
        plsc.subcore_barrier()
        pltpu.async_copy(gtab.at[src_v.at[0]], rows_a, sem_a)
        def pair(t, _):
            j = 2 * t
            pltpu.make_async_copy(gtab.at[src_v.at[j]], rows_a, sem_a).wait()
            pltpu.async_copy(gtab.at[src_v.at[j + 1]], rows_b, sem_b)
            pltpu.sync_copy(rows_a, acc.at[dst_v.at[j]], add=True)
            pltpu.make_async_copy(gtab.at[src_v.at[j + 1]], rows_b, sem_b).wait()
            pltpu.async_copy(gtab.at[src_v.at[j + 2]], rows_a, sem_a)
            pltpu.sync_copy(rows_b, acc.at[dst_v.at[j + 1]], add=True)
            return 0
        lax.fori_loop(0, (NBLK - 1) // 2, pair, 0)
        pltpu.make_async_copy(gtab.at[src_v.at[NBLK - 1]], rows_a, sem_a).wait()
        pltpu.sync_copy(rows_a, acc.at[dst_v.at[NBLK - 1]], add=True)
        plsc.subcore_barrier()
        pltpu.sync_copy(acc.at[pl.ds(s * SLICE, SLICE)],
                        out_hbm.at[c, pl.ds(s * SLICE, SLICE)])

    return scatter_kernel


_deg_kernel = _make_deg_kernel()
_scatter16 = _make_scatter_kernel(16)



def _tc0_body(degp_ref, dinv_ref):
    d = degp_ref[...]
    deg = jnp.sum(d, axis=0) + 1.0
    dinv_ref[...] = lax.rsqrt(deg)


def _tc0(degp):
    return pl.pallas_call(
        _tc0_body,
        out_shape=jax.ShapeDtypeStruct((ROWS,), jnp.float32),
    )(degp)


def _tc1_body(dinv_ref, x_ref, w_ref, g_ref):
    dinv16 = jnp.broadcast_to(dinv_ref[...], (N, 16))
    h = jnp.dot(x_ref[...], w_ref[...], preferred_element_type=jnp.float32)
    g_ref[0:N, :] = dinv16 * h


def _tc_mid_body(s_ref, g_ref, dinv_ref, w_ref, b_ref, o_ref):
    sp = s_ref[...]
    ssum = sp[0, :N, :] + sp[1, :N, :]
    g = g_ref[...][:N, :]
    dinv = jnp.broadcast_to(dinv_ref[...], (N, 16))
    u = jnp.maximum(dinv * (ssum + g) + b_ref[...], 0.0)
    h = jnp.dot(u, w_ref[...], preferred_element_type=jnp.float32)
    o_ref[0:N, :] = dinv * h


def _tc_mid3_body(s_ref, g_ref, dinv_ref, w_ref, b_ref, oa_ref, ob_ref):
    sp = s_ref[...]
    ssum = sp[0, :N, :] + sp[1, :N, :]
    g = g_ref[...][:N, :]
    dinv = jnp.broadcast_to(dinv_ref[...], (N, 16))
    u = jnp.maximum(dinv * (ssum + g) + b_ref[...], 0.0)
    h = jnp.dot(u, w_ref[...], preferred_element_type=jnp.float32)
    dinv_o = jnp.broadcast_to(dinv_ref[...], (N, 32))
    g3 = dinv_o * h
    oa_ref[0:N, :] = g3[:, 0:16]
    ob_ref[0:N, :] = g3[:, 16:32]


def _tc_out_body(sa_ref, sb_ref, ga_ref, gb_ref, dinv_ref, b_ref, o_ref):
    sa = sa_ref[...]
    sb = sb_ref[...]
    ssum = jnp.concatenate(
        [sa[0, :N, :] + sa[1, :N, :], sb[0, :N, :] + sb[1, :N, :]], axis=1)
    g = jnp.concatenate([ga_ref[...][:N, :], gb_ref[...][:N, :]], axis=1)
    dinv = jnp.broadcast_to(dinv_ref[...], (N, 32))
    o_ref[...] = jax.nn.sigmoid(dinv * (ssum + g) + b_ref[...])


def _tc1(dinv_col, x, w1):
    return pl.pallas_call(
        _tc1_body,
        out_shape=jax.ShapeDtypeStruct((ROWS, 16), jnp.float32),
    )(dinv_col, x, w1)


def _tc_mid(s, g, dinv, w, b):
    return pl.pallas_call(
        _tc_mid_body,
        out_shape=jax.ShapeDtypeStruct((ROWS, 16), jnp.float32),
    )(s, g, dinv, w, b)


def _tc_mid3(s, g, dinv, w, b):
    return pl.pallas_call(
        _tc_mid3_body,
        out_shape=[jax.ShapeDtypeStruct((ROWS, 16), jnp.float32),
                   jax.ShapeDtypeStruct((ROWS, 16), jnp.float32)],
    )(s, g, dinv, w, b)


def _tc_out(sa, sb, ga, gb, dinv, b):
    return pl.pallas_call(
        _tc_out_body,
        out_shape=jax.ShapeDtypeStruct((N, 32), jnp.float32),
    )(sa, sb, ga, gb, dinv, b)


def kernel(x, edge_index, W1, b1, W2, b2, W3, b3):
    src = edge_index[0].astype(jnp.int32)
    dst = edge_index[1].astype(jnp.int32)
    npad = EPAD - E
    srcp = jnp.concatenate([src, jnp.zeros((npad,), jnp.int32)]).reshape(NW, NBLK, BLK)
    dstp = jnp.concatenate([dst, jnp.full((npad,), ROWS - 1, jnp.int32)]).reshape(NW, NBLK, BLK)

    degp = _deg_kernel(dstp)
    dinv_flat = _tc0(degp)
    dinv_col = dinv_flat.reshape(ROWS, 1)[:N]
    g1 = _tc1(dinv_col, x, W1)
    s1 = _scatter16(g1, srcp, dstp)
    g2 = _tc_mid(s1, g1, dinv_col, W2, b1.reshape(1, 16))
    s2 = _scatter16(g2, srcp, dstp)
    g3a, g3b = _tc_mid3(s2, g2, dinv_col, W3, b2.reshape(1, 16))
    s3a = _scatter16(g3a, srcp, dstp)
    s3b = _scatter16(g3b, srcp, dstp)
    return _tc_out(s3a, s3b, g3a, g3b, dinv_col, b3.reshape(1, 32))

# --- scband reference (transcript-rebuilt; emitter-appended) ---
"""Pipeline reference for scband-gcn-94489280574 (READ-ONLY COPY).

The authoritative reference and input builder live on the scoring server;
editing this copy changes nothing except your own understanding.
"""

import jax, jax.numpy as jnp
import numpy as np

N_NODES = 10000
N_EDGES = 640000
D_FEAT = 128
CONV_DIM = 16
LABEL_DIM = 32


def gcn_conv(x, edge_index, W, b):
    n = x.shape[0]
    loop = jnp.arange(n, dtype=edge_index.dtype)
    src = jnp.concatenate([edge_index[0], loop])
    dst = jnp.concatenate([edge_index[1], loop])
    h = x @ W
    deg = jnp.zeros((n,), jnp.float32).at[dst].add(1.0)
    dinv = jnp.where(deg > 0, jax.lax.rsqrt(deg), 0.0)
    norm = dinv[src] * dinv[dst]
    msg = h[src] * norm[:, None]
    out = jnp.zeros((n, h.shape[1]), jnp.float32).at[dst].add(msg)
    return out + b


def setup_inputs(seed: int = 0) -> dict:
    key = jax.random.key(seed)
    ks = jax.random.split(key, 8)
    x = jax.random.normal(ks[0], (N_NODES, D_FEAT), jnp.float32)
    edge_index = jax.random.randint(ks[1], (2, N_EDGES), 0, N_NODES)
    W1 = jax.random.normal(ks[2], (D_FEAT, CONV_DIM), jnp.float32) * (1.0 / np.sqrt(D_FEAT))
    b1 = jnp.zeros((CONV_DIM,), jnp.float32)
    W2 = jax.random.normal(ks[3], (CONV_DIM, CONV_DIM), jnp.float32) * (1.0 / np.sqrt(CONV_DIM))
    b2 = jnp.zeros((CONV_DIM,), jnp.float32)
    W3 = jax.random.normal(ks[4], (CONV_DIM, LABEL_DIM), jnp.float32) * (1.0 / np.sqrt(CONV_DIM))
    b3 = jnp.zeros((LABEL_DIM,), jnp.float32)
    return {"x": x, "edge_index": edge_index, "W1": W1, "b1": b1, "W2": W2, "b2": b2, "W3": W3, "b3": b3}


def reference(x, edge_index, W1, b1, W2, b2, W3, b3):
    h = jax.nn.relu(gcn_conv(x, edge_index, W1, b1))
    h = jax.nn.relu(gcn_conv(h, edge_index, W2, b2))
    h = gcn_conv(h, edge_index, W3, b3)
    return jax.nn.sigmoid(h)

if __name__ == "__main__":
    import jax
    _d = setup_inputs()
    print(jax.jit(kernel)(*tuple(_d.values())))

</pallas_src>

<mosaic_0001>
#map = affine_map<(d0, d1) -> (0, 0)>
#map1 = affine_map<(d0, d1) -> (0, 0, 0)>
module attributes {stable_mosaic.version = 14 : i64} {
  func.func @scatter_kernel(%arg0: i32, %arg1: i32, %arg2: memref<10112x16xf32, #tpu.memory_space<hbm>>, %arg3: memref<32x157x128xi32, #tpu.memory_space<hbm>>, %arg4: memref<32x157x128xi32, #tpu.memory_space<hbm>>, %arg5: memref<2x10112x16xf32, #tpu.memory_space<hbm>>, %arg6: memref<157x128xi32, #tpu.memory_space<vmem>>, %arg7: memref<157x128xi32, #tpu.memory_space<vmem>>, %arg8: memref<128x16xf32, #tpu.memory_space<vmem>>, %arg9: memref<128x16xf32, #tpu.memory_space<vmem>>, %arg10: memref<632x16xf32, #tpu.memory_space<vmem>>, %arg11: memref<10112x16xf32, #tpu.memory_space<vmem_shared>>, %arg12: memref<10112x16xf32, #tpu.memory_space<vmem_shared>>, %arg13: memref<!tpu.dma_semaphore, #tpu.memory_space<semaphore_mem>>, %arg14: memref<!tpu.dma_semaphore, #tpu.memory_space<semaphore_mem>>) attributes {dimension_semantics = [#tpu.dimension_semantics<core_parallel>, #tpu.dimension_semantics<subcore_parallel>], iteration_bounds = array<i64: 2, 16>, scalar_prefetch = 0 : i64, scratch_operands = 9 : i64, tpu.core_type = #tpu.core_type<sc_vector_subcore>, window_params = [{transform_indices = #map}, {transform_indices = #map1}, {transform_indices = #map1}, {transform_indices = #map1}]} {
    %mul3A = arith.constant 16 : i32
    %mul3A_0 = arith.muli %arg0, %mul3A : i32
    %add3A = arith.addi %mul3A_0, %arg1 : i32
    %scan3A = arith.constant 0 : i32
    %scan3A_1 = arith.constant 0 : i32
    %scan3A_2 = arith.constant 632 : i32
    %scan3A_3 = arith.addi %scan3A_1, %scan3A_2 : i32
    %scan3A_4 = arith.constant 1 : i32
    %scan3A_5 = scf.for %scan3A_37 = %scan3A_1 to %scan3A_3 step %scan3A_4 iter_args(%scan3A_38 = %scan3A) -> (i32)  : i32 {
      %broadcast_in_dim3A = arith.constant 0.000000e+00 : f32
      %broadcast_in_dim3A_39 = vector.broadcast %broadcast_in_dim3A : f32 to vector<16xf32>
      %swap3A = arith.index_cast %scan3A_37 : i32 to index
      %swap3A_40 = arith.constant 0 : index
      %swap3A_41 = tpu.vector_load %arg10[%swap3A, %swap3A_40] {strides = array<i32>} : memref<632x16xf32, #tpu.memory_space<vmem>>, vector<1x16xf32>,
      %swap3A_42 = vector.shape_cast %swap3A_41 : vector<1x16xf32> to vector<16xf32>
      %swap3A_43 = vector.shape_cast %broadcast_in_dim3A_39 : vector<16xf32> to vector<1x16xf32>
      tpu.vector_store %arg10[%swap3A, %swap3A_40], %swap3A_43 {strides = array<i32>} : memref<632x16xf32, #tpu.memory_space<vmem>>, vector<1x16xf32>,
      %scan3A_44 = arith.constant 0 : i32
      scf.yield %scan3A_44 : i32
    }
    %scan3A_6 = arith.constant 632 : i32
    %mul3A_7 = arith.constant 632 : i32
    %mul3A_8 = arith.muli %arg1, %mul3A_7 : i32
    "tpu.region"() ({
      %run_scoped3A_37 = tpu.sem_alloc : memref<!tpu.dma_semaphore, #tpu.memory_space<semaphore_mem>>
      %dma_start3A_38 = arith.constant 0 : i32
      %dma_start3A_39 = tpu.memref_slice %arg11[%mul3A_8, %dma_start3A_38] : memref<10112x16xf32, #tpu.memory_space<vmem_shared>> -> memref<632x16xf32, #tpu.memory_space<vmem_shared>>
      %dma_start3A_40 = arith.constant 0 : i32
      %dma_start3A_41 = tpu.memref_slice %arg11[%mul3A_8, %dma_start3A_40] : memref<10112x16xf32, #tpu.memory_space<vmem_shared>> -> memref<632x16xf32, #tpu.memory_space<vmem_shared>>
      tpu.enqueue_dma source(%arg10 : memref<632x16xf32, #tpu.memory_space<vmem>>) target(%dma_start3A_41 : memref<632x16xf32, #tpu.memory_space<vmem_shared>>) target_semaphore(%run_scoped3A_37 : memref<!tpu.dma_semaphore, #tpu.memory_space<semaphore_mem>>)
      %dma_wait3A_42 = arith.constant 0 : i32
      %dma_wait3A_43 = tpu.memref_slice %arg11[%mul3A_8, %dma_wait3A_42] : memref<10112x16xf32, #tpu.memory_space<vmem_shared>> -> memref<632x16xf32, #tpu.memory_space<vmem_shared>>
      %dma_wait3A_44 = arith.constant 0 : i32
      %dma_wait3A_45 = tpu.memref_slice %arg11[%mul3A_8, %dma_wait3A_44] : memref<10112x16xf32, #tpu.memory_space<vmem_shared>> -> memref<632x16xf32, #tpu.memory_space<vmem_shared>>
      tpu.wait_dma2 semaphore(%run_scoped3A_37 : memref<!tpu.dma_semaphore, #tpu.memory_space<semaphore_mem>>) src(%arg10 : memref<632x16xf32, #tpu.memory_space<vmem>>) dst(%dma_wait3A_45 : memref<632x16xf32, #tpu.memory_space<vmem_shared>>)
      tpu.yield
    }) : () -> ()
    %mul3A_9 = arith.constant 632 : i32
    %mul3A_10 = arith.muli %arg1, %mul3A_9 : i32
    %mul3A_11 = arith.constant 632 : i32
    %mul3A_12 = arith.muli %arg1, %mul3A_11 : i32
    "tpu.region"() ({
      %run_scoped3A_37 = tpu.sem_alloc : memref<!tpu.dma_semaphore, #tpu.memory_space<semaphore_mem>>
      %dma_start3A_38 = arith.constant 0 : i32
      %dma_start3A_39 = tpu.memref_slice %arg12[%mul3A_12, %dma_start3A_38] : memref<10112x16xf32, #tpu.memory_space<vmem_shared>> -> memref<632x16xf32, #tpu.memory_space<vmem_shared>>
      %dma_start3A_40 = arith.constant 0 : i32
      %dma_start3A_41 = tpu.memref_slice %arg2[%mul3A_10, %dma_start3A_40] : memref<10112x16xf32, #tpu.memory_space<hbm>> -> memref<632x16xf32, #tpu.memory_space<hbm>>
      tpu.enqueue_dma source(%dma_start3A_41 : memref<632x16xf32, #tpu.memory_space<hbm>>) target(%dma_start3A_39 : memref<632x16xf32, #tpu.memory_space<vmem_shared>>) target_semaphore(%run_scoped3A_37 : memref<!tpu.dma_semaphore, #tpu.memory_space<semaphore_mem>>)
      %dma_wait3A_42 = arith.constant 0 : i32
      %dma_wait3A_43 = tpu.memref_slice %arg12[%mul3A_12, %dma_wait3A_42] : memref<10112x16xf32, #tpu.memory_space<vmem_shared>> -> memref<632x16xf32, #tpu.memory_space<vmem_shared>>
      %dma_wait3A_44 = arith.constant 0 : i32
      %dma_wait3A_45 = tpu.memref_slice %arg2[%mul3A_10, %dma_wait3A_44] : memref<10112x16xf32, #tpu.memory_space<hbm>> -> memref<632x16xf32, #tpu.memory_space<hbm>>
      tpu.wait_dma2 semaphore(%run_scoped3A_37 : memref<!tpu.dma_semaphore, #tpu.memory_space<semaphore_mem>>) src(%dma_wait3A_45 : memref<632x16xf32, #tpu.memory_space<hbm>>) dst(%dma_wait3A_43 : memref<632x16xf32, #tpu.memory_space<vmem_shared>>)
      tpu.yield
    }) : () -> ()
    "tpu.region"() ({
      %run_scoped3A_37 = tpu.sem_alloc : memref<!tpu.dma_semaphore, #tpu.memory_space<semaphore_mem>>
      %dma_start3A_38 = arith.constant 0 : i32
      %dma_start3A_39 = arith.constant 0 : i32
      %dma_start3A_40 = tpu.memref_slice %arg3[%add3A, %dma_start3A_38, %dma_start3A_39] : memref<32x157x128xi32, #tpu.memory_space<hbm>> -> memref<1x157x128xi32, #tpu.memory_space<hbm>>
      %dma_start3A_41 = tpu.memref_squeeze %dma_start3A_40 : memref<1x157x128xi32, #tpu.memory_space<hbm>> -> memref<157x128xi32, #tpu.memory_space<hbm>>
      %dma_start3A_42 = arith.constant 0 : i32
      %dma_start3A_43 = arith.constant 0 : i32
      %dma_start3A_44 = tpu.memref_slice %arg3[%add3A, %dma_start3A_42, %dma_start3A_43] : memref<32x157x128xi32, #tpu.memory_space<hbm>> -> memref<1x157x128xi32, #tpu.memory_space<hbm>>
      %dma_start3A_45 = tpu.memref_squeeze %dma_start3A_44 : memref<1x157x128xi32, #tpu.memory_space<hbm>> -> memref<157x128xi32, #tpu.memory_space<hbm>>
      tpu.enqueue_dma source(%dma_start3A_45 : memref<157x128xi32, #tpu.memory_space<hbm>>) target(%arg6 : memref<157x128xi32, #tpu.memory_space<vmem>>) target_semaphore(%run_scoped3A_37 : memref<!tpu.dma_semaphore, #tpu.memory_space<semaphore_mem>>)
      %dma_wait3A_46 = arith.constant 0 : i32
      %dma_wait3A_47 = arith.constant 0 : i32
      %dma_wait3A_48 = tpu.memref_slice %arg3[%add3A, %dma_wait3A_46, %dma_wait3A_47] : memref<32x157x128xi32, #tpu.memory_space<hbm>> -> memref<1x157x128xi32, #tpu.memory_space<hbm>>
      %dma_wait3A_49 = tpu.memref_squeeze %dma_wait3A_48 : memref<1x157x128xi32, #tpu.memory_space<hbm>> -> memref<157x128xi32, #tpu.memory_space<hbm>>
      %dma_wait3A_50 = arith.constant 0 : i32
      %dma_wait3A_51 = arith.constant 0 : i32
      %dma_wait3A_52 = tpu.memref_slice %arg3[%add3A, %dma_wait3A_50, %dma_wait3A_51] : memref<32x157x128xi32, #tpu.memory_space<hbm>> -> memref<1x157x128xi32, #tpu.memory_space<hbm>>
      %dma_wait3A_53 = tpu.memref_squeeze %dma_wait3A_52 : memref<1x157x128xi32, #tpu.memory_space<hbm>> -> memref<157x128xi32, #tpu.memory_space<hbm>>
      tpu.wait_dma2 semaphore(%run_scoped3A_37 : memref<!tpu.dma_semaphore, #tpu.memory_space<semaphore_mem>>) src(%dma_wait3A_53 : memref<157x128xi32, #tpu.memory_space<hbm>>) dst(%arg6 : memref<157x128xi32, #tpu.memory_space<vmem>>)
      tpu.yield
    }) : () -> ()
    "tpu.region"() ({
      %run_scoped3A_37 = tpu.sem_alloc : memref<!tpu.dma_semaphore, #tpu.memory_space<semaphore_mem>>
      %dma_start3A_38 = arith.constant 0 : i32
      %dma_start3A_39 = arith.constant 0 : i32
      %dma_start3A_40 = tpu.memref_slice %arg4[%add3A, %dma_start3A_38, %dma_start3A_39] : memref<32x157x128xi32, #tpu.memory_space<hbm>> -> memref<1x157x128xi32, #tpu.memory_space<hbm>>
      %dma_start3A_41 = tpu.memref_squeeze %dma_start3A_40 : memref<1x157x128xi32, #tpu.memory_space<hbm>> -> memref<157x128xi32, #tpu.memory_space<hbm>>
      %dma_start3A_42 = arith.constant 0 : i32
      %dma_start3A_43 = arith.constant 0 : i32
      %dma_start3A_44 = tpu.memref_slice %arg4[%add3A, %dma_start3A_42, %dma_start3A_43] : memref<32x157x128xi32, #tpu.memory_space<hbm>> -> memref<1x157x128xi32, #tpu.memory_space<hbm>>
      %dma_start3A_45 = tpu.memref_squeeze %dma_start3A_44 : memref<1x157x128xi32, #tpu.memory_space<hbm>> -> memref<157x128xi32, #tpu.memory_space<hbm>>
      tpu.enqueue_dma source(%dma_start3A_45 : memref<157x128xi32, #tpu.memory_space<hbm>>) target(%arg7 : memref<157x128xi32, #tpu.memory_space<vmem>>) target_semaphore(%run_scoped3A_37 : memref<!tpu.dma_semaphore, #tpu.memory_space<semaphore_mem>>)
      %dma_wait3A_46 = arith.constant 0 : i32
      %dma_wait3A_47 = arith.constant 0 : i32
      %dma_wait3A_48 = tpu.memref_slice %arg4[%add3A, %dma_wait3A_46, %dma_wait3A_47] : memref<32x157x128xi32, #tpu.memory_space<hbm>> -> memref<1x157x128xi32, #tpu.memory_space<hbm>>
      %dma_wait3A_49 = tpu.memref_squeeze %dma_wait3A_48 : memref<1x157x128xi32, #tpu.memory_space<hbm>> -> memref<157x128xi32, #tpu.memory_space<hbm>>
      %dma_wait3A_50 = arith.constant 0 : i32
      %dma_wait3A_51 = arith.constant 0 : i32
      %dma_wait3A_52 = tpu.memref_slice %arg4[%add3A, %dma_wait3A_50, %dma_wait3A_51] : memref<32x157x128xi32, #tpu.memory_space<hbm>> -> memref<1x157x128xi32, #tpu.memory_space<hbm>>
      %dma_wait3A_53 = tpu.memref_squeeze %dma_wait3A_52 : memref<1x157x128xi32, #tpu.memory_space<hbm>> -> memref<157x128xi32, #tpu.memory_space<hbm>>
      tpu.wait_dma2 semaphore(%run_scoped3A_37 : memref<!tpu.dma_semaphore, #tpu.memory_space<semaphore_mem>>) src(%dma_wait3A_53 : memref<157x128xi32, #tpu.memory_space<hbm>>) dst(%arg7 : memref<157x128xi32, #tpu.memory_space<vmem>>)
      tpu.yield
    }) : () -> ()
    %barrier3A = arith.constant 0 : index
    tpu.barrier barrier_id(%barrier3A)
    %dma_start3A = arith.constant 0 : i32
    %dma_start3A_13 = arith.constant 0 : i32
    %dma_start3A_14 = tpu.memref_slice %arg6[%dma_start3A, %dma_start3A_13] : memref<157x128xi32, #tpu.memory_space<vmem>> -> memref<1x128xi32, #tpu.memory_space<vmem>>
    %dma_start3A_15 = tpu.memref_squeeze %dma_start3A_14 : memref<1x128xi32, #tpu.memory_space<vmem>> -> memref<128xi32, #tpu.memory_space<vmem>>
    %dma_start3A_16 = arith.constant 0 : i32
    %dma_start3A_17 = arith.constant 0 : i32
    %dma_start3A_18 = tpu.memref_slice %arg12[%dma_start3A_16, %dma_start3A_17] : memref<10112x16xf32, #tpu.memory_space<vmem_shared>> -> memref<10112x16xf32, #tpu.memory_space<vmem_shared>>
    tpu.enqueue_indirect_dma source(%dma_start3A_18 : memref<10112x16xf32, #tpu.memory_space<vmem_shared>>) target(%arg8 : memref<128x16xf32, #tpu.memory_space<vmem>>) offsets(%dma_start3A_15 : memref<128xi32, #tpu.memory_space<vmem>>) semaphore(%arg13 : memref<!tpu.dma_semaphore, #tpu.memory_space<semaphore_mem>>)
    %scan3A_19 = arith.constant 0 : i32
    %scan3A_20 = arith.constant 0 : i32
    %scan3A_21 = arith.constant 78 : i32
    %scan3A_22 = arith.addi %scan3A_20, %scan3A_21 : i32
    %scan3A_23 = arith.constant 1 : i32
    %scan3A_24 = scf.for %scan3A_37 = %scan3A_20 to %scan3A_22 step %scan3A_23 iter_args(%scan3A_38 = %scan3A_19) -> (i32)  : i32 {
      %mul3A_39 = arith.constant 2 : i32
      %mul3A_40 = arith.muli %mul3A_39, %scan3A_37 : i32
      %dma_wait3A_41 = arith.constant 0 : i32
      %dma_wait3A_42 = tpu.memref_slice %arg6[%mul3A_40, %dma_wait3A_41] : memref<157x128xi32, #tpu.memory_space<vmem>> -> memref<1x128xi32, #tpu.memory_space<vmem>>
      %dma_wait3A_43 = tpu.memref_squeeze %dma_wait3A_42 : memref<1x128xi32, #tpu.memory_space<vmem>> -> memref<128xi32, #tpu.memory_space<vmem>>
      %dma_wait3A_44 = arith.constant 0 : i32
      %dma_wait3A_45 = arith.constant 0 : i32
      %dma_wait3A_46 = tpu.memref_slice %arg12[%dma_wait3A_44, %dma_wait3A_45] : memref<10112x16xf32, #tpu.memory_space<vmem_shared>> -> memref<10112x16xf32, #tpu.memory_space<vmem_shared>>
      tpu.wait_indirect_dma semaphore(%arg13 : memref<!tpu.dma_semaphore, #tpu.memory_space<semaphore_mem>>) src(%dma_wait3A_46 : memref<10112x16xf32, #tpu.memory_space<vmem_shared>>) dst(%arg8 : memref<128x16xf32, #tpu.memory_space<vmem>>)
      %add3A_47 = arith.constant 1 : i32
      %add3A_48 = arith.addi %mul3A_40, %add3A_47 : i32
      %dma_start3A_49 = arith.constant 0 : i32
      %dma_start3A_50 = tpu.memref_slice %arg6[%add3A_48, %dma_start3A_49] : memref<157x128xi32, #tpu.memory_space<vmem>> -> memref<1x128xi32, #tpu.memory_space<vmem>>
      %dma_start3A_51 = tpu.memref_squeeze %dma_start3A_50 : memref<1x128xi32, #tpu.memory_space<vmem>> -> memref<128xi32, #tpu.memory_space<vmem>>
      %dma_start3A_52 = arith.constant 0 : i32
      %dma_start3A_53 = arith.constant 0 : i32
      %dma_start3A_54 = tpu.memref_slice %arg12[%dma_start3A_52, %dma_start3A_53] : memref<10112x16xf32, #tpu.memory_space<vmem_shared>> -> memref<10112x16xf32, #tpu.memory_space<vmem_shared>>
      tpu.enqueue_indirect_dma source(%dma_start3A_54 : memref<10112x16xf32, #tpu.memory_space<vmem_shared>>) target(%arg9 : memref<128x16xf32, #tpu.memory_space<vmem>>) offsets(%dma_start3A_51 : memref<128xi32, #tpu.memory_space<vmem>>) semaphore(%arg14 : memref<!tpu.dma_semaphore, #tpu.memory_space<semaphore_mem>>)
      "tpu.region"() ({
        %run_scoped3A_74 = tpu.sem_alloc : memref<!tpu.dma_semaphore, #tpu.memory_space<semaphore_mem>>
        %dma_start3A_75 = arith.constant 0 : i32
        %dma_start3A_76 = tpu.memref_slice %arg7[%mul3A_40, %dma_start3A_75] : memref<157x128xi32, #tpu.memory_space<vmem>> -> memref<1x128xi32, #tpu.memory_space<vmem>>
        %dma_start3A_77 = tpu.memref_squeeze %dma_start3A_76 : memref<1x128xi32, #tpu.memory_space<vmem>> -> memref<128xi32, #tpu.memory_space<vmem>>
        %dma_start3A_78 = arith.constant 0 : i32
        %dma_start3A_79 = arith.constant 0 : i32
        %dma_start3A_80 = tpu.memref_slice %arg11[%dma_start3A_78, %dma_start3A_79] : memref<10112x16xf32, #tpu.memory_space<vmem_shared>> -> memref<10112x16xf32, #tpu.memory_space<vmem_shared>>
        tpu.enqueue_indirect_dma source(%arg8 : memref<128x16xf32, #tpu.memory_space<vmem>>) target(%dma_start3A_80 : memref<10112x16xf32, #tpu.memory_space<vmem_shared>>) offsets(%dma_start3A_77 : memref<128xi32, #tpu.memory_space<vmem>>) semaphore(%run_scoped3A_74 : memref<!tpu.dma_semaphore, #tpu.memory_space<semaphore_mem>>) {add = true}
        %dma_wait3A_81 = arith.constant 0 : i32
        %dma_wait3A_82 = tpu.memref_slice %arg7[%mul3A_40, %dma_wait3A_81] : memref<157x128xi32, #tpu.memory_space<vmem>> -> memref<1x128xi32, #tpu.memory_space<vmem>>
        %dma_wait3A_83 = tpu.memref_squeeze %dma_wait3A_82 : memref<1x128xi32, #tpu.memory_space<vmem>> -> memref<128xi32, #tpu.memory_space<vmem>>
        %dma_wait3A_84 = arith.constant 0 : i32
        %dma_wait3A_85 = arith.constant 0 : i32
        %dma_wait3A_86 = tpu.memref_slice %arg11[%dma_wait3A_84, %dma_wait3A_85] : memref<10112x16xf32, #tpu.memory_space<vmem_shared>> -> memref<10112x16xf32, #tpu.memory_space<vmem_shared>>
        tpu.wait_indirect_dma semaphore(%run_scoped3A_74 : memref<!tpu.dma_semaphore, #tpu.memory_space<semaphore_mem>>) src(%arg8 : memref<128x16xf32, #tpu.memory_space<vmem>>) dst(%dma_wait3A_86 : memref<10112x16xf32, #tpu.memory_space<vmem_shared>>)
        tpu.yield
      }) : () -> ()
      %add3A_55 = arith.constant 1 : i32
      %add3A_56 = arith.addi %mul3A_40, %add3A_55 : i32
      %dma_wait3A_57 = arith.constant 0 : i32
      %dma_wait3A_58 = tpu.memref_slice %arg6[%add3A_56, %dma_wait3A_57] : memref<157x128xi32, #tpu.memory_space<vmem>> -> memref<1x128xi32, #tpu.memory_space<vmem>>
      %dma_wait3A_59 = tpu.memref_squeeze %dma_wait3A_58 : memref<1x128xi32, #tpu.memory_space<vmem>> -> memref<128xi32, #tpu.memory_space<vmem>>
      %dma_wait3A_60 = arith.constant 0 : i32
      %dma_wait3A_61 = arith.constant 0 : i32
      %dma_wait3A_62 = tpu.memref_slice %arg12[%dma_wait3A_60, %dma_wait3A_61] : memref<10112x16xf32, #tpu.memory_space<vmem_shared>> -> memref<10112x16xf32, #tpu.memory_space<vmem_shared>>
      tpu.wait_indirect_dma semaphore(%arg14 : memref<!tpu.dma_semaphore, #tpu.memory_space<semaphore_mem>>) src(%dma_wait3A_62 : memref<10112x16xf32, #tpu.memory_space<vmem_shared>>) dst(%arg9 : memref<128x16xf32, #tpu.memory_space<vmem>>)
      %add3A_63 = arith.constant 2 : i32
      %add3A_64 = arith.addi %mul3A_40, %add3A_63 : i32
      %dma_start3A_65 = arith.constant 0 : i32
      %dma_start3A_66 = tpu.memref_slice %arg6[%add3A_64, %dma_start3A_65] : memref<157x128xi32, #tpu.memory_space<vmem>> -> memref<1x128xi32, #tpu.memory_space<vmem>>
      %dma_start3A_67 = tpu.memref_squeeze %dma_start3A_66 : memref<1x128xi32, #tpu.memory_space<vmem>> -> memref<128xi32, #tpu.memory_space<vmem>>
      %dma_start3A_68 = arith.constant 0 : i32
      %dma_start3A_69 = arith.constant 0 : i32
      %dma_start3A_70 = tpu.memref_slice %arg12[%dma_start3A_68, %dma_start3A_69] : memref<10112x16xf32, #tpu.memory_space<vmem_shared>> -> memref<10112x16xf32, #tpu.memory_space<vmem_shared>>
      tpu.enqueue_indirect_dma source(%dma_start3A_70 : memref<10112x16xf32, #tpu.memory_space<vmem_shared>>) target(%arg8 : memref<128x16xf32, #tpu.memory_space<vmem>>) offsets(%dma_start3A_67 : memref<128xi32, #tpu.memory_space<vmem>>) semaphore(%arg13 : memref<!tpu.dma_semaphore, #tpu.memory_space<semaphore_mem>>)
      %add3A_71 = arith.constant 1 : i32
      %add3A_72 = arith.addi %mul3A_40, %add3A_71 : i32
      "tpu.region"() ({
        %run_scoped3A_74 = tpu.sem_alloc : memref<!tpu.dma_semaphore, #tpu.memory_space<semaphore_mem>>
        %dma_start3A_75 = arith.constant 0 : i32
        %dma_start3A_76 = tpu.memref_slice %arg7[%add3A_72, %dma_start3A_75] : memref<157x128xi32, #tpu.memory_space<vmem>> -> memref<1x128xi32, #tpu.memory_space<vmem>>
        %dma_start3A_77 = tpu.memref_squeeze %dma_start3A_76 : memref<1x128xi32, #tpu.memory_space<vmem>> -> memref<128xi32, #tpu.memory_space<vmem>>
        %dma_start3A_78 = arith.constant 0 : i32
        %dma_start3A_79 = arith.constant 0 : i32
        %dma_start3A_80 = tpu.memref_slice %arg11[%dma_start3A_78, %dma_start3A_79] : memref<10112x16xf32, #tpu.memory_space<vmem_shared>> -> memref<10112x16xf32, #tpu.memory_space<vmem_shared>>
        tpu.enqueue_indirect_dma source(%arg9 : memref<128x16xf32, #tpu.memory_space<vmem>>) target(%dma_start3A_80 : memref<10112x16xf32, #tpu.memory_space<vmem_shared>>) offsets(%dma_start3A_77 : memref<128xi32, #tpu.memory_space<vmem>>) semaphore(%run_scoped3A_74 : memref<!tpu.dma_semaphore, #tpu.memory_space<semaphore_mem>>) {add = true}
        %dma_wait3A_81 = arith.constant 0 : i32
        %dma_wait3A_82 = tpu.memref_slice %arg7[%add3A_72, %dma_wait3A_81] : memref<157x128xi32, #tpu.memory_space<vmem>> -> memref<1x128xi32, #tpu.memory_space<vmem>>
        %dma_wait3A_83 = tpu.memref_squeeze %dma_wait3A_82 : memref<1x128xi32, #tpu.memory_space<vmem>> -> memref<128xi32, #tpu.memory_space<vmem>>
        %dma_wait3A_84 = arith.constant 0 : i32
        %dma_wait3A_85 = arith.constant 0 : i32
        %dma_wait3A_86 = tpu.memref_slice %arg11[%dma_wait3A_84, %dma_wait3A_85] : memref<10112x16xf32, #tpu.memory_space<vmem_shared>> -> memref<10112x16xf32, #tpu.memory_space<vmem_shared>>
        tpu.wait_indirect_dma semaphore(%run_scoped3A_74 : memref<!tpu.dma_semaphore, #tpu.memory_space<semaphore_mem>>) src(%arg9 : memref<128x16xf32, #tpu.memory_space<vmem>>) dst(%dma_wait3A_86 : memref<10112x16xf32, #tpu.memory_space<vmem_shared>>)
        tpu.yield
      }) : () -> ()
      %scan3A_73 = arith.constant 0 : i32
      scf.yield %scan3A_73 : i32
    }
    %scan3A_25 = arith.constant 78 : i32
    %dma_wait3A = arith.constant 156 : i32
    %dma_wait3A_26 = arith.constant 0 : i32
    %dma_wait3A_27 = tpu.memref_slice %arg6[%dma_wait3A, %dma_wait3A_26] : memref<157x128xi32, #tpu.memory_space<vmem>> -> memref<1x128xi32, #tpu.memory_space<vmem>>
    %dma_wait3A_28 = tpu.memref_squeeze %dma_wait3A_27 : memref<1x128xi32, #tpu.memory_space<vmem>> -> memref<128xi32, #tpu.memory_space<vmem>>
    %dma_wait3A_29 = arith.constant 0 : i32
    %dma_wait3A_30 = arith.constant 0 : i32
    %dma_wait3A_31 = tpu.memref_slice %arg12[%dma_wait3A_29, %dma_wait3A_30] : memref<10112x16xf32, #tpu.memory_space<vmem_shared>> -> memref<10112x16xf32, #tpu.memory_space<vmem_shared>>
    tpu.wait_indirect_dma semaphore(%arg13 : memref<!tpu.dma_semaphore, #tpu.memory_space<semaphore_mem>>) src(%dma_wait3A_31 : memref<10112x16xf32, #tpu.memory_space<vmem_shared>>) dst(%arg8 : memref<128x16xf32, #tpu.memory_space<vmem>>)
    %run_scoped3A = arith.constant 156 : i32
    "tpu.region"() ({
      %run_scoped3A_37 = tpu.sem_alloc : memref<!tpu.dma_semaphore, #tpu.memory_space<semaphore_mem>>
      %dma_start3A_38 = arith.constant 0 : i32
      %dma_start3A_39 = tpu.memref_slice %arg7[%run_scoped3A, %dma_start3A_38] : memref<157x128xi32, #tpu.memory_space<vmem>> -> memref<1x128xi32, #tpu.memory_space<vmem>>
      %dma_start3A_40 = tpu.memref_squeeze %dma_start3A_39 : memref<1x128xi32, #tpu.memory_space<vmem>> -> memref<128xi32, #tpu.memory_space<vmem>>
      %dma_start3A_41 = arith.constant 0 : i32
      %dma_start3A_42 = arith.constant 0 : i32
      %dma_start3A_43 = tpu.memref_slice %arg11[%dma_start3A_41, %dma_start3A_42] : memref<10112x16xf32, #tpu.memory_space<vmem_shared>> -> memref<10112x16xf32, #tpu.memory_space<vmem_shared>>
      tpu.enqueue_indirect_dma source(%arg8 : memref<128x16xf32, #tpu.memory_space<vmem>>) target(%dma_start3A_43 : memref<10112x16xf32, #tpu.memory_space<vmem_shared>>) offsets(%dma_start3A_40 : memref<128xi32, #tpu.memory_space<vmem>>) semaphore(%run_scoped3A_37 : memref<!tpu.dma_semaphore, #tpu.memory_space<semaphore_mem>>) {add = true}
      %dma_wait3A_44 = arith.constant 0 : i32
      %dma_wait3A_45 = tpu.memref_slice %arg7[%run_scoped3A, %dma_wait3A_44] : memref<157x128xi32, #tpu.memory_space<vmem>> -> memref<1x128xi32, #tpu.memory_space<vmem>>
      %dma_wait3A_46 = tpu.memref_squeeze %dma_wait3A_45 : memref<1x128xi32, #tpu.memory_space<vmem>> -> memref<128xi32, #tpu.memory_space<vmem>>
      %dma_wait3A_47 = arith.constant 0 : i32
      %dma_wait3A_48 = arith.constant 0 : i32
      %dma_wait3A_49 = tpu.memref_slice %arg11[%dma_wait3A_47, %dma_wait3A_48] : memref<10112x16xf32, #tpu.memory_space<vmem_shared>> -> memref<10112x16xf32, #tpu.memory_space<vmem_shared>>
      tpu.wait_indirect_dma semaphore(%run_scoped3A_37 : memref<!tpu.dma_semaphore, #tpu.memory_space<semaphore_mem>>) src(%arg8 : memref<128x16xf32, #tpu.memory_space<vmem>>) dst(%dma_wait3A_49 : memref<10112x16xf32, #tpu.memory_space<vmem_shared>>)
      tpu.yield
    }) : () -> ()
    %barrier3A_32 = arith.constant 0 : index
    tpu.barrier barrier_id(%barrier3A_32)
    %mul3A_33 = arith.constant 632 : i32
    %mul3A_34 = arith.muli %arg1, %mul3A_33 : i32
    %mul3A_35 = arith.constant 632 : i32
    %mul3A_36 = arith.muli %arg1, %mul3A_35 : i32
    "tpu.region"() ({
      %run_scoped3A_37 = tpu.sem_alloc : memref<!tpu.dma_semaphore, #tpu.memory_space<semaphore_mem>>
      %dma_start3A_38 = arith.constant 0 : i32
      %dma_start3A_39 = tpu.memref_slice %arg5[%arg0, %mul3A_36, %dma_start3A_38] : memref<2x10112x16xf32, #tpu.memory_space<hbm>> -> memref<1x632x16xf32, #tpu.memory_space<hbm>>
      %dma_start3A_40 = tpu.memref_squeeze %dma_start3A_39 : memref<1x632x16xf32, #tpu.memory_space<hbm>> -> memref<632x16xf32, #tpu.memory_space<hbm>>
      %dma_start3A_41 = arith.constant 0 : i32
      %dma_start3A_42 = tpu.memref_slice %arg11[%mul3A_34, %dma_start3A_41] : memref<10112x16xf32, #tpu.memory_space<vmem_shared>> -> memref<632x16xf32, #tpu.memory_space<vmem_shared>>
      tpu.enqueue_dma source(%dma_start3A_42 : memref<632x16xf32, #tpu.memory_space<vmem_shared>>) target(%dma_start3A_40 : memref<632x16xf32, #tpu.memory_space<hbm>>) target_semaphore(%run_scoped3A_37 : memref<!tpu.dma_semaphore, #tpu.memory_space<semaphore_mem>>)
      %dma_wait3A_43 = arith.constant 0 : i32
      %dma_wait3A_44 = tpu.memref_slice %arg5[%arg0, %mul3A_36, %dma_wait3A_43] : memref<2x10112x16xf32, #tpu.memory_space<hbm>> -> memref<1x632x16xf32, #tpu.memory_space<hbm>>
      %dma_wait3A_45 = tpu.memref_squeeze %dma_wait3A_44 : memref<1x632x16xf32, #tpu.memory_space<hbm>> -> memref<632x16xf32, #tpu.memory_space<hbm>>
      %dma_wait3A_46 = arith.constant 0 : i32
      %dma_wait3A_47 = tpu.memref_slice %arg11[%mul3A_34, %dma_wait3A_46] : memref<10112x16xf32, #tpu.memory_space<vmem_shared>> -> memref<632x16xf32, #tpu.memory_space<vmem_shared>>
      tpu.wait_dma2 semaphore(%run_scoped3A_37 : memref<!tpu.dma_semaphore, #tpu.memory_space<semaphore_mem>>) src(%dma_wait3A_47 : memref<632x16xf32, #tpu.memory_space<vmem_shared>>) dst(%dma_wait3A_45 : memref<632x16xf32, #tpu.memory_space<hbm>>)
      tpu.yield
    }) : () -> ()
    return
  }
}

#map = affine_map<(d0, d1) -> (0, 0)>
#map1 = affine_map<(d0, d1) -> (0, 0, 0)>
module attributes {stable_mosaic.version = 14 : i64} {
  func.func @scatter_kernel(%arg0: i32, %arg1: i32, %arg2: memref<10112x16xf32, #tpu.memory_space<hbm>>, %arg3: memref<32x157x128xi32, #tpu.memory_space<hbm>>, %arg4: memref<32x157x128xi32, #tpu.memory_space<hbm>>, %arg5: memref<2x10112x16xf32, #tpu.memory_space<hbm>>, %arg6: memref<157x128xi32, #tpu.memory_space<vmem>>, %arg7: memref<157x128xi32, #tpu.memory_space<vmem>>, %arg8: memref<128x16xf32, #tpu.memory_space<vmem>>, %arg9: memref<128x16xf32, #tpu.memory_space<vmem>>, %arg10: memref<632x16xf32, #tpu.memory_space<vmem>>, %arg11: memref<10112x16xf32, #tpu.memory_space<vmem_shared>>, %arg12: memref<10112x16xf32, #tpu.memory_space<vmem_shared>>, %arg13: memref<!tpu.dma_semaphore, #tpu.memory_space<semaphore_mem>>, %arg14: memref<!tpu.dma_semaphore, #tpu.memory_space<semaphore_mem>>) attributes {dimension_semantics = [#tpu.dimension_semantics<core_parallel>, #tpu.dimension_semantics<subcore_parallel>], iteration_bounds = array<i64: 2, 16>, scalar_prefetch = 0 : i64, scratch_operands = 9 : i64, tpu.core_type = #tpu.core_type<sc_vector_subcore>, window_params = [{transform_indices = #map}, {transform_indices = #map1}, {transform_indices = #map1}, {transform_indices = #map1}]} {
    %mul3A = arith.constant 16 : i32
    %mul3A_0 = arith.muli %arg0, %mul3A : i32
    %add3A = arith.addi %mul3A_0, %arg1 : i32
    %scan3A = arith.constant 0 : i32
    %scan3A_1 = arith.constant 0 : i32
    %scan3A_2 = arith.constant 632 : i32
    %scan3A_3 = arith.addi %scan3A_1, %scan3A_2 : i32
    %scan3A_4 = arith.constant 1 : i32
    %scan3A_5 = scf.for %scan3A_37 = %scan3A_1 to %scan3A_3 step %scan3A_4 iter_args(%scan3A_38 = %scan3A) -> (i32)  : i32 {
      %broadcast_in_dim3A = arith.constant 0.000000e+00 : f32
      %broadcast_in_dim3A_39 = vector.broadcast %broadcast_in_dim3A : f32 to vector<16xf32>
      %swap3A = arith.index_cast %scan3A_37 : i32 to index
      %swap3A_40 = arith.constant 0 : index
      %swap3A_41 = tpu.vector_load %arg10[%swap3A, %swap3A_40] {strides = array<i32>} : memref<632x16xf32, #tpu.memory_space<vmem>>, vector<1x16xf32>,
      %swap3A_42 = vector.shape_cast %swap3A_41 : vector<1x16xf32> to vector<16xf32>
      %swap3A_43 = vector.shape_cast %broadcast_in_dim3A_39 : vector<16xf32> to vector<1x16xf32>
      tpu.vector_store %arg10[%swap3A, %swap3A_40], %swap3A_43 {strides = array<i32>} : memref<632x16xf32, #tpu.memory_space<vmem>>, vector<1x16xf32>,
      %scan3A_44 = arith.constant 0 : i32
      scf.yield %scan3A_44 : i32
    }
    %scan3A_6 = arith.constant 632 : i32
    %mul3A_7 = arith.constant 632 : i32
    %mul3A_8 = arith.muli %arg1, %mul3A_7 : i32
    "tpu.region"() ({
      %run_scoped3A_37 = tpu.sem_alloc : memref<!tpu.dma_semaphore, #tpu.memory_space<semaphore_mem>>
      %dma_start3A_38 = arith.constant 0 : i32
      %dma_start3A_39 = tpu.memref_slice %arg11[%mul3A_8, %dma_start3A_38] : memref<10112x16xf32, #tpu.memory_space<vmem_shared>> -> memref<632x16xf32, #tpu.memory_space<vmem_shared>>
      %dma_start3A_40 = arith.constant 0 : i32
      %dma_start3A_41 = tpu.memref_slice %arg11[%mul3A_8, %dma_start3A_40] : memref<10112x16xf32, #tpu.memory_space<vmem_shared>> -> memref<632x16xf32, #tpu.memory_space<vmem_shared>>
      tpu.enqueue_dma source(%arg10 : memref<632x16xf32, #tpu.memory_space<vmem>>) target(%dma_start3A_41 : memref<632x16xf32, #tpu.memory_space<vmem_shared>>) target_semaphore(%run_scoped3A_37 : memref<!tpu.dma_semaphore, #tpu.memory_space<semaphore_mem>>)
      %dma_wait3A_42 = arith.constant 0 : i32
      %dma_wait3A_43 = tpu.memref_slice %arg11[%mul3A_8, %dma_wait3A_42] : memref<10112x16xf32, #tpu.memory_space<vmem_shared>> -> memref<632x16xf32, #tpu.memory_space<vmem_shared>>
      %dma_wait3A_44 = arith.constant 0 : i32
      %dma_wait3A_45 = tpu.memref_slice %arg11[%mul3A_8, %dma_wait3A_44] : memref<10112x16xf32, #tpu.memory_space<vmem_shared>> -> memref<632x16xf32, #tpu.memory_space<vmem_shared>>
      tpu.wait_dma2 semaphore(%run_scoped3A_37 : memref<!tpu.dma_semaphore, #tpu.memory_space<semaphore_mem>>) src(%arg10 : memref<632x16xf32, #tpu.memory_space<vmem>>) dst(%dma_wait3A_45 : memref<632x16xf32, #tpu.memory_space<vmem_shared>>)
      tpu.yield
    }) : () -> ()
    %mul3A_9 = arith.constant 632 : i32
    %mul3A_10 = arith.muli %arg1, %mul3A_9 : i32
    %mul3A_11 = arith.constant 632 : i32
    %mul3A_12 = arith.muli %arg1, %mul3A_11 : i32
    "tpu.region"() ({
      %run_scoped3A_37 = tpu.sem_alloc : memref<!tpu.dma_semaphore, #tpu.memory_space<semaphore_mem>>
      %dma_start3A_38 = arith.constant 0 : i32
      %dma_start3A_39 = tpu.memref_slice %arg12[%mul3A_12, %dma_start3A_38] : memref<10112x16xf32, #tpu.memory_space<vmem_shared>> -> memref<632x16xf32, #tpu.memory_space<vmem_shared>>
      %dma_start3A_40 = arith.constant 0 : i32
      %dma_start3A_41 = tpu.memref_slice %arg2[%mul3A_10, %dma_start3A_40] : memref<10112x16xf32, #tpu.memory_space<hbm>> -> memref<632x16xf32, #tpu.memory_space<hbm>>
      tpu.enqueue_dma source(%dma_start3A_41 : memref<632x16xf32, #tpu.memory_space<hbm>>) target(%dma_start3A_39 : memref<632x16xf32, #tpu.memory_space<vmem_shared>>) target_semaphore(%run_scoped3A_37 : memref<!tpu.dma_semaphore, #tpu.memory_space<semaphore_mem>>)
      %dma_wait3A_42 = arith.constant 0 : i32
      %dma_wait3A_43 = tpu.memref_slice %arg12[%mul3A_12, %dma_wait3A_42] : memref<10112x16xf32, #tpu.memory_space<vmem_shared>> -> memref<632x16xf32, #tpu.memory_space<vmem_shared>>
      %dma_wait3A_44 = arith.constant 0 : i32
      %dma_wait3A_45 = tpu.memref_slice %arg2[%mul3A_10, %dma_wait3A_44] : memref<10112x16xf32, #tpu.memory_space<hbm>> -> memref<632x16xf32, #tpu.memory_space<hbm>>
      tpu.wait_dma2 semaphore(%run_scoped3A_37 : memref<!tpu.dma_semaphore, #tpu.memory_space<semaphore_mem>>) src(%dma_wait3A_45 : memref<632x16xf32, #tpu.memory_space<hbm>>) dst(%dma_wait3A_43 : memref<632x16xf32, #tpu.memory_space<vmem_shared>>)
      tpu.yield
    }) : () -> ()
    "tpu.region"() ({
      %run_scoped3A_37 = tpu.sem_alloc : memref<!tpu.dma_semaphore, #tpu.memory_space<semaphore_mem>>
      %dma_start3A_38 = arith.constant 0 : i32
      %dma_start3A_39 = arith.constant 0 : i32
      %dma_start3A_40 = tpu.memref_slice %arg3[%add3A, %dma_start3A_38, %dma_start3A_39] : memref<32x157x128xi32, #tpu.memory_space<hbm>> -> memref<1x157x128xi32, #tpu.memory_space<hbm>>
      %dma_start3A_41 = tpu.memref_squeeze %dma_start3A_40 : memref<1x157x128xi32, #tpu.memory_space<hbm>> -> memref<157x128xi32, #tpu.memory_space<hbm>>
      %dma_start3A_42 = arith.constant 0 : i32
      %dma_start3A_43 = arith.constant 0 : i32
      %dma_start3A_44 = tpu.memref_slice %arg3[%add3A, %dma_start3A_42, %dma_start3A_43] : memref<32x157x128xi32, #tpu.memory_space<hbm>> -> memref<1x157x128xi32, #tpu.memory_space<hbm>>
      %dma_start3A_45 = tpu.memref_squeeze %dma_start3A_44 : memref<1x157x128xi32, #tpu.memory_space<hbm>> -> memref<157x128xi32, #tpu.memory_space<hbm>>
      tpu.enqueue_dma source(%dma_start3A_45 : memref<157x128xi32, #tpu.memory_space<hbm>>) target(%arg6 : memref<157x128xi32, #tpu.memory_space<vmem>>) target_semaphore(%run_scoped3A_37 : memref<!tpu.dma_semaphore, #tpu.memory_space<semaphore_mem>>)
      %dma_wait3A_46 = arith.constant 0 : i32
      %dma_wait3A_47 = arith.constant 0 : i32
      %dma_wait3A_48 = tpu.memref_slice %arg3[%add3A, %dma_wait3A_46, %dma_wait3A_47] : memref<32x157x128xi32, #tpu.memory_space<hbm>> -> memref<1x157x128xi32, #tpu.memory_space<hbm>>
      %dma_wait3A_49 = tpu.memref_squeeze %dma_wait3A_48 : memref<1x157x128xi32, #tpu.memory_space<hbm>> -> memref<157x128xi32, #tpu.memory_space<hbm>>
      %dma_wait3A_50 = arith.constant 0 : i32
      %dma_wait3A_51 = arith.constant 0 : i32
      %dma_wait3A_52 = tpu.memref_slice %arg3[%add3A, %dma_wait3A_50, %dma_wait3A_51] : memref<32x157x128xi32, #tpu.memory_space<hbm>> -> memref<1x157x128xi32, #tpu.memory_space<hbm>>
      %dma_wait3A_53 = tpu.memref_squeeze %dma_wait3A_52 : memref<1x157x128xi32, #tpu.memory_space<hbm>> -> memref<157x128xi32, #tpu.memory_space<hbm>>
      tpu.wait_dma2 semaphore(%run_scoped3A_37 : memref<!tpu.dma_semaphore, #tpu.memory_space<semaphore_mem>>) src(%dma_wait3A_53 : memref<157x128xi32, #tpu.memory_space<hbm>>) dst(%arg6 : memref<157x128xi32, #tpu.memory_space<vmem>>)
      tpu.yield
    }) : () -> ()
    "tpu.region"() ({
      %run_scoped3A_37 = tpu.sem_alloc : memref<!tpu.dma_semaphore, #tpu.memory_space<semaphore_mem>>
      %dma_start3A_38 = arith.constant 0 : i32
      %dma_start3A_39 = arith.constant 0 : i32
      %dma_start3A_40 = tpu.memref_slice %arg4[%add3A, %dma_start3A_38, %dma_start3A_39] : memref<32x157x128xi32, #tpu.memory_space<hbm>> -> memref<1x157x128xi32, #tpu.memory_space<hbm>>
      %dma_start3A_41 = tpu.memref_squeeze %dma_start3A_40 : memref<1x157x128xi32, #tpu.memory_space<hbm>> -> memref<157x128xi32, #tpu.memory_space<hbm>>
      %dma_start3A_42 = arith.constant 0 : i32
      %dma_start3A_43 = arith.constant 0 : i32
      %dma_start3A_44 = tpu.memref_slice %arg4[%add3A, %dma_start3A_42, %dma_start3A_43] : memref<32x157x128xi32, #tpu.memory_space<hbm>> -> memref<1x157x128xi32, #tpu.memory_space<hbm>>
      %dma_start3A_45 = tpu.memref_squeeze %dma_start3A_44 : memref<1x157x128xi32, #tpu.memory_space<hbm>> -> memref<157x128xi32, #tpu.memory_space<hbm>>
      tpu.enqueue_dma source(%dma_start3A_45 : memref<157x128xi32, #tpu.memory_space<hbm>>) target(%arg7 : memref<157x128xi32, #tpu.memory_space<vmem>>) target_semaphore(%run_scoped3A_37 : memref<!tpu.dma_semaphore, #tpu.memory_space<semaphore_mem>>)
      %dma_wait3A_46 = arith.constant 0 : i32
      %dma_wait3A_47 = arith.constant 0 : i32
      %dma_wait3A_48 = tpu.memref_slice %arg4[%add3A, %dma_wait3A_46, %dma_wait3A_47] : memref<32x157x128xi32, #tpu.memory_space<hbm>> -> memref<1x157x128xi32, #tpu.memory_space<hbm>>
      %dma_wait3A_49 = tpu.memref_squeeze %dma_wait3A_48 : memref<1x157x128xi32, #tpu.memory_space<hbm>> -> memref<157x128xi32, #tpu.memory_space<hbm>>
      %dma_wait3A_50 = arith.constant 0 : i32
      %dma_wait3A_51 = arith.constant 0 : i32
      %dma_wait3A_52 = tpu.memref_slice %arg4[%add3A, %dma_wait3A_50, %dma_wait3A_51] : memref<32x157x128xi32, #tpu.memory_space<hbm>> -> memref<1x157x128xi32, #tpu.memory_space<hbm>>
      %dma_wait3A_53 = tpu.memref_squeeze %dma_wait3A_52 : memref<1x157x128xi32, #tpu.memory_space<hbm>> -> memref<157x128xi32, #tpu.memory_space<hbm>>
      tpu.wait_dma2 semaphore(%run_scoped3A_37 : memref<!tpu.dma_semaphore, #tpu.memory_space<semaphore_mem>>) src(%dma_wait3A_53 : memref<157x128xi32, #tpu.memory_space<hbm>>) dst(%arg7 : memref<157x128xi32, #tpu.memory_space<vmem>>)
      tpu.yield
    }) : () -> ()
    %barrier3A = arith.constant 0 : index
    tpu.barrier barrier_id(%barrier3A)
    %dma_start3A = arith.constant 0 : i32
    %dma_start3A_13 = arith.constant 0 : i32
    %dma_start3A_14 = tpu.memref_slice %arg6[%dma_start3A, %dma_start3A_13] : memref<157x128xi32, #tpu.memory_space<vmem>> -> memref<1x128xi32, #tpu.memory_space<vmem>>
    %dma_start3A_15 = tpu.memref_squeeze %dma_start3A_14 : memref<1x128xi32, #tpu.memory_space<vmem>> -> memref<128xi32, #tpu.memory_space<vmem>>
    %dma_start3A_16 = arith.constant 0 : i32
    %dma_start3A_17 = arith.constant 0 : i32
    %dma_start3A_18 = tpu.memref_slice %arg12[%dma_start3A_16, %dma_start3A_17] : memref<10112x16xf32, #tpu.memory_space<vmem_shared>> -> memref<10112x16xf32, #tpu.memory_space<vmem_shared>>
    tpu.enqueue_indirect_dma source(%dma_start3A_18 : memref<10112x16xf32, #tpu.memory_space<vmem_shared>>) target(%arg8 : memref<128x16xf32, #tpu.memory_space<vmem>>) offsets(%dma_start3A_15 : memref<128xi32, #tpu.memory_space<vmem>>) semaphore(%arg13 : memref<!tpu.dma_semaphore, #tpu.memory_space<semaphore_mem>>)
    %scan3A_19 = arith.constant 0 : i32
    %scan3A_20 = arith.constant 0 : i32
    %scan3A_21 = arith.constant 78 : i32
    %scan3A_22 = arith.addi %scan3A_20, %scan3A_21 : i32
    %scan3A_23 = arith.constant 1 : i32
    %scan3A_24 = scf.for %scan3A_37 = %scan3A_20 to %scan3A_22 step %scan3A_23 iter_args(%scan3A_38 = %scan3A_19) -> (i32)  : i32 {
      %mul3A_39 = arith.constant 2 : i32
      %mul3A_40 = arith.muli %mul3A_39, %scan3A_37 : i32
      %dma_wait3A_41 = arith.constant 0 : i32
      %dma_wait3A_42 = tpu.memref_slice %arg6[%mul3A_40, %dma_wait3A_41] : memref<157x128xi32, #tpu.memory_space<vmem>> -> memref<1x128xi32, #tpu.memory_space<vmem>>
      %dma_wait3A_43 = tpu.memref_squeeze %dma_wait3A_42 : memref<1x128xi32, #tpu.memory_space<vmem>> -> memref<128xi32, #tpu.memory_space<vmem>>
      %dma_wait3A_44 = arith.constant 0 : i32
      %dma_wait3A_45 = arith.constant 0 : i32
      %dma_wait3A_46 = tpu.memref_slice %arg12[%dma_wait3A_44, %dma_wait3A_45] : memref<10112x16xf32, #tpu.memory_space<vmem_shared>> -> memref<10112x16xf32, #tpu.memory_space<vmem_shared>>
      tpu.wait_indirect_dma semaphore(%arg13 : memref<!tpu.dma_semaphore, #tpu.memory_space<semaphore_mem>>) src(%dma_wait3A_46 : memref<10112x16xf32, #tpu.memory_space<vmem_shared>>) dst(%arg8 : memref<128x16xf32, #tpu.memory_space<vmem>>)
      %add3A_47 = arith.constant 1 : i32
      %add3A_48 = arith.addi %mul3A_40, %add3A_47 : i32
      %dma_start3A_49 = arith.constant 0 : i32
      %dma_start3A_50 = tpu.memref_slice %arg6[%add3A_48, %dma_start3A_49] : memref<157x128xi32, #tpu.memory_space<vmem>> -> memref<1x128xi32, #tpu.memory_space<vmem>>
      %dma_start3A_51 = tpu.memref_squeeze %dma_start3A_50 : memref<1x128xi32, #tpu.memory_space<vmem>> -> memref<128xi32, #tpu.memory_space<vmem>>
      %dma_start3A_52 = arith.constant 0 : i32
      %dma_start3A_53 = arith.constant 0 : i32
      %dma_start3A_54 = tpu.memref_slice %arg12[%dma_start3A_52, %dma_start3A_53] : memref<10112x16xf32, #tpu.memory_space<vmem_shared>> -> memref<10112x16xf32, #tpu.memory_space<vmem_shared>>
      tpu.enqueue_indirect_dma source(%dma_start3A_54 : memref<10112x16xf32, #tpu.memory_space<vmem_shared>>) target(%arg9 : memref<128x16xf32, #tpu.memory_space<vmem>>) offsets(%dma_start3A_51 : memref<128xi32, #tpu.memory_space<vmem>>) semaphore(%arg14 : memref<!tpu.dma_semaphore, #tpu.memory_space<semaphore_mem>>)
      "tpu.region"() ({
        %run_scoped3A_74 = tpu.sem_alloc : memref<!tpu.dma_semaphore, #tpu.memory_space<semaphore_mem>>
        %dma_start3A_75 = arith.constant 0 : i32
        %dma_start3A_76 = tpu.memref_slice %arg7[%mul3A_40, %dma_start3A_75] : memref<157x128xi32, #tpu.memory_space<vmem>> -> memref<1x128xi32, #tpu.memory_space<vmem>>
        %dma_start3A_77 = tpu.memref_squeeze %dma_start3A_76 : memref<1x128xi32, #tpu.memory_space<vmem>> -> memref<128xi32, #tpu.memory_space<vmem>>
        %dma_start3A_78 = arith.constant 0 : i32
        %dma_start3A_79 = arith.constant 0 : i32
        %dma_start3A_80 = tpu.memref_slice %arg11[%dma_start3A_78, %dma_start3A_79] : memref<10112x16xf32, #tpu.memory_space<vmem_shared>> -> memref<10112x16xf32, #tpu.memory_space<vmem_shared>>
        tpu.enqueue_indirect_dma source(%arg8 : memref<128x16xf32, #tpu.memory_space<vmem>>) target(%dma_start3A_80 : memref<10112x16xf32, #tpu.memory_space<vmem_shared>>) offsets(%dma_start3A_77 : memref<128xi32, #tpu.memory_space<vmem>>) semaphore(%run_scoped3A_74 : memref<!tpu.dma_semaphore, #tpu.memory_space<semaphore_mem>>) {add = true}
        %dma_wait3A_81 = arith.constant 0 : i32
        %dma_wait3A_82 = tpu.memref_slice %arg7[%mul3A_40, %dma_wait3A_81] : memref<157x128xi32, #tpu.memory_space<vmem>> -> memref<1x128xi32, #tpu.memory_space<vmem>>
        %dma_wait3A_83 = tpu.memref_squeeze %dma_wait3A_82 : memref<1x128xi32, #tpu.memory_space<vmem>> -> memref<128xi32, #tpu.memory_space<vmem>>
        %dma_wait3A_84 = arith.constant 0 : i32
        %dma_wait3A_85 = arith.constant 0 : i32
        %dma_wait3A_86 = tpu.memref_slice %arg11[%dma_wait3A_84, %dma_wait3A_85] : memref<10112x16xf32, #tpu.memory_space<vmem_shared>> -> memref<10112x16xf32, #tpu.memory_space<vmem_shared>>
        tpu.wait_indirect_dma semaphore(%run_scoped3A_74 : memref<!tpu.dma_semaphore, #tpu.memory_space<semaphore_mem>>) src(%arg8 : memref<128x16xf32, #tpu.memory_space<vmem>>) dst(%dma_wait3A_86 : memref<10112x16xf32, #tpu.memory_space<vmem_shared>>)
        tpu.yield
      }) : () -> ()
      %add3A_55 = arith.constant 1 : i32
      %add3A_56 = arith.addi %mul3A_40, %add3A_55 : i32
      %dma_wait3A_57 = arith.constant 0 : i32
      %dma_wait3A_58 = tpu.memref_slice %arg6[%add3A_56, %dma_wait3A_57] : memref<157x128xi32, #tpu.memory_space<vmem>> -> memref<1x128xi32, #tpu.memory_space<vmem>>
      %dma_wait3A_59 = tpu.memref_squeeze %dma_wait3A_58 : memref<1x128xi32, #tpu.memory_space<vmem>> -> memref<128xi32, #tpu.memory_space<vmem>>
      %dma_wait3A_60 = arith.constant 0 : i32
      %dma_wait3A_61 = arith.constant 0 : i32
      %dma_wait3A_62 = tpu.memref_slice %arg12[%dma_wait3A_60, %dma_wait3A_61] : memref<10112x16xf32, #tpu.memory_space<vmem_shared>> -> memref<10112x16xf32, #tpu.memory_space<vmem_shared>>
      tpu.wait_indirect_dma semaphore(%arg14 : memref<!tpu.dma_semaphore, #tpu.memory_space<semaphore_mem>>) src(%dma_wait3A_62 : memref<10112x16xf32, #tpu.memory_space<vmem_shared>>) dst(%arg9 : memref<128x16xf32, #tpu.memory_space<vmem>>)
      %add3A_63 = arith.constant 2 : i32
      %add3A_64 = arith.addi %mul3A_40, %add3A_63 : i32
      %dma_start3A_65 = arith.constant 0 : i32
      %dma_start3A_66 = tpu.memref_slice %arg6[%add3A_64, %dma_start3A_65] : memref<157x128xi32, #tpu.memory_space<vmem>> -> memref<1x128xi32, #tpu.memory_space<vmem>>
      %dma_start3A_67 = tpu.memref_squeeze %dma_start3A_66 : memref<1x128xi32, #tpu.memory_space<vmem>> -> memref<128xi32, #tpu.memory_space<vmem>>
      %dma_start3A_68 = arith.constant 0 : i32
      %dma_start3A_69 = arith.constant 0 : i32
      %dma_start3A_70 = tpu.memref_slice %arg12[%dma_start3A_68, %dma_start3A_69] : memref<10112x16xf32, #tpu.memory_space<vmem_shared>> -> memref<10112x16xf32, #tpu.memory_space<vmem_shared>>
      tpu.enqueue_indirect_dma source(%dma_start3A_70 : memref<10112x16xf32, #tpu.memory_space<vmem_shared>>) target(%arg8 : memref<128x16xf32, #tpu.memory_space<vmem>>) offsets(%dma_start3A_67 : memref<128xi32, #tpu.memory_space<vmem>>) semaphore(%arg13 : memref<!tpu.dma_semaphore, #tpu.memory_space<semaphore_mem>>)
      %add3A_71 = arith.constant 1 : i32
      %add3A_72 = arith.addi %mul3A_40, %add3A_71 : i32
      "tpu.region"() ({
        %run_scoped3A_74 = tpu.sem_alloc : memref<!tpu.dma_semaphore, #tpu.memory_space<semaphore_mem>>
        %dma_start3A_75 = arith.constant 0 : i32
        %dma_start3A_76 = tpu.memref_slice %arg7[%add3A_72, %dma_start3A_75] : memref<157x128xi32, #tpu.memory_space<vmem>> -> memref<1x128xi32, #tpu.memory_space<vmem>>
        %dma_start3A_77 = tpu.memref_squeeze %dma_start3A_76 : memref<1x128xi32, #tpu.memory_space<vmem>> -> memref<128xi32, #tpu.memory_space<vmem>>
        %dma_start3A_78 = arith.constant 0 : i32
        %dma_start3A_79 = arith.constant 0 : i32
        %dma_start3A_80 = tpu.memref_slice %arg11[%dma_start3A_78, %dma_start3A_79] : memref<10112x16xf32, #tpu.memory_space<vmem_shared>> -> memref<10112x16xf32, #tpu.memory_space<vmem_shared>>
        tpu.enqueue_indirect_dma source(%arg9 : memref<128x16xf32, #tpu.memory_space<vmem>>) target(%dma_start3A_80 : memref<10112x16xf32, #tpu.memory_space<vmem_shared>>) offsets(%dma_start3A_77 : memref<128xi32, #tpu.memory_space<vmem>>) semaphore(%run_scoped3A_74 : memref<!tpu.dma_semaphore, #tpu.memory_space<semaphore_mem>>) {add = true}
        %dma_wait3A_81 = arith.constant 0 : i32
        %dma_wait3A_82 = tpu.memref_slice %arg7[%add3A_72, %dma_wait3A_81] : memref<157x128xi32, #tpu.memory_space<vmem>> -> memref<1x128xi32, #tpu.memory_space<vmem>>
        %dma_wait3A_83 = tpu.memref_squeeze %dma_wait3A_82 : memref<1x128xi32, #tpu.memory_space<vmem>> -> memref<128xi32, #tpu.memory_space<vmem>>
        %dma_wait3A_84 = arith.constant 0 : i32
        %dma_wait3A_85 = arith.constant 0 : i32
        %dma_wait3A_86 = tpu.memref_slice %arg11[%dma_wait3A_84, %dma_wait3A_85] : memref<10112x16xf32, #tpu.memory_space<vmem_shared>> -> memref<10112x16xf32, #tpu.memory_space<vmem_shared>>
        tpu.wait_indirect_dma semaphore(%run_scoped3A_74 : memref<!tpu.dma_semaphore, #tpu.memory_space<semaphore_mem>>) src(%arg9 : memref<128x16xf32, #tpu.memory_space<vmem>>) dst(%dma_wait3A_86 : memref<10112x16xf32, #tpu.memory_space<vmem_shared>>)
        tpu.yield
      }) : () -> ()
      %scan3A_73 = arith.constant 0 : i32
      scf.yield %scan3A_73 : i32
    }
    %scan3A_25 = arith.constant 78 : i32
    %dma_wait3A = arith.constant 156 : i32
    %dma_wait3A_26 = arith.constant 0 : i32
    %dma_wait3A_27 = tpu.memref_slice %arg6[%dma_wait3A, %dma_wait3A_26] : memref<157x128xi32, #tpu.memory_space<vmem>> -> memref<1x128xi32, #tpu.memory_space<vmem>>
    %dma_wait3A_28 = tpu.memref_squeeze %dma_wait3A_27 : memref<1x128xi32, #tpu.memory_space<vmem>> -> memref<128xi32, #tpu.memory_space<vmem>>
    %dma_wait3A_29 = arith.constant 0 : i32
    %dma_wait3A_30 = arith.constant 0 : i32
    %dma_wait3A_31 = tpu.memref_slice %arg12[%dma_wait3A_29, %dma_wait3A_30] : memref<10112x16xf32, #tpu.memory_space<vmem_shared>> -> memref<10112x16xf32, #tpu.memory_space<vmem_shared>>
    tpu.wait_indirect_dma semaphore(%arg13 : memref<!tpu.dma_semaphore, #tpu.memory_space<semaphore_mem>>) src(%dma_wait3A_31 : memref<10112x16xf32, #tpu.memory_space<vmem_shared>>) dst(%arg8 : memref<128x16xf32, #tpu.memory_space<vmem>>)
    %run_scoped3A = arith.constant 156 : i32
    "tpu.region"() ({
      %run_scoped3A_37 = tpu.sem_alloc : memref<!tpu.dma_semaphore, #tpu.memory_space<semaphore_mem>>
      %dma_start3A_38 = arith.constant 0 : i32
      %dma_start3A_39 = tpu.memref_slice %arg7[%run_scoped3A, %dma_start3A_38] : memref<157x128xi32, #tpu.memory_space<vmem>> -> memref<1x128xi32, #tpu.memory_space<vmem>>
      %dma_start3A_40 = tpu.memref_squeeze %dma_start3A_39 : memref<1x128xi32, #tpu.memory_space<vmem>> -> memref<128xi32, #tpu.memory_space<vmem>>
      %dma_start3A_41 = arith.constant 0 : i32
      %dma_start3A_42 = arith.constant 0 : i32
      %dma_start3A_43 = tpu.memref_slice %arg11[%dma_start3A_41, %dma_start3A_42] : memref<10112x16xf32, #tpu.memory_space<vmem_shared>> -> memref<10112x16xf32, #tpu.memory_space<vmem_shared>>
      tpu.enqueue_indirect_dma source(%arg8 : memref<128x16xf32, #tpu.memory_space<vmem>>) target(%dma_start3A_43 : memref<10112x16xf32, #tpu.memory_space<vmem_shared>>) offsets(%dma_start3A_40 : memref<128xi32, #tpu.memory_space<vmem>>) semaphore(%run_scoped3A_37 : memref<!tpu.dma_semaphore, #tpu.memory_space<semaphore_mem>>) {add = true}
      %dma_wait3A_44 = arith.constant 0 : i32
      %dma_wait3A_45 = tpu.memref_slice %arg7[%run_scoped3A, %dma_wait3A_44] : memref<157x128xi32, #tpu.memory_space<vmem>> -> memref<1x128xi32, #tpu.memory_space<vmem>>
      %dma_wait3A_46 = tpu.memref_squeeze %dma_wait3A_45 : memref<1x128xi32, #tpu.memory_space<vmem>> -> memref<128xi32, #tpu.memory_space<vmem>>
      %dma_wait3A_47 = arith.constant 0 : i32
      %dma_wait3A_48 = arith.constant 0 : i32
      %dma_wait3A_49 = tpu.memref_slice %arg11[%dma_wait3A_47, %dma_wait3A_48] : memref<10112x16xf32, #tpu.memory_space<vmem_shared>> -> memref<10112x16xf32, #tpu.memory_space<vmem_shared>>
      tpu.wait_indirect_dma semaphore(%run_scoped3A_37 : memref<!tpu.dma_semaphore, #tpu.memory_space<semaphore_mem>>) src(%arg8 : memref<128x16xf32, #tpu.memory_space<vmem>>) dst(%dma_wait3A_49 : memref<10112x16xf32, #tpu.memory_space<vmem_shared>>)
      tpu.yield
    }) : () -> ()
    %barrier3A_32 = arith.constant 0 : index
    tpu.barrier barrier_id(%barrier3A_32)
    %mul3A_33 = arith.constant 632 : i32
    %mul3A_34 = arith.muli %arg1, %mul3A_33 : i32
    %mul3A_35 = arith.constant 632 : i32
    %mul3A_36 = arith.muli %arg1, %mul3A_35 : i32
    "tpu.region"() ({
      %run_scoped3A_37 = tpu.sem_alloc : memref<!tpu.dma_semaphore, #tpu.memory_space<semaphore_mem>>
      %dma_start3A_38 = arith.constant 0 : i32
      %dma_start3A_39 = tpu.memref_slice %arg5[%arg0, %mul3A_36, %dma_start3A_38] : memref<2x10112x16xf32, #tpu.memory_space<hbm>> -> memref<1x632x16xf32, #tpu.memory_space<hbm>>
      %dma_start3A_40 = tpu.memref_squeeze %dma_start3A_39 : memref<1x632x16xf32, #tpu.memory_space<hbm>> -> memref<632x16xf32, #tpu.memory_space<hbm>>
      %dma_start3A_41 = arith.constant 0 : i32
      %dma_start3A_42 = tpu.memref_slice %arg11[%mul3A_34, %dma_start3A_41] : memref<10112x16xf32, #tpu.memory_space<vmem_shared>> -> memref<632x16xf32, #tpu.memory_space<vmem_shared>>
      tpu.enqueue_dma source(%dma_start3A_42 : memref<632x16xf32, #tpu.memory_space<vmem_shared>>) target(%dma_start3A_40 : memref<632x16xf32, #tpu.memory_space<hbm>>) target_semaphore(%run_scoped3A_37 : memref<!tpu.dma_semaphore, #tpu.memory_space<semaphore_mem>>)
      %dma_wait3A_43 = arith.constant 0 : i32
      %dma_wait3A_44 = tpu.memref_slice %arg5[%arg0, %mul3A_36, %dma_wait3A_43] : memref<2x10112x16xf32, #tpu.memory_space<hbm>> -> memref<1x632x16xf32, #tpu.memory_space<hbm>>
      %dma_wait3A_45 = tpu.memref_squeeze %dma_wait3A_44 : memref<1x632x16xf32, #tpu.memory_space<hbm>> -> memref<632x16xf32, #tpu.memory_space<hbm>>
      %dma_wait3A_46 = arith.constant 0 : i32
      %dma_wait3A_47 = tpu.memref_slice %arg11[%mul3A_34, %dma_wait3A_46] : memref<10112x16xf32, #tpu.memory_space<vmem_shared>> -> memref<632x16xf32, #tpu.memory_space<vmem_shared>>
      tpu.wait_dma2 semaphore(%run_scoped3A_37 : memref<!tpu.dma_semaphore, #tpu.memory_space<semaphore_mem>>) src(%dma_wait3A_47 : memref<632x16xf32, #tpu.memory_space<vmem_shared>>) dst(%dma_wait3A_45 : memref<632x16xf32, #tpu.memory_space<hbm>>)
      tpu.yield
    }) : () -> ()
    return
  }
}

#map = affine_map<(d0, d1) -> (0, 0, 0)>
#map1 = affine_map<(d0, d1) -> (0, 0)>
module attributes {stable_mosaic.version = 14 : i64} {
  func.func @deg_kernel(%arg0: i32, %arg1: i32, %arg2: memref<32x157x128xi32, #tpu.memory_space<hbm>>, %arg3: memref<32x10112xf32, #tpu.memory_space<hbm>>, %arg4: memref<157x128xi32, #tpu.memory_space<vmem>>, %arg5: memref<10112xf32, #tpu.memory_space<vmem>>) attributes {dimension_semantics = [#tpu.dimension_semantics<core_parallel>, #tpu.dimension_semantics<subcore_parallel>], iteration_bounds = array<i64: 2, 16>, scalar_prefetch = 0 : i64, scratch_operands = 2 : i64, tpu.core_type = #tpu.core_type<sc_vector_subcore>, window_params = [{transform_indices = #map}, {transform_indices = #map1}]} {
    %mul3A = arith.constant 16 : i32
    %mul3A_0 = arith.muli %arg0, %mul3A : i32
    %add3A = arith.addi %mul3A_0, %arg1 : i32
    %scan3A = arith.constant 0 : i32
    %scan3A_1 = arith.constant 0 : i32
    %scan3A_2 = arith.constant 632 : i32
    %scan3A_3 = arith.addi %scan3A_1, %scan3A_2 : i32
    %scan3A_4 = arith.constant 1 : i32
    %scan3A_5 = scf.for %scan3A_15 = %scan3A_1 to %scan3A_3 step %scan3A_4 iter_args(%scan3A_16 = %scan3A) -> (i32)  : i32 {
      %broadcast_in_dim3A_17 = arith.constant 0.000000e+00 : f32
      %broadcast_in_dim3A_18 = vector.broadcast %broadcast_in_dim3A_17 : f32 to vector<16xf32>
      %mul3A_19 = arith.constant 16 : i32
      %mul3A_20 = arith.muli %scan3A_15, %mul3A_19 : i32
      %swap3A = arith.index_cast %mul3A_20 : i32 to index
      %swap3A_21 = tpu.vector_load %arg5[%swap3A] {strides = array<i32>} : memref<10112xf32, #tpu.memory_space<vmem>>, vector<16xf32>,
      tpu.vector_store %arg5[%swap3A], %broadcast_in_dim3A_18 {strides = array<i32>} : memref<10112xf32, #tpu.memory_space<vmem>>, vector<16xf32>,
      %scan3A_22 = arith.constant 0 : i32
      scf.yield %scan3A_22 : i32
    }
    %scan3A_6 = arith.constant 632 : i32
    "tpu.region"() ({
      %run_scoped3A = tpu.sem_alloc : memref<!tpu.dma_semaphore, #tpu.memory_space<semaphore_mem>>
      %dma_start3A = arith.constant 0 : i32
      %dma_start3A_15 = arith.constant 0 : i32
      %dma_start3A_16 = tpu.memref_slice %arg2[%add3A, %dma_start3A, %dma_start3A_15] : memref<32x157x128xi32, #tpu.memory_space<hbm>> -> memref<1x157x128xi32, #tpu.memory_space<hbm>>
      %dma_start3A_17 = tpu.memref_squeeze %dma_start3A_16 : memref<1x157x128xi32, #tpu.memory_space<hbm>> -> memref<157x128xi32, #tpu.memory_space<hbm>>
      %dma_start3A_18 = arith.constant 0 : i32
      %dma_start3A_19 = arith.constant 0 : i32
      %dma_start3A_20 = tpu.memref_slice %arg2[%add3A, %dma_start3A_18, %dma_start3A_19] : memref<32x157x128xi32, #tpu.memory_space<hbm>> -> memref<1x157x128xi32, #tpu.memory_space<hbm>>
      %dma_start3A_21 = tpu.memref_squeeze %dma_start3A_20 : memref<1x157x128xi32, #tpu.memory_space<hbm>> -> memref<157x128xi32, #tpu.memory_space<hbm>>
      tpu.enqueue_dma source(%dma_start3A_21 : memref<157x128xi32, #tpu.memory_space<hbm>>) target(%arg4 : memref<157x128xi32, #tpu.memory_space<vmem>>) target_semaphore(%run_scoped3A : memref<!tpu.dma_semaphore, #tpu.memory_space<semaphore_mem>>)
      %dma_wait3A = arith.constant 0 : i32
      %dma_wait3A_22 = arith.constant 0 : i32
      %dma_wait3A_23 = tpu.memref_slice %arg2[%add3A, %dma_wait3A, %dma_wait3A_22] : memref<32x157x128xi32, #tpu.memory_space<hbm>> -> memref<1x157x128xi32, #tpu.memory_space<hbm>>
      %dma_wait3A_24 = tpu.memref_squeeze %dma_wait3A_23 : memref<1x157x128xi32, #tpu.memory_space<hbm>> -> memref<157x128xi32, #tpu.memory_space<hbm>>
      %dma_wait3A_25 = arith.constant 0 : i32
      %dma_wait3A_26 = arith.constant 0 : i32
      %dma_wait3A_27 = tpu.memref_slice %arg2[%add3A, %dma_wait3A_25, %dma_wait3A_26] : memref<32x157x128xi32, #tpu.memory_space<hbm>> -> memref<1x157x128xi32, #tpu.memory_space<hbm>>
      %dma_wait3A_28 = tpu.memref_squeeze %dma_wait3A_27 : memref<1x157x128xi32, #tpu.memory_space<hbm>> -> memref<157x128xi32, #tpu.memory_space<hbm>>
      tpu.wait_dma2 semaphore(%run_scoped3A : memref<!tpu.dma_semaphore, #tpu.memory_space<semaphore_mem>>) src(%dma_wait3A_28 : memref<157x128xi32, #tpu.memory_space<hbm>>) dst(%arg4 : memref<157x128xi32, #tpu.memory_space<vmem>>)
      tpu.yield
    }) : () -> ()
    %broadcast_in_dim3A = arith.constant 1.000000e+00 : f32
    %broadcast_in_dim3A_7 = vector.broadcast %broadcast_in_dim3A : f32 to vector<16xf32>
    %scan3A_8 = arith.constant 0 : i32
    %scan3A_9 = arith.constant 0 : i32
    %scan3A_10 = arith.constant 157 : i32
    %scan3A_11 = arith.addi %scan3A_9, %scan3A_10 : i32
    %scan3A_12 = arith.constant 1 : i32
    %scan3A_13 = scf.for %scan3A_15 = %scan3A_9 to %scan3A_11 step %scan3A_12 iter_args(%scan3A_16 = %scan3A_8) -> (i32)  : i32 {
      %get3A = arith.index_cast %scan3A_15 : i32 to index
      %get3A_17 = arith.constant 0 : index
      %get3A_18 = tpu.vector_load %arg4[%get3A, %get3A_17] {strides = array<i32>} : memref<157x128xi32, #tpu.memory_space<vmem>>, vector<16xi32>,
      tpu.vector_store_idx %arg5[%get3A_18], %broadcast_in_dim3A_7 {add = true} : memref<10112xf32, #tpu.memory_space<vmem>>[vector<16xi32>], vector<16xf32>,
      %get3A_19 = arith.index_cast %scan3A_15 : i32 to index
      %get3A_20 = arith.constant 16 : index
      %get3A_21 = tpu.vector_load %arg4[%get3A_19, %get3A_20] {strides = array<i32>} : memref<157x128xi32, #tpu.memory_space<vmem>>, vector<16xi32>,
      tpu.vector_store_idx %arg5[%get3A_21], %broadcast_in_dim3A_7 {add = true} : memref<10112xf32, #tpu.memory_space<vmem>>[vector<16xi32>], vector<16xf32>,
      %get3A_22 = arith.index_cast %scan3A_15 : i32 to index
      %get3A_23 = arith.constant 32 : index
      %get3A_24 = tpu.vector_load %arg4[%get3A_22, %get3A_23] {strides = array<i32>} : memref<157x128xi32, #tpu.memory_space<vmem>>, vector<16xi32>,
      tpu.vector_store_idx %arg5[%get3A_24], %broadcast_in_dim3A_7 {add = true} : memref<10112xf32, #tpu.memory_space<vmem>>[vector<16xi32>], vector<16xf32>,
      %get3A_25 = arith.index_cast %scan3A_15 : i32 to index
      %get3A_26 = arith.constant 48 : index
      %get3A_27 = tpu.vector_load %arg4[%get3A_25, %get3A_26] {strides = array<i32>} : memref<157x128xi32, #tpu.memory_space<vmem>>, vector<16xi32>,
      tpu.vector_store_idx %arg5[%get3A_27], %broadcast_in_dim3A_7 {add = true} : memref<10112xf32, #tpu.memory_space<vmem>>[vector<16xi32>], vector<16xf32>,
      %get3A_28 = arith.index_cast %scan3A_15 : i32 to index
      %get3A_29 = arith.constant 64 : index
      %get3A_30 = tpu.vector_load %arg4[%get3A_28, %get3A_29] {strides = array<i32>} : memref<157x128xi32, #tpu.memory_space<vmem>>, vector<16xi32>,
      tpu.vector_store_idx %arg5[%get3A_30], %broadcast_in_dim3A_7 {add = true} : memref<10112xf32, #tpu.memory_space<vmem>>[vector<16xi32>], vector<16xf32>,
      %get3A_31 = arith.index_cast %scan3A_15 : i32 to index
      %get3A_32 = arith.constant 80 : index
      %get3A_33 = tpu.vector_load %arg4[%get3A_31, %get3A_32] {strides = array<i32>} : memref<157x128xi32, #tpu.memory_space<vmem>>, vector<16xi32>,
      tpu.vector_store_idx %arg5[%get3A_33], %broadcast_in_dim3A_7 {add = true} : memref<10112xf32, #tpu.memory_space<vmem>>[vector<16xi32>], vector<16xf32>,
      %get3A_34 = arith.index_cast %scan3A_15 : i32 to index
      %get3A_35 = arith.constant 96 : index
      %get3A_36 = tpu.vector_load %arg4[%get3A_34, %get3A_35] {strides = array<i32>} : memref<157x128xi32, #tpu.memory_space<vmem>>, vector<16xi32>,
      tpu.vector_store_idx %arg5[%get3A_36], %broadcast_in_dim3A_7 {add = true} : memref<10112xf32, #tpu.memory_space<vmem>>[vector<16xi32>], vector<16xf32>,
      %get3A_37 = arith.index_cast %scan3A_15 : i32 to index
      %get3A_38 = arith.constant 112 : index
      %get3A_39 = tpu.vector_load %arg4[%get3A_37, %get3A_38] {strides = array<i32>} : memref<157x128xi32, #tpu.memory_space<vmem>>, vector<16xi32>,
      tpu.vector_store_idx %arg5[%get3A_39], %broadcast_in_dim3A_7 {add = true} : memref<10112xf32, #tpu.memory_space<vmem>>[vector<16xi32>], vector<16xf32>,
      %scan3A_40 = arith.constant 0 : i32
      scf.yield %scan3A_40 : i32
    }
    %scan3A_14 = arith.constant 157 : i32
    "tpu.region"() ({
      %run_scoped3A = tpu.sem_alloc : memref<!tpu.dma_semaphore, #tpu.memory_space<semaphore_mem>>
      %dma_start3A = arith.constant 0 : i32
      %dma_start3A_15 = tpu.memref_slice %arg3[%add3A, %dma_start3A] : memref<32x10112xf32, #tpu.memory_space<hbm>> -> memref<1x10112xf32, #tpu.memory_space<hbm>>
      %dma_start3A_16 = tpu.memref_squeeze %dma_start3A_15 : memref<1x10112xf32, #tpu.memory_space<hbm>> -> memref<10112xf32, #tpu.memory_space<hbm>>
      %dma_start3A_17 = arith.constant 0 : i32
      %dma_start3A_18 = tpu.memref_slice %arg3[%add3A, %dma_start3A_17] : memref<32x10112xf32, #tpu.memory_space<hbm>> -> memref<1x10112xf32, #tpu.memory_space<hbm>>
      %dma_start3A_19 = tpu.memref_squeeze %dma_start3A_18 : memref<1x10112xf32, #tpu.memory_space<hbm>> -> memref<10112xf32, #tpu.memory_space<hbm>>
      tpu.enqueue_dma source(%arg5 : memref<10112xf32, #tpu.memory_space<vmem>>) target(%dma_start3A_19 : memref<10112xf32, #tpu.memory_space<hbm>>) target_semaphore(%run_scoped3A : memref<!tpu.dma_semaphore, #tpu.memory_space<semaphore_mem>>)
      %dma_wait3A = arith.constant 0 : i32
      %dma_wait3A_20 = tpu.memref_slice %arg3[%add3A, %dma_wait3A] : memref<32x10112xf32, #tpu.memory_space<hbm>> -> memref<1x10112xf32, #tpu.memory_space<hbm>>
      %dma_wait3A_21 = tpu.memref_squeeze %dma_wait3A_20 : memref<1x10112xf32, #tpu.memory_space<hbm>> -> memref<10112xf32, #tpu.memory_space<hbm>>
      %dma_wait3A_22 = arith.constant 0 : i32
      %dma_wait3A_23 = tpu.memref_slice %arg3[%add3A, %dma_wait3A_22] : memref<32x10112xf32, #tpu.memory_space<hbm>> -> memref<1x10112xf32, #tpu.memory_space<hbm>>
      %dma_wait3A_24 = tpu.memref_squeeze %dma_wait3A_23 : memref<1x10112xf32, #tpu.memory_space<hbm>> -> memref<10112xf32, #tpu.memory_space<hbm>>
      tpu.wait_dma2 semaphore(%run_scoped3A : memref<!tpu.dma_semaphore, #tpu.memory_space<semaphore_mem>>) src(%arg5 : memref<10112xf32, #tpu.memory_space<vmem>>) dst(%dma_wait3A_24 : memref<10112xf32, #tpu.memory_space<hbm>>)
      tpu.yield
    }) : () -> ()
    return
  }
}

#map = affine_map<(d0, d1) -> (0, 0)>
#map1 = affine_map<(d0, d1) -> (0, 0, 0)>
module attributes {stable_mosaic.version = 14 : i64} {
  func.func @scatter_kernel(%arg0: i32, %arg1: i32, %arg2: memref<10112x16xf32, #tpu.memory_space<hbm>>, %arg3: memref<32x157x128xi32, #tpu.memory_space<hbm>>, %arg4: memref<32x157x128xi32, #tpu.memory_space<hbm>>, %arg5: memref<2x10112x16xf32, #tpu.memory_space<hbm>>, %arg6: memref<157x128xi32, #tpu.memory_space<vmem>>, %arg7: memref<157x128xi32, #tpu.memory_space<vmem>>, %arg8: memref<128x16xf32, #tpu.memory_space<vmem>>, %arg9: memref<128x16xf32, #tpu.memory_space<vmem>>, %arg10: memref<632x16xf32, #tpu.memory_space<vmem>>, %arg11: memref<10112x16xf32, #tpu.memory_space<vmem_shared>>, %arg12: memref<10112x16xf32, #tpu.memory_space<vmem_shared>>, %arg13: memref<!tpu.dma_semaphore, #tpu.memory_space<semaphore_mem>>, %arg14: memref<!tpu.dma_semaphore, #tpu.memory_space<semaphore_mem>>) attributes {dimension_semantics = [#tpu.dimension_semantics<core_parallel>, #tpu.dimension_semantics<subcore_parallel>], iteration_bounds = array<i64: 2, 16>, scalar_prefetch = 0 : i64, scratch_operands = 9 : i64, tpu.core_type = #tpu.core_type<sc_vector_subcore>, window_params = [{transform_indices = #map}, {transform_indices = #map1}, {transform_indices = #map1}, {transform_indices = #map1}]} {
    %mul3A = arith.constant 16 : i32
    %mul3A_0 = arith.muli %arg0, %mul3A : i32
    %add3A = arith.addi %mul3A_0, %arg1 : i32
    %scan3A = arith.constant 0 : i32
    %scan3A_1 = arith.constant 0 : i32
    %scan3A_2 = arith.constant 632 : i32
    %scan3A_3 = arith.addi %scan3A_1, %scan3A_2 : i32
    %scan3A_4 = arith.constant 1 : i32
    %scan3A_5 = scf.for %scan3A_37 = %scan3A_1 to %scan3A_3 step %scan3A_4 iter_args(%scan3A_38 = %scan3A) -> (i32)  : i32 {
      %broadcast_in_dim3A = arith.constant 0.000000e+00 : f32
      %broadcast_in_dim3A_39 = vector.broadcast %broadcast_in_dim3A : f32 to vector<16xf32>
      %swap3A = arith.index_cast %scan3A_37 : i32 to index
      %swap3A_40 = arith.constant 0 : index
      %swap3A_41 = tpu.vector_load %arg10[%swap3A, %swap3A_40] {strides = array<i32>} : memref<632x16xf32, #tpu.memory_space<vmem>>, vector<1x16xf32>,
      %swap3A_42 = vector.shape_cast %swap3A_41 : vector<1x16xf32> to vector<16xf32>
      %swap3A_43 = vector.shape_cast %broadcast_in_dim3A_39 : vector<16xf32> to vector<1x16xf32>
      tpu.vector_store %arg10[%swap3A, %swap3A_40], %swap3A_43 {strides = array<i32>} : memref<632x16xf32, #tpu.memory_space<vmem>>, vector<1x16xf32>,
      %scan3A_44 = arith.constant 0 : i32
      scf.yield %scan3A_44 : i32
    }
    %scan3A_6 = arith.constant 632 : i32
    %mul3A_7 = arith.constant 632 : i32
    %mul3A_8 = arith.muli %arg1, %mul3A_7 : i32
    "tpu.region"() ({
      %run_scoped3A_37 = tpu.sem_alloc : memref<!tpu.dma_semaphore, #tpu.memory_space<semaphore_mem>>
      %dma_start3A_38 = arith.constant 0 : i32
      %dma_start3A_39 = tpu.memref_slice %arg11[%mul3A_8, %dma_start3A_38] : memref<10112x16xf32, #tpu.memory_space<vmem_shared>> -> memref<632x16xf32, #tpu.memory_space<vmem_shared>>
      %dma_start3A_40 = arith.constant 0 : i32
      %dma_start3A_41 = tpu.memref_slice %arg11[%mul3A_8, %dma_start3A_40] : memref<10112x16xf32, #tpu.memory_space<vmem_shared>> -> memref<632x16xf32, #tpu.memory_space<vmem_shared>>
      tpu.enqueue_dma source(%arg10 : memref<632x16xf32, #tpu.memory_space<vmem>>) target(%dma_start3A_41 : memref<632x16xf32, #tpu.memory_space<vmem_shared>>) target_semaphore(%run_scoped3A_37 : memref<!tpu.dma_semaphore, #tpu.memory_space<semaphore_mem>>)
      %dma_wait3A_42 = arith.constant 0 : i32
      %dma_wait3A_43 = tpu.memref_slice %arg11[%mul3A_8, %dma_wait3A_42] : memref<10112x16xf32, #tpu.memory_space<vmem_shared>> -> memref<632x16xf32, #tpu.memory_space<vmem_shared>>
      %dma_wait3A_44 = arith.constant 0 : i32
      %dma_wait3A_45 = tpu.memref_slice %arg11[%mul3A_8, %dma_wait3A_44] : memref<10112x16xf32, #tpu.memory_space<vmem_shared>> -> memref<632x16xf32, #tpu.memory_space<vmem_shared>>
      tpu.wait_dma2 semaphore(%run_scoped3A_37 : memref<!tpu.dma_semaphore, #tpu.memory_space<semaphore_mem>>) src(%arg10 : memref<632x16xf32, #tpu.memory_space<vmem>>) dst(%dma_wait3A_45 : memref<632x16xf32, #tpu.memory_space<vmem_shared>>)
      tpu.yield
    }) : () -> ()
    %mul3A_9 = arith.constant 632 : i32
    %mul3A_10 = arith.muli %arg1, %mul3A_9 : i32
    %mul3A_11 = arith.constant 632 : i32
    %mul3A_12 = arith.muli %arg1, %mul3A_11 : i32
    "tpu.region"() ({
      %run_scoped3A_37 = tpu.sem_alloc : memref<!tpu.dma_semaphore, #tpu.memory_space<semaphore_mem>>
      %dma_start3A_38 = arith.constant 0 : i32
      %dma_start3A_39 = tpu.memref_slice %arg12[%mul3A_12, %dma_start3A_38] : memref<10112x16xf32, #tpu.memory_space<vmem_shared>> -> memref<632x16xf32, #tpu.memory_space<vmem_shared>>
      %dma_start3A_40 = arith.constant 0 : i32
      %dma_start3A_41 = tpu.memref_slice %arg2[%mul3A_10, %dma_start3A_40] : memref<10112x16xf32, #tpu.memory_space<hbm>> -> memref<632x16xf32, #tpu.memory_space<hbm>>
      tpu.enqueue_dma source(%dma_start3A_41 : memref<632x16xf32, #tpu.memory_space<hbm>>) target(%dma_start3A_39 : memref<632x16xf32, #tpu.memory_space<vmem_shared>>) target_semaphore(%run_scoped3A_37 : memref<!tpu.dma_semaphore, #tpu.memory_space<semaphore_mem>>)
      %dma_wait3A_42 = arith.constant 0 : i32
      %dma_wait3A_43 = tpu.memref_slice %arg12[%mul3A_12, %dma_wait3A_42] : memref<10112x16xf32, #tpu.memory_space<vmem_shared>> -> memref<632x16xf32, #tpu.memory_space<vmem_shared>>
      %dma_wait3A_44 = arith.constant 0 : i32
      %dma_wait3A_45 = tpu.memref_slice %arg2[%mul3A_10, %dma_wait3A_44] : memref<10112x16xf32, #tpu.memory_space<hbm>> -> memref<632x16xf32, #tpu.memory_space<hbm>>
      tpu.wait_dma2 semaphore(%run_scoped3A_37 : memref<!tpu.dma_semaphore, #tpu.memory_space<semaphore_mem>>) src(%dma_wait3A_45 : memref<632x16xf32, #tpu.memory_space<hbm>>) dst(%dma_wait3A_43 : memref<632x16xf32, #tpu.memory_space<vmem_shared>>)
      tpu.yield
    }) : () -> ()
    "tpu.region"() ({
      %run_scoped3A_37 = tpu.sem_alloc : memref<!tpu.dma_semaphore, #tpu.memory_space<semaphore_mem>>
      %dma_start3A_38 = arith.constant 0 : i32
      %dma_start3A_39 = arith.constant 0 : i32
      %dma_start3A_40 = tpu.memref_slice %arg3[%add3A, %dma_start3A_38, %dma_start3A_39] : memref<32x157x128xi32, #tpu.memory_space<hbm>> -> memref<1x157x128xi32, #tpu.memory_space<hbm>>
      %dma_start3A_41 = tpu.memref_squeeze %dma_start3A_40 : memref<1x157x128xi32, #tpu.memory_space<hbm>> -> memref<157x128xi32, #tpu.memory_space<hbm>>
      %dma_start3A_42 = arith.constant 0 : i32
      %dma_start3A_43 = arith.constant 0 : i32
      %dma_start3A_44 = tpu.memref_slice %arg3[%add3A, %dma_start3A_42, %dma_start3A_43] : memref<32x157x128xi32, #tpu.memory_space<hbm>> -> memref<1x157x128xi32, #tpu.memory_space<hbm>>
      %dma_start3A_45 = tpu.memref_squeeze %dma_start3A_44 : memref<1x157x128xi32, #tpu.memory_space<hbm>> -> memref<157x128xi32, #tpu.memory_space<hbm>>
      tpu.enqueue_dma source(%dma_start3A_45 : memref<157x128xi32, #tpu.memory_space<hbm>>) target(%arg6 : memref<157x128xi32, #tpu.memory_space<vmem>>) target_semaphore(%run_scoped3A_37 : memref<!tpu.dma_semaphore, #tpu.memory_space<semaphore_mem>>)
      %dma_wait3A_46 = arith.constant 0 : i32
      %dma_wait3A_47 = arith.constant 0 : i32
      %dma_wait3A_48 = tpu.memref_slice %arg3[%add3A, %dma_wait3A_46, %dma_wait3A_47] : memref<32x157x128xi32, #tpu.memory_space<hbm>> -> memref<1x157x128xi32, #tpu.memory_space<hbm>>
      %dma_wait3A_49 = tpu.memref_squeeze %dma_wait3A_48 : memref<1x157x128xi32, #tpu.memory_space<hbm>> -> memref<157x128xi32, #tpu.memory_space<hbm>>
      %dma_wait3A_50 = arith.constant 0 : i32
      %dma_wait3A_51 = arith.constant 0 : i32
      %dma_wait3A_52 = tpu.memref_slice %arg3[%add3A, %dma_wait3A_50, %dma_wait3A_51] : memref<32x157x128xi32, #tpu.memory_space<hbm>> -> memref<1x157x128xi32, #tpu.memory_space<hbm>>
      %dma_wait3A_53 = tpu.memref_squeeze %dma_wait3A_52 : memref<1x157x128xi32, #tpu.memory_space<hbm>> -> memref<157x128xi32, #tpu.memory_space<hbm>>
      tpu.wait_dma2 semaphore(%run_scoped3A_37 : memref<!tpu.dma_semaphore, #tpu.memory_space<semaphore_mem>>) src(%dma_wait3A_53 : memref<157x128xi32, #tpu.memory_space<hbm>>) dst(%arg6 : memref<157x128xi32, #tpu.memory_space<vmem>>)
      tpu.yield
    }) : () -> ()
    "tpu.region"() ({
      %run_scoped3A_37 = tpu.sem_alloc : memref<!tpu.dma_semaphore, #tpu.memory_space<semaphore_mem>>
      %dma_start3A_38 = arith.constant 0 : i32
      %dma_start3A_39 = arith.constant 0 : i32
      %dma_start3A_40 = tpu.memref_slice %arg4[%add3A, %dma_start3A_38, %dma_start3A_39] : memref<32x157x128xi32, #tpu.memory_space<hbm>> -> memref<1x157x128xi32, #tpu.memory_space<hbm>>
      %dma_start3A_41 = tpu.memref_squeeze %dma_start3A_40 : memref<1x157x128xi32, #tpu.memory_space<hbm>> -> memref<157x128xi32, #tpu.memory_space<hbm>>
      %dma_start3A_42 = arith.constant 0 : i32
      %dma_start3A_43 = arith.constant 0 : i32
      %dma_start3A_44 = tpu.memref_slice %arg4[%add3A, %dma_start3A_42, %dma_start3A_43] : memref<32x157x128xi32, #tpu.memory_space<hbm>> -> memref<1x157x128xi32, #tpu.memory_space<hbm>>
      %dma_start3A_45 = tpu.memref_squeeze %dma_start3A_44 : memref<1x157x128xi32, #tpu.memory_space<hbm>> -> memref<157x128xi32, #tpu.memory_space<hbm>>
      tpu.enqueue_dma source(%dma_start3A_45 : memref<157x128xi32, #tpu.memory_space<hbm>>) target(%arg7 : memref<157x128xi32, #tpu.memory_space<vmem>>) target_semaphore(%run_scoped3A_37 : memref<!tpu.dma_semaphore, #tpu.memory_space<semaphore_mem>>)
      %dma_wait3A_46 = arith.constant 0 : i32
      %dma_wait3A_47 = arith.constant 0 : i32
      %dma_wait3A_48 = tpu.memref_slice %arg4[%add3A, %dma_wait3A_46, %dma_wait3A_47] : memref<32x157x128xi32, #tpu.memory_space<hbm>> -> memref<1x157x128xi32, #tpu.memory_space<hbm>>
      %dma_wait3A_49 = tpu.memref_squeeze %dma_wait3A_48 : memref<1x157x128xi32, #tpu.memory_space<hbm>> -> memref<157x128xi32, #tpu.memory_space<hbm>>
      %dma_wait3A_50 = arith.constant 0 : i32
      %dma_wait3A_51 = arith.constant 0 : i32
      %dma_wait3A_52 = tpu.memref_slice %arg4[%add3A, %dma_wait3A_50, %dma_wait3A_51] : memref<32x157x128xi32, #tpu.memory_space<hbm>> -> memref<1x157x128xi32, #tpu.memory_space<hbm>>
      %dma_wait3A_53 = tpu.memref_squeeze %dma_wait3A_52 : memref<1x157x128xi32, #tpu.memory_space<hbm>> -> memref<157x128xi32, #tpu.memory_space<hbm>>
      tpu.wait_dma2 semaphore(%run_scoped3A_37 : memref<!tpu.dma_semaphore, #tpu.memory_space<semaphore_mem>>) src(%dma_wait3A_53 : memref<157x128xi32, #tpu.memory_space<hbm>>) dst(%arg7 : memref<157x128xi32, #tpu.memory_space<vmem>>)
      tpu.yield
    }) : () -> ()
    %barrier3A = arith.constant 0 : index
    tpu.barrier barrier_id(%barrier3A)
    %dma_start3A = arith.constant 0 : i32
    %dma_start3A_13 = arith.constant 0 : i32
    %dma_start3A_14 = tpu.memref_slice %arg6[%dma_start3A, %dma_start3A_13] : memref<157x128xi32, #tpu.memory_space<vmem>> -> memref<1x128xi32, #tpu.memory_space<vmem>>
    %dma_start3A_15 = tpu.memref_squeeze %dma_start3A_14 : memref<1x128xi32, #tpu.memory_space<vmem>> -> memref<128xi32, #tpu.memory_space<vmem>>
    %dma_start3A_16 = arith.constant 0 : i32
    %dma_start3A_17 = arith.constant 0 : i32
    %dma_start3A_18 = tpu.memref_slice %arg12[%dma_start3A_16, %dma_start3A_17] : memref<10112x16xf32, #tpu.memory_space<vmem_shared>> -> memref<10112x16xf32, #tpu.memory_space<vmem_shared>>
    tpu.enqueue_indirect_dma source(%dma_start3A_18 : memref<10112x16xf32, #tpu.memory_space<vmem_shared>>) target(%arg8 : memref<128x16xf32, #tpu.memory_space<vmem>>) offsets(%dma_start3A_15 : memref<128xi32, #tpu.memory_space<vmem>>) semaphore(%arg13 : memref<!tpu.dma_semaphore, #tpu.memory_space<semaphore_mem>>)
    %scan3A_19 = arith.constant 0 : i32
    %scan3A_20 = arith.constant 0 : i32
    %scan3A_21 = arith.constant 78 : i32
    %scan3A_22 = arith.addi %scan3A_20, %scan3A_21 : i32
    %scan3A_23 = arith.constant 1 : i32
    %scan3A_24 = scf.for %scan3A_37 = %scan3A_20 to %scan3A_22 step %scan3A_23 iter_args(%scan3A_38 = %scan3A_19) -> (i32)  : i32 {
      %mul3A_39 = arith.constant 2 : i32
      %mul3A_40 = arith.muli %mul3A_39, %scan3A_37 : i32
      %dma_wait3A_41 = arith.constant 0 : i32
      %dma_wait3A_42 = tpu.memref_slice %arg6[%mul3A_40, %dma_wait3A_41] : memref<157x128xi32, #tpu.memory_space<vmem>> -> memref<1x128xi32, #tpu.memory_space<vmem>>
      %dma_wait3A_43 = tpu.memref_squeeze %dma_wait3A_42 : memref<1x128xi32, #tpu.memory_space<vmem>> -> memref<128xi32, #tpu.memory_space<vmem>>
      %dma_wait3A_44 = arith.constant 0 : i32
      %dma_wait3A_45 = arith.constant 0 : i32
      %dma_wait3A_46 = tpu.memref_slice %arg12[%dma_wait3A_44, %dma_wait3A_45] : memref<10112x16xf32, #tpu.memory_space<vmem_shared>> -> memref<10112x16xf32, #tpu.memory_space<vmem_shared>>
      tpu.wait_indirect_dma semaphore(%arg13 : memref<!tpu.dma_semaphore, #tpu.memory_space<semaphore_mem>>) src(%dma_wait3A_46 : memref<10112x16xf32, #tpu.memory_space<vmem_shared>>) dst(%arg8 : memref<128x16xf32, #tpu.memory_space<vmem>>)
      %add3A_47 = arith.constant 1 : i32
      %add3A_48 = arith.addi %mul3A_40, %add3A_47 : i32
      %dma_start3A_49 = arith.constant 0 : i32
      %dma_start3A_50 = tpu.memref_slice %arg6[%add3A_48, %dma_start3A_49] : memref<157x128xi32, #tpu.memory_space<vmem>> -> memref<1x128xi32, #tpu.memory_space<vmem>>
      %dma_start3A_51 = tpu.memref_squeeze %dma_start3A_50 : memref<1x128xi32, #tpu.memory_space<vmem>> -> memref<128xi32, #tpu.memory_space<vmem>>
      %dma_start3A_52 = arith.constant 0 : i32
      %dma_start3A_53 = arith.constant 0 : i32
      %dma_start3A_54 = tpu.memref_slice %arg12[%dma_start3A_52, %dma_start3A_53] : memref<10112x16xf32, #tpu.memory_space<vmem_shared>> -> memref<10112x16xf32, #tpu.memory_space<vmem_shared>>
      tpu.enqueue_indirect_dma source(%dma_start3A_54 : memref<10112x16xf32, #tpu.memory_space<vmem_shared>>) target(%arg9 : memref<128x16xf32, #tpu.memory_space<vmem>>) offsets(%dma_start3A_51 : memref<128xi32, #tpu.memory_space<vmem>>) semaphore(%arg14 : memref<!tpu.dma_semaphore, #tpu.memory_space<semaphore_mem>>)
      "tpu.region"() ({
        %run_scoped3A_74 = tpu.sem_alloc : memref<!tpu.dma_semaphore, #tpu.memory_space<semaphore_mem>>
        %dma_start3A_75 = arith.constant 0 : i32
        %dma_start3A_76 = tpu.memref_slice %arg7[%mul3A_40, %dma_start3A_75] : memref<157x128xi32, #tpu.memory_space<vmem>> -> memref<1x128xi32, #tpu.memory_space<vmem>>
        %dma_start3A_77 = tpu.memref_squeeze %dma_start3A_76 : memref<1x128xi32, #tpu.memory_space<vmem>> -> memref<128xi32, #tpu.memory_space<vmem>>
        %dma_start3A_78 = arith.constant 0 : i32
        %dma_start3A_79 = arith.constant 0 : i32
        %dma_start3A_80 = tpu.memref_slice %arg11[%dma_start3A_78, %dma_start3A_79] : memref<10112x16xf32, #tpu.memory_space<vmem_shared>> -> memref<10112x16xf32, #tpu.memory_space<vmem_shared>>
        tpu.enqueue_indirect_dma source(%arg8 : memref<128x16xf32, #tpu.memory_space<vmem>>) target(%dma_start3A_80 : memref<10112x16xf32, #tpu.memory_space<vmem_shared>>) offsets(%dma_start3A_77 : memref<128xi32, #tpu.memory_space<vmem>>) semaphore(%run_scoped3A_74 : memref<!tpu.dma_semaphore, #tpu.memory_space<semaphore_mem>>) {add = true}
        %dma_wait3A_81 = arith.constant 0 : i32
        %dma_wait3A_82 = tpu.memref_slice %arg7[%mul3A_40, %dma_wait3A_81] : memref<157x128xi32, #tpu.memory_space<vmem>> -> memref<1x128xi32, #tpu.memory_space<vmem>>
        %dma_wait3A_83 = tpu.memref_squeeze %dma_wait3A_82 : memref<1x128xi32, #tpu.memory_space<vmem>> -> memref<128xi32, #tpu.memory_space<vmem>>
        %dma_wait3A_84 = arith.constant 0 : i32
        %dma_wait3A_85 = arith.constant 0 : i32
        %dma_wait3A_86 = tpu.memref_slice %arg11[%dma_wait3A_84, %dma_wait3A_85] : memref<10112x16xf32, #tpu.memory_space<vmem_shared>> -> memref<10112x16xf32, #tpu.memory_space<vmem_shared>>
        tpu.wait_indirect_dma semaphore(%run_scoped3A_74 : memref<!tpu.dma_semaphore, #tpu.memory_space<semaphore_mem>>) src(%arg8 : memref<128x16xf32, #tpu.memory_space<vmem>>) dst(%dma_wait3A_86 : memref<10112x16xf32, #tpu.memory_space<vmem_shared>>)
        tpu.yield
      }) : () -> ()
      %add3A_55 = arith.constant 1 : i32
      %add3A_56 = arith.addi %mul3A_40, %add3A_55 : i32
      %dma_wait3A_57 = arith.constant 0 : i32
      %dma_wait3A_58 = tpu.memref_slice %arg6[%add3A_56, %dma_wait3A_57] : memref<157x128xi32, #tpu.memory_space<vmem>> -> memref<1x128xi32, #tpu.memory_space<vmem>>
      %dma_wait3A_59 = tpu.memref_squeeze %dma_wait3A_58 : memref<1x128xi32, #tpu.memory_space<vmem>> -> memref<128xi32, #tpu.memory_space<vmem>>
      %dma_wait3A_60 = arith.constant 0 : i32
      %dma_wait3A_61 = arith.constant 0 : i32
      %dma_wait3A_62 = tpu.memref_slice %arg12[%dma_wait3A_60, %dma_wait3A_61] : memref<10112x16xf32, #tpu.memory_space<vmem_shared>> -> memref<10112x16xf32, #tpu.memory_space<vmem_shared>>
      tpu.wait_indirect_dma semaphore(%arg14 : memref<!tpu.dma_semaphore, #tpu.memory_space<semaphore_mem>>) src(%dma_wait3A_62 : memref<10112x16xf32, #tpu.memory_space<vmem_shared>>) dst(%arg9 : memref<128x16xf32, #tpu.memory_space<vmem>>)
      %add3A_63 = arith.constant 2 : i32
      %add3A_64 = arith.addi %mul3A_40, %add3A_63 : i32
      %dma_start3A_65 = arith.constant 0 : i32
      %dma_start3A_66 = tpu.memref_slice %arg6[%add3A_64, %dma_start3A_65] : memref<157x128xi32, #tpu.memory_space<vmem>> -> memref<1x128xi32, #tpu.memory_space<vmem>>
      %dma_start3A_67 = tpu.memref_squeeze %dma_start3A_66 : memref<1x128xi32, #tpu.memory_space<vmem>> -> memref<128xi32, #tpu.memory_space<vmem>>
      %dma_start3A_68 = arith.constant 0 : i32
      %dma_start3A_69 = arith.constant 0 : i32
      %dma_start3A_70 = tpu.memref_slice %arg12[%dma_start3A_68, %dma_start3A_69] : memref<10112x16xf32, #tpu.memory_space<vmem_shared>> -> memref<10112x16xf32, #tpu.memory_space<vmem_shared>>
      tpu.enqueue_indirect_dma source(%dma_start3A_70 : memref<10112x16xf32, #tpu.memory_space<vmem_shared>>) target(%arg8 : memref<128x16xf32, #tpu.memory_space<vmem>>) offsets(%dma_start3A_67 : memref<128xi32, #tpu.memory_space<vmem>>) semaphore(%arg13 : memref<!tpu.dma_semaphore, #tpu.memory_space<semaphore_mem>>)
      %add3A_71 = arith.constant 1 : i32
      %add3A_72 = arith.addi %mul3A_40, %add3A_71 : i32
      "tpu.region"() ({
        %run_scoped3A_74 = tpu.sem_alloc : memref<!tpu.dma_semaphore, #tpu.memory_space<semaphore_mem>>
        %dma_start3A_75 = arith.constant 0 : i32
        %dma_start3A_76 = tpu.memref_slice %arg7[%add3A_72, %dma_start3A_75] : memref<157x128xi32, #tpu.memory_space<vmem>> -> memref<1x128xi32, #tpu.memory_space<vmem>>
        %dma_start3A_77 = tpu.memref_squeeze %dma_start3A_76 : memref<1x128xi32, #tpu.memory_space<vmem>> -> memref<128xi32, #tpu.memory_space<vmem>>
        %dma_start3A_78 = arith.constant 0 : i32
        %dma_start3A_79 = arith.constant 0 : i32
        %dma_start3A_80 = tpu.memref_slice %arg11[%dma_start3A_78, %dma_start3A_79] : memref<10112x16xf32, #tpu.memory_space<vmem_shared>> -> memref<10112x16xf32, #tpu.memory_space<vmem_shared>>
        tpu.enqueue_indirect_dma source(%arg9 : memref<128x16xf32, #tpu.memory_space<vmem>>) target(%dma_start3A_80 : memref<10112x16xf32, #tpu.memory_space<vmem_shared>>) offsets(%dma_start3A_77 : memref<128xi32, #tpu.memory_space<vmem>>) semaphore(%run_scoped3A_74 : memref<!tpu.dma_semaphore, #tpu.memory_space<semaphore_mem>>) {add = true}
        %dma_wait3A_81 = arith.constant 0 : i32
        %dma_wait3A_82 = tpu.memref_slice %arg7[%add3A_72, %dma_wait3A_81] : memref<157x128xi32, #tpu.memory_space<vmem>> -> memref<1x128xi32, #tpu.memory_space<vmem>>
        %dma_wait3A_83 = tpu.memref_squeeze %dma_wait3A_82 : memref<1x128xi32, #tpu.memory_space<vmem>> -> memref<128xi32, #tpu.memory_space<vmem>>
        %dma_wait3A_84 = arith.constant 0 : i32
        %dma_wait3A_85 = arith.constant 0 : i32
        %dma_wait3A_86 = tpu.memref_slice %arg11[%dma_wait3A_84, %dma_wait3A_85] : memref<10112x16xf32, #tpu.memory_space<vmem_shared>> -> memref<10112x16xf32, #tpu.memory_space<vmem_shared>>
        tpu.wait_indirect_dma semaphore(%run_scoped3A_74 : memref<!tpu.dma_semaphore, #tpu.memory_space<semaphore_mem>>) src(%arg9 : memref<128x16xf32, #tpu.memory_space<vmem>>) dst(%dma_wait3A_86 : memref<10112x16xf32, #tpu.memory_space<vmem_shared>>)
        tpu.yield
      }) : () -> ()
      %scan3A_73 = arith.constant 0 : i32
      scf.yield %scan3A_73 : i32
    }
    %scan3A_25 = arith.constant 78 : i32
    %dma_wait3A = arith.constant 156 : i32
    %dma_wait3A_26 = arith.constant 0 : i32
    %dma_wait3A_27 = tpu.memref_slice %arg6[%dma_wait3A, %dma_wait3A_26] : memref<157x128xi32, #tpu.memory_space<vmem>> -> memref<1x128xi32, #tpu.memory_space<vmem>>
    %dma_wait3A_28 = tpu.memref_squeeze %dma_wait3A_27 : memref<1x128xi32, #tpu.memory_space<vmem>> -> memref<128xi32, #tpu.memory_space<vmem>>
    %dma_wait3A_29 = arith.constant 0 : i32
    %dma_wait3A_30 = arith.constant 0 : i32
    %dma_wait3A_31 = tpu.memref_slice %arg12[%dma_wait3A_29, %dma_wait3A_30] : memref<10112x16xf32, #tpu.memory_space<vmem_shared>> -> memref<10112x16xf32, #tpu.memory_space<vmem_shared>>
    tpu.wait_indirect_dma semaphore(%arg13 : memref<!tpu.dma_semaphore, #tpu.memory_space<semaphore_mem>>) src(%dma_wait3A_31 : memref<10112x16xf32, #tpu.memory_space<vmem_shared>>) dst(%arg8 : memref<128x16xf32, #tpu.memory_space<vmem>>)
    %run_scoped3A = arith.constant 156 : i32
    "tpu.region"() ({
      %run_scoped3A_37 = tpu.sem_alloc : memref<!tpu.dma_semaphore, #tpu.memory_space<semaphore_mem>>
      %dma_start3A_38 = arith.constant 0 : i32
      %dma_start3A_39 = tpu.memref_slice %arg7[%run_scoped3A, %dma_start3A_38] : memref<157x128xi32, #tpu.memory_space<vmem>> -> memref<1x128xi32, #tpu.memory_space<vmem>>
      %dma_start3A_40 = tpu.memref_squeeze %dma_start3A_39 : memref<1x128xi32, #tpu.memory_space<vmem>> -> memref<128xi32, #tpu.memory_space<vmem>>
      %dma_start3A_41 = arith.constant 0 : i32
      %dma_start3A_42 = arith.constant 0 : i32
      %dma_start3A_43 = tpu.memref_slice %arg11[%dma_start3A_41, %dma_start3A_42] : memref<10112x16xf32, #tpu.memory_space<vmem_shared>> -> memref<10112x16xf32, #tpu.memory_space<vmem_shared>>
      tpu.enqueue_indirect_dma source(%arg8 : memref<128x16xf32, #tpu.memory_space<vmem>>) target(%dma_start3A_43 : memref<10112x16xf32, #tpu.memory_space<vmem_shared>>) offsets(%dma_start3A_40 : memref<128xi32, #tpu.memory_space<vmem>>) semaphore(%run_scoped3A_37 : memref<!tpu.dma_semaphore, #tpu.memory_space<semaphore_mem>>) {add = true}
      %dma_wait3A_44 = arith.constant 0 : i32
      %dma_wait3A_45 = tpu.memref_slice %arg7[%run_scoped3A, %dma_wait3A_44] : memref<157x128xi32, #tpu.memory_space<vmem>> -> memref<1x128xi32, #tpu.memory_space<vmem>>
      %dma_wait3A_46 = tpu.memref_squeeze %dma_wait3A_45 : memref<1x128xi32, #tpu.memory_space<vmem>> -> memref<128xi32, #tpu.memory_space<vmem>>
      %dma_wait3A_47 = arith.constant 0 : i32
      %dma_wait3A_48 = arith.constant 0 : i32
      %dma_wait3A_49 = tpu.memref_slice %arg11[%dma_wait3A_47, %dma_wait3A_48] : memref<10112x16xf32, #tpu.memory_space<vmem_shared>> -> memref<10112x16xf32, #tpu.memory_space<vmem_shared>>
      tpu.wait_indirect_dma semaphore(%run_scoped3A_37 : memref<!tpu.dma_semaphore, #tpu.memory_space<semaphore_mem>>) src(%arg8 : memref<128x16xf32, #tpu.memory_space<vmem>>) dst(%dma_wait3A_49 : memref<10112x16xf32, #tpu.memory_space<vmem_shared>>)
      tpu.yield
    }) : () -> ()
    %barrier3A_32 = arith.constant 0 : index
    tpu.barrier barrier_id(%barrier3A_32)
    %mul3A_33 = arith.constant 632 : i32
    %mul3A_34 = arith.muli %arg1, %mul3A_33 : i32
    %mul3A_35 = arith.constant 632 : i32
    %mul3A_36 = arith.muli %arg1, %mul3A_35 : i32
    "tpu.region"() ({
      %run_scoped3A_37 = tpu.sem_alloc : memref<!tpu.dma_semaphore, #tpu.memory_space<semaphore_mem>>
      %dma_start3A_38 = arith.constant 0 : i32
      %dma_start3A_39 = tpu.memref_slice %arg5[%arg0, %mul3A_36, %dma_start3A_38] : memref<2x10112x16xf32, #tpu.memory_space<hbm>> -> memref<1x632x16xf32, #tpu.memory_space<hbm>>
      %dma_start3A_40 = tpu.memref_squeeze %dma_start3A_39 : memref<1x632x16xf32, #tpu.memory_space<hbm>> -> memref<632x16xf32, #tpu.memory_space<hbm>>
      %dma_start3A_41 = arith.constant 0 : i32
      %dma_start3A_42 = tpu.memref_slice %arg11[%mul3A_34, %dma_start3A_41] : memref<10112x16xf32, #tpu.memory_space<vmem_shared>> -> memref<632x16xf32, #tpu.memory_space<vmem_shared>>
      tpu.enqueue_dma source(%dma_start3A_42 : memref<632x16xf32, #tpu.memory_space<vmem_shared>>) target(%dma_start3A_40 : memref<632x16xf32, #tpu.memory_space<hbm>>) target_semaphore(%run_scoped3A_37 : memref<!tpu.dma_semaphore, #tpu.memory_space<semaphore_mem>>)
      %dma_wait3A_43 = arith.constant 0 : i32
      %dma_wait3A_44 = tpu.memref_slice %arg5[%arg0, %mul3A_36, %dma_wait3A_43] : memref<2x10112x16xf32, #tpu.memory_space<hbm>> -> memref<1x632x16xf32, #tpu.memory_space<hbm>>
      %dma_wait3A_45 = tpu.memref_squeeze %dma_wait3A_44 : memref<1x632x16xf32, #tpu.memory_space<hbm>> -> memref<632x16xf32, #tpu.memory_space<hbm>>
      %dma_wait3A_46 = arith.constant 0 : i32
      %dma_wait3A_47 = tpu.memref_slice %arg11[%mul3A_34, %dma_wait3A_46] : memref<10112x16xf32, #tpu.memory_space<vmem_shared>> -> memref<632x16xf32, #tpu.memory_space<vmem_shared>>
      tpu.wait_dma2 semaphore(%run_scoped3A_37 : memref<!tpu.dma_semaphore, #tpu.memory_space<semaphore_mem>>) src(%dma_wait3A_47 : memref<632x16xf32, #tpu.memory_space<vmem_shared>>) dst(%dma_wait3A_45 : memref<632x16xf32, #tpu.memory_space<hbm>>)
      tpu.yield
    }) : () -> ()
    return
  }
}

#map = affine_map<(d0, d1) -> (0, 0)>
#map1 = affine_map<(d0, d1) -> (0, 0, 0)>
module attributes {stable_mosaic.version = 14 : i64} {
  func.func @scatter_kernel(%arg0: i32, %arg1: i32, %arg2: memref<10112x16xf32, #tpu.memory_space<hbm>>, %arg3: memref<32x157x128xi32, #tpu.memory_space<hbm>>, %arg4: memref<32x157x128xi32, #tpu.memory_space<hbm>>, %arg5: memref<2x10112x16xf32, #tpu.memory_space<hbm>>, %arg6: memref<157x128xi32, #tpu.memory_space<vmem>>, %arg7: memref<157x128xi32, #tpu.memory_space<vmem>>, %arg8: memref<128x16xf32, #tpu.memory_space<vmem>>, %arg9: memref<128x16xf32, #tpu.memory_space<vmem>>, %arg10: memref<632x16xf32, #tpu.memory_space<vmem>>, %arg11: memref<10112x16xf32, #tpu.memory_space<vmem_shared>>, %arg12: memref<10112x16xf32, #tpu.memory_space<vmem_shared>>, %arg13: memref<!tpu.dma_semaphore, #tpu.memory_space<semaphore_mem>>, %arg14: memref<!tpu.dma_semaphore, #tpu.memory_space<semaphore_mem>>) attributes {dimension_semantics = [#tpu.dimension_semantics<core_parallel>, #tpu.dimension_semantics<subcore_parallel>], iteration_bounds = array<i64: 2, 16>, scalar_prefetch = 0 : i64, scratch_operands = 9 : i64, tpu.core_type = #tpu.core_type<sc_vector_subcore>, window_params = [{transform_indices = #map}, {transform_indices = #map1}, {transform_indices = #map1}, {transform_indices = #map1}]} {
    %mul3A = arith.constant 16 : i32
    %mul3A_0 = arith.muli %arg0, %mul3A : i32
    %add3A = arith.addi %mul3A_0, %arg1 : i32
    %scan3A = arith.constant 0 : i32
    %scan3A_1 = arith.constant 0 : i32
    %scan3A_2 = arith.constant 632 : i32
    %scan3A_3 = arith.addi %scan3A_1, %scan3A_2 : i32
    %scan3A_4 = arith.constant 1 : i32
    %scan3A_5 = scf.for %scan3A_37 = %scan3A_1 to %scan3A_3 step %scan3A_4 iter_args(%scan3A_38 = %scan3A) -> (i32)  : i32 {
      %broadcast_in_dim3A = arith.constant 0.000000e+00 : f32
      %broadcast_in_dim3A_39 = vector.broadcast %broadcast_in_dim3A : f32 to vector<16xf32>
      %swap3A = arith.index_cast %scan3A_37 : i32 to index
      %swap3A_40 = arith.constant 0 : index
      %swap3A_41 = tpu.vector_load %arg10[%swap3A, %swap3A_40] {strides = array<i32>} : memref<632x16xf32, #tpu.memory_space<vmem>>, vector<1x16xf32>,
      %swap3A_42 = vector.shape_cast %swap3A_41 : vector<1x16xf32> to vector<16xf32>
      %swap3A_43 = vector.shape_cast %broadcast_in_dim3A_39 : vector<16xf32> to vector<1x16xf32>
      tpu.vector_store %arg10[%swap3A, %swap3A_40], %swap3A_43 {strides = array<i32>} : memref<632x16xf32, #tpu.memory_space<vmem>>, vector<1x16xf32>,
      %scan3A_44 = arith.constant 0 : i32
      scf.yield %scan3A_44 : i32
    }
    %scan3A_6 = arith.constant 632 : i32
    %mul3A_7 = arith.constant 632 : i32
    %mul3A_8 = arith.muli %arg1, %mul3A_7 : i32
    "tpu.region"() ({
      %run_scoped3A_37 = tpu.sem_alloc : memref<!tpu.dma_semaphore, #tpu.memory_space<semaphore_mem>>
      %dma_start3A_38 = arith.constant 0 : i32
      %dma_start3A_39 = tpu.memref_slice %arg11[%mul3A_8, %dma_start3A_38] : memref<10112x16xf32, #tpu.memory_space<vmem_shared>> -> memref<632x16xf32, #tpu.memory_space<vmem_shared>>
      %dma_start3A_40 = arith.constant 0 : i32
      %dma_start3A_41 = tpu.memref_slice %arg11[%mul3A_8, %dma_start3A_40] : memref<10112x16xf32, #tpu.memory_space<vmem_shared>> -> memref<632x16xf32, #tpu.memory_space<vmem_shared>>
      tpu.enqueue_dma source(%arg10 : memref<632x16xf32, #tpu.memory_space<vmem>>) target(%dma_start3A_41 : memref<632x16xf32, #tpu.memory_space<vmem_shared>>) target_semaphore(%run_scoped3A_37 : memref<!tpu.dma_semaphore, #tpu.memory_space<semaphore_mem>>)
      %dma_wait3A_42 = arith.constant 0 : i32
      %dma_wait3A_43 = tpu.memref_slice %arg11[%mul3A_8, %dma_wait3A_42] : memref<10112x16xf32, #tpu.memory_space<vmem_shared>> -> memref<632x16xf32, #tpu.memory_space<vmem_shared>>
      %dma_wait3A_44 = arith.constant 0 : i32
      %dma_wait3A_45 = tpu.memref_slice %arg11[%mul3A_8, %dma_wait3A_44] : memref<10112x16xf32, #tpu.memory_space<vmem_shared>> -> memref<632x16xf32, #tpu.memory_space<vmem_shared>>
      tpu.wait_dma2 semaphore(%run_scoped3A_37 : memref<!tpu.dma_semaphore, #tpu.memory_space<semaphore_mem>>) src(%arg10 : memref<632x16xf32, #tpu.memory_space<vmem>>) dst(%dma_wait3A_45 : memref<632x16xf32, #tpu.memory_space<vmem_shared>>)
      tpu.yield
    }) : () -> ()
    %mul3A_9 = arith.constant 632 : i32
    %mul3A_10 = arith.muli %arg1, %mul3A_9 : i32
    %mul3A_11 = arith.constant 632 : i32
    %mul3A_12 = arith.muli %arg1, %mul3A_11 : i32
    "tpu.region"() ({
      %run_scoped3A_37 = tpu.sem_alloc : memref<!tpu.dma_semaphore, #tpu.memory_space<semaphore_mem>>
      %dma_start3A_38 = arith.constant 0 : i32
      %dma_start3A_39 = tpu.memref_slice %arg12[%mul3A_12, %dma_start3A_38] : memref<10112x16xf32, #tpu.memory_space<vmem_shared>> -> memref<632x16xf32, #tpu.memory_space<vmem_shared>>
      %dma_start3A_40 = arith.constant 0 : i32
      %dma_start3A_41 = tpu.memref_slice %arg2[%mul3A_10, %dma_start3A_40] : memref<10112x16xf32, #tpu.memory_space<hbm>> -> memref<632x16xf32, #tpu.memory_space<hbm>>
      tpu.enqueue_dma source(%dma_start3A_41 : memref<632x16xf32, #tpu.memory_space<hbm>>) target(%dma_start3A_39 : memref<632x16xf32, #tpu.memory_space<vmem_shared>>) target_semaphore(%run_scoped3A_37 : memref<!tpu.dma_semaphore, #tpu.memory_space<semaphore_mem>>)
      %dma_wait3A_42 = arith.constant 0 : i32
      %dma_wait3A_43 = tpu.memref_slice %arg12[%mul3A_12, %dma_wait3A_42] : memref<10112x16xf32, #tpu.memory_space<vmem_shared>> -> memref<632x16xf32, #tpu.memory_space<vmem_shared>>
      %dma_wait3A_44 = arith.constant 0 : i32
      %dma_wait3A_45 = tpu.memref_slice %arg2[%mul3A_10, %dma_wait3A_44] : memref<10112x16xf32, #tpu.memory_space<hbm>> -> memref<632x16xf32, #tpu.memory_space<hbm>>
      tpu.wait_dma2 semaphore(%run_scoped3A_37 : memref<!tpu.dma_semaphore, #tpu.memory_space<semaphore_mem>>) src(%dma_wait3A_45 : memref<632x16xf32, #tpu.memory_space<hbm>>) dst(%dma_wait3A_43 : memref<632x16xf32, #tpu.memory_space<vmem_shared>>)
      tpu.yield
    }) : () -> ()
    "tpu.region"() ({
      %run_scoped3A_37 = tpu.sem_alloc : memref<!tpu.dma_semaphore, #tpu.memory_space<semaphore_mem>>
      %dma_start3A_38 = arith.constant 0 : i32
      %dma_start3A_39 = arith.constant 0 : i32
      %dma_start3A_40 = tpu.memref_slice %arg3[%add3A, %dma_start3A_38, %dma_start3A_39] : memref<32x157x128xi32, #tpu.memory_space<hbm>> -> memref<1x157x128xi32, #tpu.memory_space<hbm>>
      %dma_start3A_41 = tpu.memref_squeeze %dma_start3A_40 : memref<1x157x128xi32, #tpu.memory_space<hbm>> -> memref<157x128xi32, #tpu.memory_space<hbm>>
      %dma_start3A_42 = arith.constant 0 : i32
      %dma_start3A_43 = arith.constant 0 : i32
      %dma_start3A_44 = tpu.memref_slice %arg3[%add3A, %dma_start3A_42, %dma_start3A_43] : memref<32x157x128xi32, #tpu.memory_space<hbm>> -> memref<1x157x128xi32, #tpu.memory_space<hbm>>
      %dma_start3A_45 = tpu.memref_squeeze %dma_start3A_44 : memref<1x157x128xi32, #tpu.memory_space<hbm>> -> memref<157x128xi32, #tpu.memory_space<hbm>>
      tpu.enqueue_dma source(%dma_start3A_45 : memref<157x128xi32, #tpu.memory_space<hbm>>) target(%arg6 : memref<157x128xi32, #tpu.memory_space<vmem>>) target_semaphore(%run_scoped3A_37 : memref<!tpu.dma_semaphore, #tpu.memory_space<semaphore_mem>>)
      %dma_wait3A_46 = arith.constant 0 : i32
      %dma_wait3A_47 = arith.constant 0 : i32
      %dma_wait3A_48 = tpu.memref_slice %arg3[%add3A, %dma_wait3A_46, %dma_wait3A_47] : memref<32x157x128xi32, #tpu.memory_space<hbm>> -> memref<1x157x128xi32, #tpu.memory_space<hbm>>
      %dma_wait3A_49 = tpu.memref_squeeze %dma_wait3A_48 : memref<1x157x128xi32, #tpu.memory_space<hbm>> -> memref<157x128xi32, #tpu.memory_space<hbm>>
      %dma_wait3A_50 = arith.constant 0 : i32
      %dma_wait3A_51 = arith.constant 0 : i32
      %dma_wait3A_52 = tpu.memref_slice %arg3[%add3A, %dma_wait3A_50, %dma_wait3A_51] : memref<32x157x128xi32, #tpu.memory_space<hbm>> -> memref<1x157x128xi32, #tpu.memory_space<hbm>>
      %dma_wait3A_53 = tpu.memref_squeeze %dma_wait3A_52 : memref<1x157x128xi32, #tpu.memory_space<hbm>> -> memref<157x128xi32, #tpu.memory_space<hbm>>
      tpu.wait_dma2 semaphore(%run_scoped3A_37 : memref<!tpu.dma_semaphore, #tpu.memory_space<semaphore_mem>>) src(%dma_wait3A_53 : memref<157x128xi32, #tpu.memory_space<hbm>>) dst(%arg6 : memref<157x128xi32, #tpu.memory_space<vmem>>)
      tpu.yield
    }) : () -> ()
    "tpu.region"() ({
      %run_scoped3A_37 = tpu.sem_alloc : memref<!tpu.dma_semaphore, #tpu.memory_space<semaphore_mem>>
      %dma_start3A_38 = arith.constant 0 : i32
      %dma_start3A_39 = arith.constant 0 : i32
      %dma_start3A_40 = tpu.memref_slice %arg4[%add3A, %dma_start3A_38, %dma_start3A_39] : memref<32x157x128xi32, #tpu.memory_space<hbm>> -> memref<1x157x128xi32, #tpu.memory_space<hbm>>
      %dma_start3A_41 = tpu.memref_squeeze %dma_start3A_40 : memref<1x157x128xi32, #tpu.memory_space<hbm>> -> memref<157x128xi32, #tpu.memory_space<hbm>>
      %dma_start3A_42 = arith.constant 0 : i32
      %dma_start3A_43 = arith.constant 0 : i32
      %dma_start3A_44 = tpu.memref_slice %arg4[%add3A, %dma_start3A_42, %dma_start3A_43] : memref<32x157x128xi32, #tpu.memory_space<hbm>> -> memref<1x157x128xi32, #tpu.memory_space<hbm>>
      %dma_start3A_45 = tpu.memref_squeeze %dma_start3A_44 : memref<1x157x128xi32, #tpu.memory_space<hbm>> -> memref<157x128xi32, #tpu.memory_space<hbm>>
      tpu.enqueue_dma source(%dma_start3A_45 : memref<157x128xi32, #tpu.memory_space<hbm>>) target(%arg7 : memref<157x128xi32, #tpu.memory_space<vmem>>) target_semaphore(%run_scoped3A_37 : memref<!tpu.dma_semaphore, #tpu.memory_space<semaphore_mem>>)
      %dma_wait3A_46 = arith.constant 0 : i32
      %dma_wait3A_47 = arith.constant 0 : i32
      %dma_wait3A_48 = tpu.memref_slice %arg4[%add3A, %dma_wait3A_46, %dma_wait3A_47] : memref<32x157x128xi32, #tpu.memory_space<hbm>> -> memref<1x157x128xi32, #tpu.memory_space<hbm>>
      %dma_wait3A_49 = tpu.memref_squeeze %dma_wait3A_48 : memref<1x157x128xi32, #tpu.memory_space<hbm>> -> memref<157x128xi32, #tpu.memory_space<hbm>>
      %dma_wait3A_50 = arith.constant 0 : i32
      %dma_wait3A_51 = arith.constant 0 : i32
      %dma_wait3A_52 = tpu.memref_slice %arg4[%add3A, %dma_wait3A_50, %dma_wait3A_51] : memref<32x157x128xi32, #tpu.memory_space<hbm>> -> memref<1x157x128xi32, #tpu.memory_space<hbm>>
      %dma_wait3A_53 = tpu.memref_squeeze %dma_wait3A_52 : memref<1x157x128xi32, #tpu.memory_space<hbm>> -> memref<157x128xi32, #tpu.memory_space<hbm>>
      tpu.wait_dma2 semaphore(%run_scoped3A_37 : memref<!tpu.dma_semaphore, #tpu.memory_space<semaphore_mem>>) src(%dma_wait3A_53 : memref<157x128xi32, #tpu.memory_space<hbm>>) dst(%arg7 : memref<157x128xi32, #tpu.memory_space<vmem>>)
      tpu.yield
    }) : () -> ()
    %barrier3A = arith.constant 0 : index
    tpu.barrier barrier_id(%barrier3A)
    %dma_start3A = arith.constant 0 : i32
    %dma_start3A_13 = arith.constant 0 : i32
    %dma_start3A_14 = tpu.memref_slice %arg6[%dma_start3A, %dma_start3A_13] : memref<157x128xi32, #tpu.memory_space<vmem>> -> memref<1x128xi32, #tpu.memory_space<vmem>>
    %dma_start3A_15 = tpu.memref_squeeze %dma_start3A_14 : memref<1x128xi32, #tpu.memory_space<vmem>> -> memref<128xi32, #tpu.memory_space<vmem>>
    %dma_start3A_16 = arith.constant 0 : i32
    %dma_start3A_17 = arith.constant 0 : i32
    %dma_start3A_18 = tpu.memref_slice %arg12[%dma_start3A_16, %dma_start3A_17] : memref<10112x16xf32, #tpu.memory_space<vmem_shared>> -> memref<10112x16xf32, #tpu.memory_space<vmem_shared>>
    tpu.enqueue_indirect_dma source(%dma_start3A_18 : memref<10112x16xf32, #tpu.memory_space<vmem_shared>>) target(%arg8 : memref<128x16xf32, #tpu.memory_space<vmem>>) offsets(%dma_start3A_15 : memref<128xi32, #tpu.memory_space<vmem>>) semaphore(%arg13 : memref<!tpu.dma_semaphore, #tpu.memory_space<semaphore_mem>>)
    %scan3A_19 = arith.constant 0 : i32
    %scan3A_20 = arith.constant 0 : i32
    %scan3A_21 = arith.constant 78 : i32
    %scan3A_22 = arith.addi %scan3A_20, %scan3A_21 : i32
    %scan3A_23 = arith.constant 1 : i32
    %scan3A_24 = scf.for %scan3A_37 = %scan3A_20 to %scan3A_22 step %scan3A_23 iter_args(%scan3A_38 = %scan3A_19) -> (i32)  : i32 {
      %mul3A_39 = arith.constant 2 : i32
      %mul3A_40 = arith.muli %mul3A_39, %scan3A_37 : i32
      %dma_wait3A_41 = arith.constant 0 : i32
      %dma_wait3A_42 = tpu.memref_slice %arg6[%mul3A_40, %dma_wait3A_41] : memref<157x128xi32, #tpu.memory_space<vmem>> -> memref<1x128xi32, #tpu.memory_space<vmem>>
      %dma_wait3A_43 = tpu.memref_squeeze %dma_wait3A_42 : memref<1x128xi32, #tpu.memory_space<vmem>> -> memref<128xi32, #tpu.memory_space<vmem>>
      %dma_wait3A_44 = arith.constant 0 : i32
      %dma_wait3A_45 = arith.constant 0 : i32
      %dma_wait3A_46 = tpu.memref_slice %arg12[%dma_wait3A_44, %dma_wait3A_45] : memref<10112x16xf32, #tpu.memory_space<vmem_shared>> -> memref<10112x16xf32, #tpu.memory_space<vmem_shared>>
      tpu.wait_indirect_dma semaphore(%arg13 : memref<!tpu.dma_semaphore, #tpu.memory_space<semaphore_mem>>) src(%dma_wait3A_46 : memref<10112x16xf32, #tpu.memory_space<vmem_shared>>) dst(%arg8 : memref<128x16xf32, #tpu.memory_space<vmem>>)
      %add3A_47 = arith.constant 1 : i32
      %add3A_48 = arith.addi %mul3A_40, %add3A_47 : i32
      %dma_start3A_49 = arith.constant 0 : i32
      %dma_start3A_50 = tpu.memref_slice %arg6[%add3A_48, %dma_start3A_49] : memref<157x128xi32, #tpu.memory_space<vmem>> -> memref<1x128xi32, #tpu.memory_space<vmem>>
      %dma_start3A_51 = tpu.memref_squeeze %dma_start3A_50 : memref<1x128xi32, #tpu.memory_space<vmem>> -> memref<128xi32, #tpu.memory_space<vmem>>
      %dma_start3A_52 = arith.constant 0 : i32
      %dma_start3A_53 = arith.constant 0 : i32
      %dma_start3A_54 = tpu.memref_slice %arg12[%dma_start3A_52, %dma_start3A_53] : memref<10112x16xf32, #tpu.memory_space<vmem_shared>> -> memref<10112x16xf32, #tpu.memory_space<vmem_shared>>
      tpu.enqueue_indirect_dma source(%dma_start3A_54 : memref<10112x16xf32, #tpu.memory_space<vmem_shared>>) target(%arg9 : memref<128x16xf32, #tpu.memory_space<vmem>>) offsets(%dma_start3A_51 : memref<128xi32, #tpu.memory_space<vmem>>) semaphore(%arg14 : memref<!tpu.dma_semaphore, #tpu.memory_space<semaphore_mem>>)
      "tpu.region"() ({
        %run_scoped3A_74 = tpu.sem_alloc : memref<!tpu.dma_semaphore, #tpu.memory_space<semaphore_mem>>
        %dma_start3A_75 = arith.constant 0 : i32
        %dma_start3A_76 = tpu.memref_slice %arg7[%mul3A_40, %dma_start3A_75] : memref<157x128xi32, #tpu.memory_space<vmem>> -> memref<1x128xi32, #tpu.memory_space<vmem>>
        %dma_start3A_77 = tpu.memref_squeeze %dma_start3A_76 : memref<1x128xi32, #tpu.memory_space<vmem>> -> memref<128xi32, #tpu.memory_space<vmem>>
        %dma_start3A_78 = arith.constant 0 : i32
        %dma_start3A_79 = arith.constant 0 : i32
        %dma_start3A_80 = tpu.memref_slice %arg11[%dma_start3A_78, %dma_start3A_79] : memref<10112x16xf32, #tpu.memory_space<vmem_shared>> -> memref<10112x16xf32, #tpu.memory_space<vmem_shared>>
        tpu.enqueue_indirect_dma source(%arg8 : memref<128x16xf32, #tpu.memory_space<vmem>>) target(%dma_start3A_80 : memref<10112x16xf32, #tpu.memory_space<vmem_shared>>) offsets(%dma_start3A_77 : memref<128xi32, #tpu.memory_space<vmem>>) semaphore(%run_scoped3A_74 : memref<!tpu.dma_semaphore, #tpu.memory_space<semaphore_mem>>) {add = true}
        %dma_wait3A_81 = arith.constant 0 : i32
        %dma_wait3A_82 = tpu.memref_slice %arg7[%mul3A_40, %dma_wait3A_81] : memref<157x128xi32, #tpu.memory_space<vmem>> -> memref<1x128xi32, #tpu.memory_space<vmem>>
        %dma_wait3A_83 = tpu.memref_squeeze %dma_wait3A_82 : memref<1x128xi32, #tpu.memory_space<vmem>> -> memref<128xi32, #tpu.memory_space<vmem>>
        %dma_wait3A_84 = arith.constant 0 : i32
        %dma_wait3A_85 = arith.constant 0 : i32
        %dma_wait3A_86 = tpu.memref_slice %arg11[%dma_wait3A_84, %dma_wait3A_85] : memref<10112x16xf32, #tpu.memory_space<vmem_shared>> -> memref<10112x16xf32, #tpu.memory_space<vmem_shared>>
        tpu.wait_indirect_dma semaphore(%run_scoped3A_74 : memref<!tpu.dma_semaphore, #tpu.memory_space<semaphore_mem>>) src(%arg8 : memref<128x16xf32, #tpu.memory_space<vmem>>) dst(%dma_wait3A_86 : memref<10112x16xf32, #tpu.memory_space<vmem_shared>>)
        tpu.yield
      }) : () -> ()
      %add3A_55 = arith.constant 1 : i32
      %add3A_56 = arith.addi %mul3A_40, %add3A_55 : i32
      %dma_wait3A_57 = arith.constant 0 : i32
      %dma_wait3A_58 = tpu.memref_slice %arg6[%add3A_56, %dma_wait3A_57] : memref<157x128xi32, #tpu.memory_space<vmem>> -> memref<1x128xi32, #tpu.memory_space<vmem>>
      %dma_wait3A_59 = tpu.memref_squeeze %dma_wait3A_58 : memref<1x128xi32, #tpu.memory_space<vmem>> -> memref<128xi32, #tpu.memory_space<vmem>>
      %dma_wait3A_60 = arith.constant 0 : i32
      %dma_wait3A_61 = arith.constant 0 : i32
      %dma_wait3A_62 = tpu.memref_slice %arg12[%dma_wait3A_60, %dma_wait3A_61] : memref<10112x16xf32, #tpu.memory_space<vmem_shared>> -> memref<10112x16xf32, #tpu.memory_space<vmem_shared>>
      tpu.wait_indirect_dma semaphore(%arg14 : memref<!tpu.dma_semaphore, #tpu.memory_space<semaphore_mem>>) src(%dma_wait3A_62 : memref<10112x16xf32, #tpu.memory_space<vmem_shared>>) dst(%arg9 : memref<128x16xf32, #tpu.memory_space<vmem>>)
      %add3A_63 = arith.constant 2 : i32
      %add3A_64 = arith.addi %mul3A_40, %add3A_63 : i32
      %dma_start3A_65 = arith.constant 0 : i32
      %dma_start3A_66 = tpu.memref_slice %arg6[%add3A_64, %dma_start3A_65] : memref<157x128xi32, #tpu.memory_space<vmem>> -> memref<1x128xi32, #tpu.memory_space<vmem>>
      %dma_start3A_67 = tpu.memref_squeeze %dma_start3A_66 : memref<1x128xi32, #tpu.memory_space<vmem>> -> memref<128xi32, #tpu.memory_space<vmem>>
      %dma_start3A_68 = arith.constant 0 : i32
      %dma_start3A_69 = arith.constant 0 : i32
      %dma_start3A_70 = tpu.memref_slice %arg12[%dma_start3A_68, %dma_start3A_69] : memref<10112x16xf32, #tpu.memory_space<vmem_shared>> -> memref<10112x16xf32, #tpu.memory_space<vmem_shared>>
      tpu.enqueue_indirect_dma source(%dma_start3A_70 : memref<10112x16xf32, #tpu.memory_space<vmem_shared>>) target(%arg8 : memref<128x16xf32, #tpu.memory_space<vmem>>) offsets(%dma_start3A_67 : memref<128xi32, #tpu.memory_space<vmem>>) semaphore(%arg13 : memref<!tpu.dma_semaphore, #tpu.memory_space<semaphore_mem>>)
      %add3A_71 = arith.constant 1 : i32
      %add3A_72 = arith.addi %mul3A_40, %add3A_71 : i32
      "tpu.region"() ({
        %run_scoped3A_74 = tpu.sem_alloc : memref<!tpu.dma_semaphore, #tpu.memory_space<semaphore_mem>>
        %dma_start3A_75 = arith.constant 0 : i32
        %dma_start3A_76 = tpu.memref_slice %arg7[%add3A_72, %dma_start3A_75] : memref<157x128xi32, #tpu.memory_space<vmem>> -> memref<1x128xi32, #tpu.memory_space<vmem>>
        %dma_start3A_77 = tpu.memref_squeeze %dma_start3A_76 : memref<1x128xi32, #tpu.memory_space<vmem>> -> memref<128xi32, #tpu.memory_space<vmem>>
        %dma_start3A_78 = arith.constant 0 : i32
        %dma_start3A_79 = arith.constant 0 : i32
        %dma_start3A_80 = tpu.memref_slice %arg11[%dma_start3A_78, %dma_start3A_79] : memref<10112x16xf32, #tpu.memory_space<vmem_shared>> -> memref<10112x16xf32, #tpu.memory_space<vmem_shared>>
        tpu.enqueue_indirect_dma source(%arg9 : memref<128x16xf32, #tpu.memory_space<vmem>>) target(%dma_start3A_80 : memref<10112x16xf32, #tpu.memory_space<vmem_shared>>) offsets(%dma_start3A_77 : memref<128xi32, #tpu.memory_space<vmem>>) semaphore(%run_scoped3A_74 : memref<!tpu.dma_semaphore, #tpu.memory_space<semaphore_mem>>) {add = true}
        %dma_wait3A_81 = arith.constant 0 : i32
        %dma_wait3A_82 = tpu.memref_slice %arg7[%add3A_72, %dma_wait3A_81] : memref<157x128xi32, #tpu.memory_space<vmem>> -> memref<1x128xi32, #tpu.memory_space<vmem>>
        %dma_wait3A_83 = tpu.memref_squeeze %dma_wait3A_82 : memref<1x128xi32, #tpu.memory_space<vmem>> -> memref<128xi32, #tpu.memory_space<vmem>>
        %dma_wait3A_84 = arith.constant 0 : i32
        %dma_wait3A_85 = arith.constant 0 : i32
        %dma_wait3A_86 = tpu.memref_slice %arg11[%dma_wait3A_84, %dma_wait3A_85] : memref<10112x16xf32, #tpu.memory_space<vmem_shared>> -> memref<10112x16xf32, #tpu.memory_space<vmem_shared>>
        tpu.wait_indirect_dma semaphore(%run_scoped3A_74 : memref<!tpu.dma_semaphore, #tpu.memory_space<semaphore_mem>>) src(%arg9 : memref<128x16xf32, #tpu.memory_space<vmem>>) dst(%dma_wait3A_86 : memref<10112x16xf32, #tpu.memory_space<vmem_shared>>)
        tpu.yield
      }) : () -> ()
      %scan3A_73 = arith.constant 0 : i32
      scf.yield %scan3A_73 : i32
    }
    %scan3A_25 = arith.constant 78 : i32
    %dma_wait3A = arith.constant 156 : i32
    %dma_wait3A_26 = arith.constant 0 : i32
    %dma_wait3A_27 = tpu.memref_slice %arg6[%dma_wait3A, %dma_wait3A_26] : memref<157x128xi32, #tpu.memory_space<vmem>> -> memref<1x128xi32, #tpu.memory_space<vmem>>
    %dma_wait3A_28 = tpu.memref_squeeze %dma_wait3A_27 : memref<1x128xi32, #tpu.memory_space<vmem>> -> memref<128xi32, #tpu.memory_space<vmem>>
    %dma_wait3A_29 = arith.constant 0 : i32
    %dma_wait3A_30 = arith.constant 0 : i32
    %dma_wait3A_31 = tpu.memref_slice %arg12[%dma_wait3A_29, %dma_wait3A_30] : memref<10112x16xf32, #tpu.memory_space<vmem_shared>> -> memref<10112x16xf32, #tpu.memory_space<vmem_shared>>
    tpu.wait_indirect_dma semaphore(%arg13 : memref<!tpu.dma_semaphore, #tpu.memory_space<semaphore_mem>>) src(%dma_wait3A_31 : memref<10112x16xf32, #tpu.memory_space<vmem_shared>>) dst(%arg8 : memref<128x16xf32, #tpu.memory_space<vmem>>)
    %run_scoped3A = arith.constant 156 : i32
    "tpu.region"() ({
      %run_scoped3A_37 = tpu.sem_alloc : memref<!tpu.dma_semaphore, #tpu.memory_space<semaphore_mem>>
      %dma_start3A_38 = arith.constant 0 : i32
      %dma_start3A_39 = tpu.memref_slice %arg7[%run_scoped3A, %dma_start3A_38] : memref<157x128xi32, #tpu.memory_space<vmem>> -> memref<1x128xi32, #tpu.memory_space<vmem>>
      %dma_start3A_40 = tpu.memref_squeeze %dma_start3A_39 : memref<1x128xi32, #tpu.memory_space<vmem>> -> memref<128xi32, #tpu.memory_space<vmem>>
      %dma_start3A_41 = arith.constant 0 : i32
      %dma_start3A_42 = arith.constant 0 : i32
      %dma_start3A_43 = tpu.memref_slice %arg11[%dma_start3A_41, %dma_start3A_42] : memref<10112x16xf32, #tpu.memory_space<vmem_shared>> -> memref<10112x16xf32, #tpu.memory_space<vmem_shared>>
      tpu.enqueue_indirect_dma source(%arg8 : memref<128x16xf32, #tpu.memory_space<vmem>>) target(%dma_start3A_43 : memref<10112x16xf32, #tpu.memory_space<vmem_shared>>) offsets(%dma_start3A_40 : memref<128xi32, #tpu.memory_space<vmem>>) semaphore(%run_scoped3A_37 : memref<!tpu.dma_semaphore, #tpu.memory_space<semaphore_mem>>) {add = true}
      %dma_wait3A_44 = arith.constant 0 : i32
      %dma_wait3A_45 = tpu.memref_slice %arg7[%run_scoped3A, %dma_wait3A_44] : memref<157x128xi32, #tpu.memory_space<vmem>> -> memref<1x128xi32, #tpu.memory_space<vmem>>
      %dma_wait3A_46 = tpu.memref_squeeze %dma_wait3A_45 : memref<1x128xi32, #tpu.memory_space<vmem>> -> memref<128xi32, #tpu.memory_space<vmem>>
      %dma_wait3A_47 = arith.constant 0 : i32
      %dma_wait3A_48 = arith.constant 0 : i32
      %dma_wait3A_49 = tpu.memref_slice %arg11[%dma_wait3A_47, %dma_wait3A_48] : memref<10112x16xf32, #tpu.memory_space<vmem_shared>> -> memref<10112x16xf32, #tpu.memory_space<vmem_shared>>
      tpu.wait_indirect_dma semaphore(%run_scoped3A_37 : memref<!tpu.dma_semaphore, #tpu.memory_space<semaphore_mem>>) src(%arg8 : memref<128x16xf32, #tpu.memory_space<vmem>>) dst(%dma_wait3A_49 : memref<10112x16xf32, #tpu.memory_space<vmem_shared>>)
      tpu.yield
    }) : () -> ()
    %barrier3A_32 = arith.constant 0 : index
    tpu.barrier barrier_id(%barrier3A_32)
    %mul3A_33 = arith.constant 632 : i32
    %mul3A_34 = arith.muli %arg1, %mul3A_33 : i32
    %mul3A_35 = arith.constant 632 : i32
    %mul3A_36 = arith.muli %arg1, %mul3A_35 : i32
    "tpu.region"() ({
      %run_scoped3A_37 = tpu.sem_alloc : memref<!tpu.dma_semaphore, #tpu.memory_space<semaphore_mem>>
      %dma_start3A_38 = arith.constant 0 : i32
      %dma_start3A_39 = tpu.memref_slice %arg5[%arg0, %mul3A_36, %dma_start3A_38] : memref<2x10112x16xf32, #tpu.memory_space<hbm>> -> memref<1x632x16xf32, #tpu.memory_space<hbm>>
      %dma_start3A_40 = tpu.memref_squeeze %dma_start3A_39 : memref<1x632x16xf32, #tpu.memory_space<hbm>> -> memref<632x16xf32, #tpu.memory_space<hbm>>
      %dma_start3A_41 = arith.constant 0 : i32
      %dma_start3A_42 = tpu.memref_slice %arg11[%mul3A_34, %dma_start3A_41] : memref<10112x16xf32, #tpu.memory_space<vmem_shared>> -> memref<632x16xf32, #tpu.memory_space<vmem_shared>>
      tpu.enqueue_dma source(%dma_start3A_42 : memref<632x16xf32, #tpu.memory_space<vmem_shared>>) target(%dma_start3A_40 : memref<632x16xf32, #tpu.memory_space<hbm>>) target_semaphore(%run_scoped3A_37 : memref<!tpu.dma_semaphore, #tpu.memory_space<semaphore_mem>>)
      %dma_wait3A_43 = arith.constant 0 : i32
      %dma_wait3A_44 = tpu.memref_slice %arg5[%arg0, %mul3A_36, %dma_wait3A_43] : memref<2x10112x16xf32, #tpu.memory_space<hbm>> -> memref<1x632x16xf32, #tpu.memory_space<hbm>>
      %dma_wait3A_45 = tpu.memref_squeeze %dma_wait3A_44 : memref<1x632x16xf32, #tpu.memory_space<hbm>> -> memref<632x16xf32, #tpu.memory_space<hbm>>
      %dma_wait3A_46 = arith.constant 0 : i32
      %dma_wait3A_47 = tpu.memref_slice %arg11[%mul3A_34, %dma_wait3A_46] : memref<10112x16xf32, #tpu.memory_space<vmem_shared>> -> memref<632x16xf32, #tpu.memory_space<vmem_shared>>
      tpu.wait_dma2 semaphore(%run_scoped3A_37 : memref<!tpu.dma_semaphore, #tpu.memory_space<semaphore_mem>>) src(%dma_wait3A_47 : memref<632x16xf32, #tpu.memory_space<vmem_shared>>) dst(%dma_wait3A_45 : memref<632x16xf32, #tpu.memory_space<hbm>>)
      tpu.yield
    }) : () -> ()
    return
  }
}

module attributes {stable_mosaic.version = 14 : i64} {
  func.func @_tc0_body(%arg0: memref<32x10112xf32, #tpu.memory_space<vmem>>, %arg1: memref<10112xf32, #tpu.memory_space<vmem>>) attributes {dimension_semantics = [], scalar_prefetch = 0 : i64, scratch_operands = 0 : i64, tpu.core_type = #tpu.core_type<tc>} {
    %get3A = arith.constant 0 : index
    %get3A_0 = arith.constant 0 : index
    %get3A_1 = vector.load %arg0[%get3A, %get3A_0] : memref<32x10112xf32, #tpu.memory_space<vmem>>, vector<32x10112xf32>
    %reduce_sum3A = arith.constant dense<0.000000e+00> : vector<10112xf32>
    %reduce_sum3A_2 = vector.multi_reduction <add>, %get3A_1, %reduce_sum3A [0] : vector<32x10112xf32> to vector<10112xf32>
    %add3A = arith.constant 1.000000e+00 : f32
    %add3A_3 = vector.broadcast %add3A : f32 to vector<10112xf32>
    %add3A_4 = arith.addf %reduce_sum3A_2, %add3A_3 : vector<10112xf32>
    %rsqrt3A = math.rsqrt %add3A_4 : vector<10112xf32>
    %swap3A = arith.constant 0 : index
    %swap3A_5 = vector.load %arg1[%swap3A] : memref<10112xf32, #tpu.memory_space<vmem>>, vector<10112xf32>
    tpu.vector_store %arg1[%swap3A], %rsqrt3A {strides = array<i32>} : memref<10112xf32, #tpu.memory_space<vmem>>, vector<10112xf32>,
    return
  }
}

module attributes {stable_mosaic.version = 14 : i64} {
  func.func @_tc1_body(%arg0: memref<10000x1xf32, #tpu.memory_space<vmem>>, %arg1: memref<10000x128xf32, #tpu.memory_space<vmem>>, %arg2: memref<128x16xf32, #tpu.memory_space<vmem>>, %arg3: memref<10112x16xf32, #tpu.memory_space<vmem>>) attributes {dimension_semantics = [], scalar_prefetch = 0 : i64, scratch_operands = 0 : i64, tpu.core_type = #tpu.core_type<tc>} {
    %get3A = arith.constant 0 : index
    %get3A_0 = arith.constant 0 : index
    %get3A_1 = vector.load %arg0[%get3A, %get3A_0] : memref<10000x1xf32, #tpu.memory_space<vmem>>, vector<10000x1xf32>
    %broadcast_in_dim3A = vector.shape_cast %get3A_1 : vector<10000x1xf32> to vector<10000x1xf32>
    %broadcast_in_dim3A_2 = vector.broadcast %broadcast_in_dim3A : vector<10000x1xf32> to vector<10000x16xf32>
    %get3A_3 = arith.constant 0 : index
    %get3A_4 = arith.constant 0 : index
    %get3A_5 = vector.load %arg1[%get3A_3, %get3A_4] : memref<10000x128xf32, #tpu.memory_space<vmem>>, vector<10000x128xf32>
    %get3A_6 = arith.constant 0 : index
    %get3A_7 = arith.constant 0 : index
    %get3A_8 = vector.load %arg2[%get3A_6, %get3A_7] : memref<128x16xf32, #tpu.memory_space<vmem>>, vector<128x16xf32>
    %dot_general3A = arith.constant dense<0.000000e+00> : vector<10000x16xf32>
    %dot_general3A_9 = tpu.matmul %get3A_5, %get3A_8, %dot_general3A {dimension_numbers = #tpu.dot_dimension_numbers<[1], [0], [0], [1], [0, 0, 1, 1], [], []>, transpose_lhs_hint = false} : vector<10000x128xf32>, vector<128x16xf32>, vector<10000x16xf32> -> vector<10000x16xf32>
    %mul3A = arith.mulf %broadcast_in_dim3A_2, %dot_general3A_9 : vector<10000x16xf32>
    %swap3A = arith.constant 0 : index
    %swap3A_10 = arith.constant 0 : index
    %swap3A_11 = vector.load %arg3[%swap3A, %swap3A_10] : memref<10112x16xf32, #tpu.memory_space<vmem>>, vector<10000x16xf32>
    tpu.vector_store %arg3[%swap3A, %swap3A_10], %mul3A {strides = array<i32>} : memref<10112x16xf32, #tpu.memory_space<vmem>>, vector<10000x16xf32>,
    return
  }
}

module attributes {stable_mosaic.version = 14 : i64} {
  func.func @_tc_mid_body(%arg0: memref<2x10112x16xf32, #tpu.memory_space<vmem>>, %arg1: memref<10112x16xf32, #tpu.memory_space<vmem>>, %arg2: memref<10000x1xf32, #tpu.memory_space<vmem>>, %arg3: memref<16x16xf32, #tpu.memory_space<vmem>>, %arg4: memref<1x16xf32, #tpu.memory_space<vmem>>, %arg5: memref<10112x16xf32, #tpu.memory_space<vmem>>) attributes {dimension_semantics = [], scalar_prefetch = 0 : i64, scratch_operands = 0 : i64, tpu.core_type = #tpu.core_type<tc>} {
    %get3A = arith.constant 0 : index
    %get3A_0 = arith.constant 0 : index
    %get3A_1 = arith.constant 0 : index
    %get3A_2 = vector.load %arg0[%get3A, %get3A_0, %get3A_1] : memref<2x10112x16xf32, #tpu.memory_space<vmem>>, vector<2x10112x16xf32>
    %slice3A = vector.extract_strided_slice %get3A_2 {offsets = [0, 0, 0], sizes = [1, 10000, 16], strides = [1, 1, 1]} : vector<2x10112x16xf32> to vector<1x10000x16xf32>
    %squeeze3A = vector.shape_cast %slice3A : vector<1x10000x16xf32> to vector<10000x16xf32>
    %slice3A_3 = vector.extract_strided_slice %get3A_2 {offsets = [1, 0, 0], sizes = [1, 10000, 16], strides = [1, 1, 1]} : vector<2x10112x16xf32> to vector<1x10000x16xf32>
    %squeeze3A_4 = vector.shape_cast %slice3A_3 : vector<1x10000x16xf32> to vector<10000x16xf32>
    %add3A = arith.addf %squeeze3A, %squeeze3A_4 : vector<10000x16xf32>
    %get3A_5 = arith.constant 0 : index
    %get3A_6 = arith.constant 0 : index
    %get3A_7 = vector.load %arg1[%get3A_5, %get3A_6] : memref<10112x16xf32, #tpu.memory_space<vmem>>, vector<10112x16xf32>
    %slice3A_8 = vector.extract_strided_slice %get3A_7 {offsets = [0, 0], sizes = [10000, 16], strides = [1, 1]} : vector<10112x16xf32> to vector<10000x16xf32>
    %get3A_9 = arith.constant 0 : index
    %get3A_10 = arith.constant 0 : index
    %get3A_11 = vector.load %arg2[%get3A_9, %get3A_10] : memref<10000x1xf32, #tpu.memory_space<vmem>>, vector<10000x1xf32>
    %broadcast_in_dim3A = vector.shape_cast %get3A_11 : vector<10000x1xf32> to vector<10000x1xf32>
    %broadcast_in_dim3A_12 = vector.broadcast %broadcast_in_dim3A : vector<10000x1xf32> to vector<10000x16xf32>
    %add3A_13 = arith.addf %add3A, %slice3A_8 : vector<10000x16xf32>
    %mul3A = arith.mulf %broadcast_in_dim3A_12, %add3A_13 : vector<10000x16xf32>
    %get3A_14 = arith.constant 0 : index
    %get3A_15 = arith.constant 0 : index
    %get3A_16 = vector.load %arg4[%get3A_14, %get3A_15] : memref<1x16xf32, #tpu.memory_space<vmem>>, vector<1x16xf32>
    %add3A_17 = vector.broadcast %get3A_16 : vector<1x16xf32> to vector<10000x16xf32>
    %add3A_18 = arith.addf %mul3A, %add3A_17 : vector<10000x16xf32>
    %max3A = arith.constant 0.000000e+00 : f32
    %max3A_19 = vector.broadcast %max3A : f32 to vector<10000x16xf32>
    %max3A_20 = arith.maximumf %add3A_18, %max3A_19 : vector<10000x16xf32>
    %get3A_21 = arith.constant 0 : index
    %get3A_22 = arith.constant 0 : index
    %get3A_23 = vector.load %arg3[%get3A_21, %get3A_22] : memref<16x16xf32, #tpu.memory_space<vmem>>, vector<16x16xf32>
    %dot_general3A = arith.constant dense<0.000000e+00> : vector<10000x16xf32>
    %dot_general3A_24 = tpu.matmul %max3A_20, %get3A_23, %dot_general3A {dimension_numbers = #tpu.dot_dimension_numbers<[1], [0], [0], [1], [0, 0, 1, 1], [], []>, transpose_lhs_hint = false} : vector<10000x16xf32>, vector<16x16xf32>, vector<10000x16xf32> -> vector<10000x16xf32>
    %mul3A_25 = arith.mulf %broadcast_in_dim3A_12, %dot_general3A_24 : vector<10000x16xf32>
    %swap3A = arith.constant 0 : index
    %swap3A_26 = arith.constant 0 : index
    %swap3A_27 = vector.load %arg5[%swap3A, %swap3A_26] : memref<10112x16xf32, #tpu.memory_space<vmem>>, vector<10000x16xf32>
    tpu.vector_store %arg5[%swap3A, %swap3A_26], %mul3A_25 {strides = array<i32>} : memref<10112x16xf32, #tpu.memory_space<vmem>>, vector<10000x16xf32>,
    return
  }
}

module attributes {stable_mosaic.version = 14 : i64} {
  func.func @_tc_mid3_body(%arg0: memref<2x10112x16xf32, #tpu.memory_space<vmem>>, %arg1: memref<10112x16xf32, #tpu.memory_space<vmem>>, %arg2: memref<10000x1xf32, #tpu.memory_space<vmem>>, %arg3: memref<16x32xf32, #tpu.memory_space<vmem>>, %arg4: memref<1x16xf32, #tpu.memory_space<vmem>>, %arg5: memref<10112x16xf32, #tpu.memory_space<vmem>>, %arg6: memref<10112x16xf32, #tpu.memory_space<vmem>>) attributes {dimension_semantics = [], scalar_prefetch = 0 : i64, scratch_operands = 0 : i64, tpu.core_type = #tpu.core_type<tc>} {
    %get3A = arith.constant 0 : index
    %get3A_0 = arith.constant 0 : index
    %get3A_1 = arith.constant 0 : index
    %get3A_2 = vector.load %arg0[%get3A, %get3A_0, %get3A_1] : memref<2x10112x16xf32, #tpu.memory_space<vmem>>, vector<2x10112x16xf32>
    %slice3A = vector.extract_strided_slice %get3A_2 {offsets = [0, 0, 0], sizes = [1, 10000, 16], strides = [1, 1, 1]} : vector<2x10112x16xf32> to vector<1x10000x16xf32>
    %squeeze3A = vector.shape_cast %slice3A : vector<1x10000x16xf32> to vector<10000x16xf32>
    %slice3A_3 = vector.extract_strided_slice %get3A_2 {offsets = [1, 0, 0], sizes = [1, 10000, 16], strides = [1, 1, 1]} : vector<2x10112x16xf32> to vector<1x10000x16xf32>
    %squeeze3A_4 = vector.shape_cast %slice3A_3 : vector<1x10000x16xf32> to vector<10000x16xf32>
    %add3A = arith.addf %squeeze3A, %squeeze3A_4 : vector<10000x16xf32>
    %get3A_5 = arith.constant 0 : index
    %get3A_6 = arith.constant 0 : index
    %get3A_7 = vector.load %arg1[%get3A_5, %get3A_6] : memref<10112x16xf32, #tpu.memory_space<vmem>>, vector<10112x16xf32>
    %slice3A_8 = vector.extract_strided_slice %get3A_7 {offsets = [0, 0], sizes = [10000, 16], strides = [1, 1]} : vector<10112x16xf32> to vector<10000x16xf32>
    %get3A_9 = arith.constant 0 : index
    %get3A_10 = arith.constant 0 : index
    %get3A_11 = vector.load %arg2[%get3A_9, %get3A_10] : memref<10000x1xf32, #tpu.memory_space<vmem>>, vector<10000x1xf32>
    %broadcast_in_dim3A = vector.shape_cast %get3A_11 : vector<10000x1xf32> to vector<10000x1xf32>
    %broadcast_in_dim3A_12 = vector.broadcast %broadcast_in_dim3A : vector<10000x1xf32> to vector<10000x16xf32>
    %add3A_13 = arith.addf %add3A, %slice3A_8 : vector<10000x16xf32>
    %mul3A = arith.mulf %broadcast_in_dim3A_12, %add3A_13 : vector<10000x16xf32>
    %get3A_14 = arith.constant 0 : index
    %get3A_15 = arith.constant 0 : index
    %get3A_16 = vector.load %arg4[%get3A_14, %get3A_15] : memref<1x16xf32, #tpu.memory_space<vmem>>, vector<1x16xf32>
    %add3A_17 = vector.broadcast %get3A_16 : vector<1x16xf32> to vector<10000x16xf32>
    %add3A_18 = arith.addf %mul3A, %add3A_17 : vector<10000x16xf32>
    %max3A = arith.constant 0.000000e+00 : f32
    %max3A_19 = vector.broadcast %max3A : f32 to vector<10000x16xf32>
    %max3A_20 = arith.maximumf %add3A_18, %max3A_19 : vector<10000x16xf32>
    %get3A_21 = arith.constant 0 : index
    %get3A_22 = arith.constant 0 : index
    %get3A_23 = vector.load %arg3[%get3A_21, %get3A_22] : memref<16x32xf32, #tpu.memory_space<vmem>>, vector<16x32xf32>
    %dot_general3A = arith.constant dense<0.000000e+00> : vector<10000x32xf32>
    %dot_general3A_24 = tpu.matmul %max3A_20, %get3A_23, %dot_general3A {dimension_numbers = #tpu.dot_dimension_numbers<[1], [0], [0], [1], [0, 0, 1, 1], [], []>, transpose_lhs_hint = false} : vector<10000x16xf32>, vector<16x32xf32>, vector<10000x32xf32> -> vector<10000x32xf32>
    %get3A_25 = arith.constant 0 : index
    %get3A_26 = arith.constant 0 : index
    %get3A_27 = vector.load %arg2[%get3A_25, %get3A_26] : memref<10000x1xf32, #tpu.memory_space<vmem>>, vector<10000x1xf32>
    %broadcast_in_dim3A_28 = vector.shape_cast %get3A_27 : vector<10000x1xf32> to vector<10000x1xf32>
    %broadcast_in_dim3A_29 = vector.broadcast %broadcast_in_dim3A_28 : vector<10000x1xf32> to vector<10000x32xf32>
    %mul3A_30 = arith.mulf %broadcast_in_dim3A_29, %dot_general3A_24 : vector<10000x32xf32>
    %slice3A_31 = vector.extract_strided_slice %mul3A_30 {offsets = [0, 0], sizes = [10000, 16], strides = [1, 1]} : vector<10000x32xf32> to vector<10000x16xf32>
    %swap3A = arith.constant 0 : index
    %swap3A_32 = arith.constant 0 : index
    %swap3A_33 = vector.load %arg5[%swap3A, %swap3A_32] : memref<10112x16xf32, #tpu.memory_space<vmem>>, vector<10000x16xf32>
    tpu.vector_store %arg5[%swap3A, %swap3A_32], %slice3A_31 {strides = array<i32>} : memref<10112x16xf32, #tpu.memory_space<vmem>>, vector<10000x16xf32>,
    %slice3A_34 = vector.extract_strided_slice %mul3A_30 {offsets = [0, 16], sizes = [10000, 16], strides = [1, 1]} : vector<10000x32xf32> to vector<10000x16xf32>
    %swap3A_35 = arith.constant 0 : index
    %swap3A_36 = arith.constant 0 : index
    %swap3A_37 = vector.load %arg6[%swap3A_35, %swap3A_36] : memref<10112x16xf32, #tpu.memory_space<vmem>>, vector<10000x16xf32>
    tpu.vector_store %arg6[%swap3A_35, %swap3A_36], %slice3A_34 {strides = array<i32>} : memref<10112x16xf32, #tpu.memory_space<vmem>>, vector<10000x16xf32>,
    return
  }
}

module attributes {stable_mosaic.version = 14 : i64} {
  func.func @_tc_out_body(%arg0: memref<2x10112x16xf32, #tpu.memory_space<vmem>>, %arg1: memref<2x10112x16xf32, #tpu.memory_space<vmem>>, %arg2: memref<10112x16xf32, #tpu.memory_space<vmem>>, %arg3: memref<10112x16xf32, #tpu.memory_space<vmem>>, %arg4: memref<10000x1xf32, #tpu.memory_space<vmem>>, %arg5: memref<1x32xf32, #tpu.memory_space<vmem>>, %arg6: memref<10000x32xf32, #tpu.memory_space<vmem>>) attributes {dimension_semantics = [], scalar_prefetch = 0 : i64, scratch_operands = 0 : i64, tpu.core_type = #tpu.core_type<tc>} {
    %get3A = arith.constant 0 : index
    %get3A_0 = arith.constant 0 : index
    %get3A_1 = arith.constant 0 : index
    %get3A_2 = vector.load %arg0[%get3A, %get3A_0, %get3A_1] : memref<2x10112x16xf32, #tpu.memory_space<vmem>>, vector<2x10112x16xf32>
    %get3A_3 = arith.constant 0 : index
    %get3A_4 = arith.constant 0 : index
    %get3A_5 = arith.constant 0 : index
    %get3A_6 = vector.load %arg1[%get3A_3, %get3A_4, %get3A_5] : memref<2x10112x16xf32, #tpu.memory_space<vmem>>, vector<2x10112x16xf32>
    %slice3A = vector.extract_strided_slice %get3A_2 {offsets = [0, 0, 0], sizes = [1, 10000, 16], strides = [1, 1, 1]} : vector<2x10112x16xf32> to vector<1x10000x16xf32>
    %squeeze3A = vector.shape_cast %slice3A : vector<1x10000x16xf32> to vector<10000x16xf32>
    %slice3A_7 = vector.extract_strided_slice %get3A_2 {offsets = [1, 0, 0], sizes = [1, 10000, 16], strides = [1, 1, 1]} : vector<2x10112x16xf32> to vector<1x10000x16xf32>
    %squeeze3A_8 = vector.shape_cast %slice3A_7 : vector<1x10000x16xf32> to vector<10000x16xf32>
    %add3A = arith.addf %squeeze3A, %squeeze3A_8 : vector<10000x16xf32>
    %slice3A_9 = vector.extract_strided_slice %get3A_6 {offsets = [0, 0, 0], sizes = [1, 10000, 16], strides = [1, 1, 1]} : vector<2x10112x16xf32> to vector<1x10000x16xf32>
    %squeeze3A_10 = vector.shape_cast %slice3A_9 : vector<1x10000x16xf32> to vector<10000x16xf32>
    %slice3A_11 = vector.extract_strided_slice %get3A_6 {offsets = [1, 0, 0], sizes = [1, 10000, 16], strides = [1, 1, 1]} : vector<2x10112x16xf32> to vector<1x10000x16xf32>
    %squeeze3A_12 = vector.shape_cast %slice3A_11 : vector<1x10000x16xf32> to vector<10000x16xf32>
    %add3A_13 = arith.addf %squeeze3A_10, %squeeze3A_12 : vector<10000x16xf32>
    %concatenate3A = tpu.concatenate %add3A, %add3A_13 in 1 : vector<10000x16xf32>, vector<10000x16xf32> -> vector<10000x32xf32>
    %get3A_14 = arith.constant 0 : index
    %get3A_15 = arith.constant 0 : index
    %get3A_16 = vector.load %arg2[%get3A_14, %get3A_15] : memref<10112x16xf32, #tpu.memory_space<vmem>>, vector<10112x16xf32>
    %slice3A_17 = vector.extract_strided_slice %get3A_16 {offsets = [0, 0], sizes = [10000, 16], strides = [1, 1]} : vector<10112x16xf32> to vector<10000x16xf32>
    %get3A_18 = arith.constant 0 : index
    %get3A_19 = arith.constant 0 : index
    %get3A_20 = vector.load %arg3[%get3A_18, %get3A_19] : memref<10112x16xf32, #tpu.memory_space<vmem>>, vector<10112x16xf32>
    %slice3A_21 = vector.extract_strided_slice %get3A_20 {offsets = [0, 0], sizes = [10000, 16], strides = [1, 1]} : vector<10112x16xf32> to vector<10000x16xf32>
    %concatenate3A_22 = tpu.concatenate %slice3A_17, %slice3A_21 in 1 : vector<10000x16xf32>, vector<10000x16xf32> -> vector<10000x32xf32>
    %get3A_23 = arith.constant 0 : index
    %get3A_24 = arith.constant 0 : index
    %get3A_25 = vector.load %arg4[%get3A_23, %get3A_24] : memref<10000x1xf32, #tpu.memory_space<vmem>>, vector<10000x1xf32>
    %broadcast_in_dim3A = vector.shape_cast %get3A_25 : vector<10000x1xf32> to vector<10000x1xf32>
    %broadcast_in_dim3A_26 = vector.broadcast %broadcast_in_dim3A : vector<10000x1xf32> to vector<10000x32xf32>
    %add3A_27 = arith.addf %concatenate3A, %concatenate3A_22 : vector<10000x32xf32>
    %mul3A = arith.mulf %broadcast_in_dim3A_26, %add3A_27 : vector<10000x32xf32>
    %get3A_28 = arith.constant 0 : index
    %get3A_29 = arith.constant 0 : index
    %get3A_30 = vector.load %arg5[%get3A_28, %get3A_29] : memref<1x32xf32, #tpu.memory_space<vmem>>, vector<1x32xf32>
    %add3A_31 = vector.broadcast %get3A_30 : vector<1x32xf32> to vector<10000x32xf32>
    %add3A_32 = arith.addf %mul3A, %add3A_31 : vector<10000x32xf32>
    %logistic3A = arith.negf %add3A_32 : vector<10000x32xf32>
    %logistic3A_33 = math.exp %logistic3A : vector<10000x32xf32>
    %logistic3A_34 = arith.constant 1.000000e+00 : f32
    %logistic3A_35 = vector.broadcast %logistic3A_34 : f32 to vector<10000x32xf32>
    %logistic3A_36 = arith.addf %logistic3A_35, %logistic3A_33 : vector<10000x32xf32>
    %logistic3A_37 = arith.divf %logistic3A_35, %logistic3A_36 : vector<10000x32xf32>
    %swap3A = arith.constant 0 : index
    %swap3A_38 = arith.constant 0 : index
    %swap3A_39 = vector.load %arg6[%swap3A, %swap3A_38] : memref<10000x32xf32, #tpu.memory_space<vmem>>, vector<10000x32xf32>
    tpu.vector_store %arg6[%swap3A, %swap3A_38], %logistic3A_37 {strides = array<i32>} : memref<10000x32xf32, #tpu.memory_space<vmem>>, vector<10000x32xf32>,
    return
  }
}

</mosaic_0001>

<sc_bundles>
// kernel: kernel.12.cloned.1.call-start
scs
__scs_entry_jumppad:
0x0: {  	(pc) =	sbr.rel $0x88, $3  }
0x1: {  	(tag) =	ssettag $0x0;
	lr =	simm.s32 $0x1  }
0x2: {  	[smem:$0x3F99] =	sst lr;
	_ =	strace $0xD0000000  }
0x3: {  	_ = 	snop  }
0x4: {  	_ = 	snop  }
0x5: {  	_ = 	snop  }
0x6: {  	_ = 	snop  }
0x7: {  	_ = 	snop  }
__scs_overlays_trampoline_lowered:
0x8: {  	[smem:$0x3FA8] =	sst s0  }
0x9: {  	[smem:$0x3FA9] =	sst s1  }
0xa: {  	[smem:$0x3FAA] =	sst s2  }
0xb: {  	[smem:$0x3FAB] =	sst s3  }
0xc: {  	[smem:$0x3FAC] =	sst s4  }
0xd: {  	[smem:$0x3FAD] =	sst s5  }
0xe: {  	[smem:$0x3FAE] =	sst s6  }
0xf: {  	[smem:$0x3FAF] =	sst s7  }
0x10: {  	[smem:$0x3FB0] =	sst s8  }
0x11: {  	[smem:$0x3FB1] =	sst s9;
	s0 =	simm.s32 @!p0 $0x0  }
0x12: {  	s1 =	sld [smem:$0x3F97];
	s0 =	simm.s32 @p0 $0x1  }
0x13: {  	[smem:$0x3FB2] =	sst s0;
	s0 =	simm.s32 @!p1 $0x0  }
0x14: {  	s2 =	sld [smem:$0x3F96];
	s0 =	simm.s32 @p1 $0x1  }
0x15: {  	[smem:$0x3FB3] =	sst s0;
	s0 =	simm.s32 @!p2 $0x0  }
0x16: {  	s3 =	sld [smem:$0x3FDB];
	s0 =	simm.s32 @p2 $0x1  }
0x17: {  	s4 =	simm.s32 $0x1BF5;
	[smem:$0x3FB5] =	sst s0  }
0x18: {  	s0 =	sld [smem:$0x3F98];
	_ =	swait.ge [sflag:s4], $0x0  }
0x19: {  	s7 =	sld [smem:$0x3F99]  }
0x1a: {  	s8 =	sadd.s32 $0xFFFFE003, lr  }
0x1b: {  	s9 =	sadd.s32 $0xFFFFFEF7, lr;
	s5 =	simm.s32 $0xFFFFFFFF;
	p2 =	slt.u32 s8, $0xFFFFF086  }
0x1c: {  	p1 =	slt.u32 s9, $0xF7A;
	s5 =	simm.s32 @!p2 $0x0  }
0x1d: {  	s5 =	simm.s32 @p1 $0x1;
	p0 =	seq.s32 s7, s2  }
0x1e: {  	s7 =	smul.u32 @!p0 $0xF7A, s2;
	p2 =	seq.s32 @!p0 s5, $0x0  }
0x1f: {  	s9 =	smul.u32 $0xF7A, s1;
	s8 =	simm.s32 @!p0 $0x1BF5;
	p2 =	por !p2, p0  }
0x20: {  	[sflag:s8] =	ssyncset.s32 @!p0 $0xFFFFF086;
	s6 =	sadd.s32 @!p0 s3, s7;
	s7 =	simm.s32 @!p0 $0x108  }
0x21: {  	s3 =	sadd.s32 s3, s9;
	s6 =	sadd.s32 @!p0 $0x88, s6;
	s7 =	simm.s32 @p2 $0x1082  }
0x22: {  	[simem:s7], [sflag:s8] =	dma.local @!p0 [hbm:s6], $0xF7A  }
0x23: {  	s9 =	sor.u32 $0xD0000000, s2;
	s6 =	simm.s32 $0x108;
	_ =	swait.ge @!p0 [sflag:s8], $0x0  }
0x24: {  	s3 =	sadd.s32 $0x88, s3;
	s6 =	simm.s32 @!p1 $0x1082;
	[sflag:s4] =	ssyncset.s32 $0xFFFFF086  }
0x25: {  	[simem:s6], [sflag:s4] =	dma.local [hbm:s3], $0xF7A  }
0x26: {  	[smem:$0x3F99] =	sst s1;
	(tag) =	ssettag s2;
	_ =	strace s9  }
0x27: {  	s1 =	sld [smem:$0x3FA9]  }
0x28: {  	s2 =	sld [smem:$0x3FAA]  }
0x29: {  	s4 =	sld [smem:$0x3FAC]  }
0x2a: {  	p0 =	seq.s32 s5, $0x0;
	s5 =	sld [smem:$0x3FAD]  }
0x2b: {  	s6 =	sld [smem:$0x3FAE]  }
0x2c: {  	s7 =	sld [smem:$0x3FAF]  }
0x2d: {  	s3 =	simm.s32 $0x108;
	s8 =	sld [smem:$0x3FB0]  }
0x2e: {  	s3 =	simm.s32 @!p0 $0x1082;
	s9 =	sld [smem:$0x3FB1]  }
0x2f: {  	lr =	sadd.s32 s0, s3;
	s0 =	sld [smem:$0x3FA8]  }
0x30: {  	s3 =	sld [smem:$0x3FAB]  }
0x31: {  	[smem:$0x3FB4] =	sst s10  }
0x32: {  	s10 =	sld [smem:$0x3FB2];
	_ =	sdelay $0x3  }
0x33: {  	p0 =	seq.s32 s10, $0x1;
	s10 =	sld [smem:$0x3FB4];
	_ =	sdelay $0x3  }
0x34: {  	[smem:$0x3FB4] =	sst s10  }
0x35: {  	s10 =	sld [smem:$0x3FB3];
	_ =	sdelay $0x3  }
0x36: {  	p1 =	seq.s32 s10, $0x1;
	s10 =	sld [smem:$0x3FB4];
	_ =	sdelay $0x3  }
0x37: {  	[smem:$0x3FB4] =	sst s10  }
0x38: {  	s10 =	sld [smem:$0x3FB5]  }
0x39: {  	_ = 	snop;
	(pc) =	sbr.ind lr, $3  }
0x3a: {  	_ = 	snop  }
0x3b: {  	_ = 	snop  }
0x3c: {  	p2 =	seq.s32 s10, $0x1;
	s10 =	sld [smem:$0x3FB4]  }
0x3d: {  	_ =	shalt  }
0x3e: {  	_ =	shalt  }
0x3f: {  	_ =	shalt  }
0x40: {  	_ =	shalt  }
0x41: {  	_ =	shalt  }
0x42: {  	_ =	shalt  }
0x43: {  	_ =	shalt  }
0x44: {  	_ =	shalt  }
0x45: {  	_ =	shalt  }
0x46: {  	_ =	shalt  }
0x47: {  	_ =	shalt  }
0x48: {  	_ =	shalt  }
0x49: {  	_ =	shalt  }
0x4a: {  	_ =	shalt  }
0x4b: {  	_ =	shalt  }
0x4c: {  	_ =	shalt  }
0x4d: {  	_ =	shalt  }
0x4e: {  	_ =	shalt  }
0x4f: {  	_ =	shalt  }
0x50: {  	_ =	shalt  }
0x51: {  	_ =	shalt  }
0x52: {  	_ =	shalt  }
0x53: {  	_ =	shalt  }
0x54: {  	_ =	shalt  }
0x55: {  	_ =	shalt  }
0x56: {  	_ =	shalt  }
0x57: {  	_ =	shalt  }
0x58: {  	_ =	shalt  }
0x59: {  	_ =	shalt  }
0x5a: {  	_ =	shalt  }
0x5b: {  	_ =	shalt  }
0x5c: {  	_ =	shalt  }
0x5d: {  	_ =	shalt  }
0x5e: {  	_ =	shalt  }
0x5f: {  	_ =	shalt  }
0x60: {  	_ =	shalt  }
0x61: {  	_ =	shalt  }
0x62: {  	_ =	shalt  }
0x63: {  	_ =	shalt  }
0x64: {  	_ =	shalt  }
0x65: {  	_ =	shalt  }
0x66: {  	_ =	shalt  }
0x67: {  	_ =	shalt  }
0x68: {  	_ =	shalt  }
0x69: {  	_ =	shalt  }
0x6a: {  	_ =	shalt  }
0x6b: {  	_ =	shalt  }
0x6c: {  	_ =	shalt  }
0x6d: {  	_ =	shalt  }
0x6e: {  	_ =	shalt  }
0x6f: {  	_ =	shalt  }
0x70: {  	_ =	shalt  }
0x71: {  	_ =	shalt  }
0x72: {  	_ =	shalt  }
0x73: {  	_ =	shalt  }
0x74: {  	_ =	shalt  }
0x75: {  	_ =	shalt  }
0x76: {  	_ =	shalt  }
0x77: {  	_ =	shalt  }
0x78: {  	_ =	shalt  }
0x79: {  	_ =	shalt  }
0x7a: {  	_ =	shalt  }
0x7b: {  	_ =	shalt  }
0x7c: {  	_ =	shalt  }
0x7d: {  	_ =	shalt  }
0x7e: {  	_ =	shalt  }
0x7f: {  	_ =	shalt  }
0x80: {  	_ =	shalt  }
0x81: {  	_ =	shalt  }
0x82: {  	_ =	shalt  }
0x83: {  	_ =	shalt  }
0x84: {  	_ =	shalt  }
0x85: {  	_ =	shalt  }
0x86: {  	_ =	shalt  }
0x87: {  	_ =	shalt  }
.Lfunc_end0:
.L_simem_size_0:
called_computation_lowered:
.L_overlay_start_0:
0x88: {  	s2 =	sld [smem:$0x3FD9]  }
0x89: {  	s3 =	sld [smem:$0x3FFE];
	_ =	sdelay $0x1  }
0x8a: {  	s1 =	srdreg.scid  }
0x8b: {  	s0 =	sand.u32 $0x1, s1  }
0x8c: {  	s17 =	sshll.u32 s0, $0xA;
	s2 =	sadd.s32 s3, s2  }
0x8d: {  	s2 =	sadd.s32 s2, s17  }
0x8e: {  	[smem:$0x3FC0] =	sst s2  }
0x8f: {  	_ = 	snop  }
0x90: {  	s2 =	sld [smem:$0x3FD0];
	(tm) =	ssettm $0x1  }
0x91: {  	s18 =	sld [smem:$0x3FFB];
	_ =	sdelay $0x3  }
0x92: {  	_ =	strace s18  }
0x93: {  	s3 =	sld [smem:$0x3FFC];
	_ =	sdelay $0x3  }
0x94: {  	_ =	strace s3  }
0x95: {  	s3 =	sld [smem:$0x3FFD];
	_ =	sdelay $0x3  }
0x96: {  	_ =	strace s3  }
0x97: {  	_ =	strace $0x8FFFFFFF  }
0x98: {  	s19 =	sld [smem:$0x3FDB];
	_ =	sdelay $0x1  }
0x99: {  	s4 =	simm.s32 $_scs_section_size  }
0x9a: {  	s5 =	simm.s32 $_size__tile_overlayer_lowered;
	s6 =	simm.s32 $_tile_overlayer_lowered  }
0x9b: {  	s22 =	simm.s32 $0x1BFF;
	s21 =	sshll.u32 s6, $0x1;
	s3 =	sadd.s32 s4, s19  }
0x9c: {  	s7 =	simm.s32 $0x0;
	s20 =	sshll.u32 s5, $0x1;
	s5 =	sadd.s32 s21, s3  }
0x9d: {  	[timem:s7], [sflag:s22] =	dma.local [hbm:s5], s20  }
0x9e: {  	_ =	swait.ge [sflag:s22], s20  }
0x9f: {  	s4 =	ssub.s32 $0x0, s20;
	[sflag:s22] =	ssyncset.done $0x0  }
0xa0: {  	[sflag:s22] =	ssyncadd.s32 s4;
	_ =	sdelay $0x1  }
0xa1: {  	s23 =	simm.s32 $0x1B8B  }
0xa2: {  	_ =	swait.ge [sflag:s23], $0x1  }
0xa3: {  	[sflag:s23] =	ssyncset.done $0x0  }
0xa4: {  	s25 =	simm.s32 $0x1B8E;
	s24 =	sld [smem:$0x3FFE];
	[sflag:s23] =	ssyncadd.s32 $0xFFFFFFFF  }
0xa5: {  	s26 =	simm.s32 $execute0_lowered;
	[smem:$0x3FD2] =	sst s25  }
0xa6: {  	s5 =	sshll.u32 s26, $0x1;
	_ =	strace $0x80000046;
	[dreg:$0x1] =	wrdreg $0xFFFFFFFF  }
0xa7: {  	s28 =	simm.s32 $_size_execute0_lowered;
	s3 =	sadd.s32 s3, s5;
	[dreg:$0x0] =	wrdreg $0x0  }
0xa8: {  	s5 =	sshll.u32 s28, $0x1;
	[dreg:$0x2] =	wrdreg s3  }
0xa9: {  	[dreg:$0x3] =	wrdreg s5  }
0xaa: {  	[dreg:$0x4] =	wrdreg $0xC0  }
0xab: {  	_ =	task [dreg:s7], $0x5FFFF  }
0xac: {  	[dreg:$0x1] =	wrdreg $0xFFFFFFFF  }
0xad: {  	[dreg:$0x0] =	wrdreg $0x60  }
0xae: {  	[dreg:$0x2] =	wrdreg s24  }
0xaf: {  	[dreg:$0x3] =	wrdreg s2  }
0xb0: {  	[dreg:$0x4] =	wrdreg $0x9  }
0xb1: {  	_ =	task.clear_ibuf [dreg:s7], $0x5FFFF;
	_ =	strace $0x90000046  }
0xb2: {  	s29 =	simm.s32 $0x9;
	_ =	strace $0x80000048  }
0xb3: {  	_ =	swait.ge [sflag:s29], $0x1  }
0xb4: {  	[sflag:s29] =	ssyncadd.s32 $0xFFFFFFFF  }
0xb5: {  	_ =	strace $0x90000048  }
0xb6: {  	_ =	sfence  }
0xb7: {  	s30 =	sld [smem:$0x0];
	_ =	sdelay $0x2  }
0xb8: {  	s31 =	sshll.u32 s1, $0xD;
	s1 =	sshrl.u32 s1, $0x2  }
0xb9: {  	s3 =	sand.u32 $0x4000, s31;
	s1 =	sadd.s32 s1, s30  }
0xba: {  	s0 =	sor.u32 s3, s0;
	s1 =	sshll.u32 s1, $0x11  }
0xbb: {  	s0 =	sor.u32 s1, s0  }
0xbc: {  	s0 =	sadd.s32 $0x8F2B, s0  }
0xbd: {  	[sflag:s0] =	ssyncadd.remote.s32 $0x1  }
0xbe: {  	_ =	sfence.sel $0xFFFF  }
0xbf: {  	[dreg:$0x0] =	wrdreg $0xFFFFFFFF;
	(pc) =	sbr.abs _section_cstart, $3  }
0xc0: {  	[dreg:$0x1] =	wrdreg $0xFFFFFFFF  }
0xc1: {  	_ =	task.clear_ibuf [dreg:s7], $0x2FFFF;
	_ =	strace $0x9FFFFFFF  }
0xc2: {  	(tm) =	ssettm $0x7FFFFFFF  }
0xc3: {  	_ =	shalt  }
tec
execute0_lowered:
.L_overlay_start_1:
0x0: {  	(tag) =	ssettag $0x1  }
0x1: {  	s0 =	srdreg.scid;
	s3 =	rddreg [dreg:$0x0]  }
0x2: {  	s5 =	rddreg [dreg:$0x1];
	s1 =	stileid.u32;
	s4 =	sand.u32 $0x1, s0  }
0x3: {  	s9 =	simm.s32 $0x400;
	s0 =	rddreg [dreg:$0x2];
	s2 =	sshll.u32 s4, $0x4  }
0x4: {  	s8 =	sshll.u32 s1, $0x7;
	s4 =	ssub.s32 $0x2, s4;
	s6 =	sor.u32 s1, s2  }
0x5: {  	s2 =	simm.s32 $0x0;
	s7 =	smul.u32 $0xA00, s6;
	s6 =	sshrl.u32 s6, $0x3  }
0x6: {  	s8 =	sand.u32 $0x380, s8;
	[smem:$0x7FF] =	sst s2;
	s6 =	smul.u32 $0x13C00, s6  }
0x7: {  	s30 =	sshrl.u32 s4, $0x1;
	_ =	strace $0x80000047;
	s3 =	sadd.s32 s7, s3  }
0x8: {  	s7 =	ssub.s32 s4, s30;
	s6 =	sor.u32 s8, s6;
	s3 =	sadd.s32 $0x17E00, s3  }
0x9: {  	s8 =	simm.s32 $0x80;
	s31 =	sshrl.u32 s6, $0x3;
	s6 =	simm.s32 $0x1  }
0xa: {  	v0 =	vimm.f32 $0.0e+00;
	v1 =	vimm.f32 $1.000000000e+00;
	s4 =	sadd.s32 s5, s31;
	s5 =	smax.u32 s7, $0x1;
	s7 =	simm.s32 $0x5000  }
.LBB2_1:
0xb: {  	s10 =	simm.s32 $0x40;
	s11 =	simm.s32 $0x0  }
.LBB2_2:
0xc: {  	p0 =	sne.s32 s10, $0x9DC0;
	[tilespmem:s11+$0x5000] =	vst v0;
	s11 =	smov.u32 s10;
	s10 =	sadd.s32 $0x40, s10  }
.Ltmp0:
0xd: {  	(pc) =	sbr.rel @p0 .LBB2_2-.Ltmp0, $2  }
0xe: {  	_ =	sdelay $0x2  }
0xf: {  	s11 =	sshra.s32 s11, $0x2  }
0x10: {  	[tilespmem:s11+$0x5000] =	vst v0;
	s10 =	simm.s32 $0x0  }
0x11: {  	[tilespmem:s10], [sflag:$0x1] =	stream.linear.gather [hbm4b:s3+s10], $0x4E80, $0x38;
	[tilespmem:$0x7780] =	vst v63  }
0x12: {  	_ =	swait.ge [sflag:s6], $0x4E80  }
0x13: {  	[sflag:s6] =	ssyncset.done $0x0  }
0x14: {  	[sflag:s6] =	ssyncadd.s32 $0xFFFFB180  }
.LBB2_4:
0x15: {  	s11 =	sshra.s32 s10, $0x2  }
0x16: {  	v2 =	vld [tilespmem:s11+$0x0];
	_ =	sdelay $0x7  }
0x17: {  	[tilespmem:v2+s7+$0x0] =	vst.idx.add.f32.msk $0xffff, v1  }
0x18: {  	v2 =	vld [tilespmem:s11+$0x10];
	_ =	sdelay $0x7  }
0x19: {  	[tilespmem:v2+s7+$0x0] =	vst.idx.add.f32.msk $0xffff, v1  }
0x1a: {  	v2 =	vld [tilespmem:s11+$0x20];
	_ =	sdelay $0x7  }
0x1b: {  	[tilespmem:v2+s7+$0x0] =	vst.idx.add.f32.msk $0xffff, v1  }
0x1c: {  	v2 =	vld [tilespmem:s11+$0x30];
	_ =	sdelay $0x7  }
0x1d: {  	[tilespmem:v2+s7+$0x0] =	vst.idx.add.f32.msk $0xffff, v1  }
0x1e: {  	v2 =	vld [tilespmem:s11+$0x40];
	_ =	sdelay $0x7  }
0x1f: {  	[tilespmem:v2+s7+$0x0] =	vst.idx.add.f32.msk $0xffff, v1  }
0x20: {  	v2 =	vld [tilespmem:s11+$0x50];
	_ =	sdelay $0x7  }
0x21: {  	[tilespmem:v2+s7+$0x0] =	vst.idx.add.f32.msk $0xffff, v1  }
0x22: {  	v2 =	vld [tilespmem:s11+$0x60];
	_ =	sdelay $0x7  }
0x23: {  	[tilespmem:v2+s7+$0x0] =	vst.idx.add.f32.msk $0xffff, v1  }
0x24: {  	v2 =	vld [tilespmem:s11+$0x70];
	_ =	sdelay $0x2  }
0x25: {  	p0 =	sne.s32 s10, $0x13800  }
.Ltmp1:
0x26: {  	_ = 	snop;
	(pc) =	sbr.rel @p0 .LBB2_4-.Ltmp1, $2  }
0x27: {  	_ =	sdelay $0x2  }
0x28: {  	s10 =	sadd.s32 $0x200, s10;
	[tilespmem:v2+s7+$0x0] =	vst.idx.add.f32.msk $0xffff, v1  }
0x29: {  	s2 =	sadd.s32 $0x1, s2  }
0x2a: {  	p0 =	sne.s32 s2, s5  }
.Ltmp2:
0x2b: {  	_ = 	snop;
	(pc) =	sbr.rel @p0 .LBB2_1-.Ltmp2, $4  }
0x2c: {  	[hbm4b:s4+s8] =	stream.strided.scatter [tilespmem:s7], [sflag:$0x1], $0x2780, s9, s8, $0x38;
	[tilespmem:$0x7780] =	vst v63  }
0x2d: {  	_ =	swait.ge [sflag:s6], $0x2780  }
0x2e: {  	[sflag:s6] =	ssyncset.done $0x0  }
0x2f: {  	[sflag:s6] =	ssyncadd.s32 $0xFFFFD880  }
0x30: {  	_ =	sfence.sel $0x180000  }
0x31: {  	[bflag:$0x0] =	sbarrier.arrive $0xFFFF  }
0x32: {  	p0 =	sne.s32 s1, $0x0;
	_ =	strace $0x90000047  }
0x33: {  	s0 =	sadd.s32 @!p0 $0x100000, s0;
	[bflag:$0x2] =	sbarrier.arrive $0xFFFF  }
0x34: {  	[sflag:s0] =	ssyncadd.tile.s32 @!p0 $0x1;
	_ =	shalt  }
.Lfunc_end2:
_tile_overlayer_lowered:
.L_overlay_start_2:
0x35: {  	(tag) =	ssettag $0x2  }
0x36: {  	s0 =	rddreg [dreg:$0x0];
	s2 =	stileid.u32  }
0x37: {  	s1 =	rddreg [dreg:$0x1];
	p0 =	sne.s32 s2, $0x0  }
0x38: {  	s3 =	rddreg [dreg:$0x2];
	[bflag:$0x3] =	sbarrier.arrive $0xFFFF;
	s2 =	simm.s32 @!p0 $0x1C01  }
0x39: {  	[timem:s3], [sflag:s2] =	dma.local @!p0 [hbm:s0], s1  }
0x3a: {  	s0 =	simm.s32 @!p0 $0x1  }
0x3b: {  	_ =	swait.ge @!p0 [sflag:s0], s1  }
0x3c: {  	s1 =	ssub.s32 @!p0 $0x0, s1;
	[sflag:s0] =	ssyncset.done @!p0 $0x0  }
0x3d: {  	[sflag:s0] =	ssyncadd.s32 @!p0 s1  }
0x3e: {  	[bflag:$0x3] =	sbarrier.arrive $0xFFFF  }
0x3f: {  	_ =	shalt  }

// kernel: kernel.15.cloned.1.call-start
scs
__scs_entry_jumppad:
0x0: {  	(pc) =	sbr.rel $0x88, $3  }
0x1: {  	(tag) =	ssettag $0x0;
	lr =	simm.s32 $0x1  }
0x2: {  	[smem:$0x3F99] =	sst lr;
	_ =	strace $0xD0000000  }
0x3: {  	_ = 	snop  }
0x4: {  	_ = 	snop  }
0x5: {  	_ = 	snop  }
0x6: {  	_ = 	snop  }
0x7: {  	_ = 	snop  }
__scs_overlays_trampoline_lowered:
0x8: {  	[smem:$0x3FA8] =	sst s0  }
0x9: {  	[smem:$0x3FA9] =	sst s1  }
0xa: {  	[smem:$0x3FAA] =	sst s2  }
0xb: {  	[smem:$0x3FAB] =	sst s3  }
0xc: {  	[smem:$0x3FAC] =	sst s4  }
0xd: {  	[smem:$0x3FAD] =	sst s5  }
0xe: {  	[smem:$0x3FAE] =	sst s6  }
0xf: {  	[smem:$0x3FAF] =	sst s7  }
0x10: {  	[smem:$0x3FB0] =	sst s8  }
0x11: {  	[smem:$0x3FB1] =	sst s9;
	s0 =	simm.s32 @!p0 $0x0  }
0x12: {  	s1 =	sld [smem:$0x3F97];
	s0 =	simm.s32 @p0 $0x1  }
0x13: {  	[smem:$0x3FB2] =	sst s0;
	s0 =	simm.s32 @!p1 $0x0  }
0x14: {  	s2 =	sld [smem:$0x3F96];
	s0 =	simm.s32 @p1 $0x1  }
0x15: {  	[smem:$0x3FB3] =	sst s0;
	s0 =	simm.s32 @!p2 $0x0  }
0x16: {  	s3 =	sld [smem:$0x3FDB];
	s0 =	simm.s32 @p2 $0x1  }
0x17: {  	s4 =	simm.s32 $0x1BF5;
	[smem:$0x3FB5] =	sst s0  }
0x18: {  	s0 =	sld [smem:$0x3F98];
	_ =	swait.ge [sflag:s4], $0x0  }
0x19: {  	s7 =	sld [smem:$0x3F99]  }
0x1a: {  	s8 =	sadd.s32 $0xFFFFE003, lr  }
0x1b: {  	s9 =	sadd.s32 $0xFFFFFEF7, lr;
	s5 =	simm.s32 $0xFFFFFFFF;
	p2 =	slt.u32 s8, $0xFFFFF086  }
0x1c: {  	p1 =	slt.u32 s9, $0xF7A;
	s5 =	simm.s32 @!p2 $0x0  }
0x1d: {  	s5 =	simm.s32 @p1 $0x1;
	p0 =	seq.s32 s7, s2  }
0x1e: {  	s7 =	smul.u32 @!p0 $0xF7A, s2;
	p2 =	seq.s32 @!p0 s5, $0x0  }
0x1f: {  	s9 =	smul.u32 $0xF7A, s1;
	s8 =	simm.s32 @!p0 $0x1BF5;
	p2 =	por !p2, p0  }
0x20: {  	[sflag:s8] =	ssyncset.s32 @!p0 $0xFFFFF086;
	s6 =	sadd.s32 @!p0 s3, s7;
	s7 =	simm.s32 @!p0 $0x108  }
0x21: {  	s3 =	sadd.s32 s3, s9;
	s6 =	sadd.s32 @!p0 $0x88, s6;
	s7 =	simm.s32 @p2 $0x1082  }
0x22: {  	[simem:s7], [sflag:s8] =	dma.local @!p0 [hbm:s6], $0xF7A  }
0x23: {  	s9 =	sor.u32 $0xD0000000, s2;
	s6 =	simm.s32 $0x108;
	_ =	swait.ge @!p0 [sflag:s8], $0x0  }
0x24: {  	s3 =	sadd.s32 $0x88, s3;
	s6 =	simm.s32 @!p1 $0x1082;
	[sflag:s4] =	ssyncset.s32 $0xFFFFF086  }
0x25: {  	[simem:s6], [sflag:s4] =	dma.local [hbm:s3], $0xF7A  }
0x26: {  	[smem:$0x3F99] =	sst s1;
	(tag) =	ssettag s2;
	_ =	strace s9  }
0x27: {  	s1 =	sld [smem:$0x3FA9]  }
0x28: {  	s2 =	sld [smem:$0x3FAA]  }
0x29: {  	s4 =	sld [smem:$0x3FAC]  }
0x2a: {  	p0 =	seq.s32 s5, $0x0;
	s5 =	sld [smem:$0x3FAD]  }
0x2b: {  	s6 =	sld [smem:$0x3FAE]  }
0x2c: {  	s7 =	sld [smem:$0x3FAF]  }
0x2d: {  	s3 =	simm.s32 $0x108;
	s8 =	sld [smem:$0x3FB0]  }
0x2e: {  	s3 =	simm.s32 @!p0 $0x1082;
	s9 =	sld [smem:$0x3FB1]  }
0x2f: {  	lr =	sadd.s32 s0, s3;
	s0 =	sld [smem:$0x3FA8]  }
0x30: {  	s3 =	sld [smem:$0x3FAB]  }
0x31: {  	[smem:$0x3FB4] =	sst s10  }
0x32: {  	s10 =	sld [smem:$0x3FB2];
	_ =	sdelay $0x3  }
0x33: {  	p0 =	seq.s32 s10, $0x1;
	s10 =	sld [smem:$0x3FB4];
	_ =	sdelay $0x3  }
0x34: {  	[smem:$0x3FB4] =	sst s10  }
0x35: {  	s10 =	sld [smem:$0x3FB3];
	_ =	sdelay $0x3  }
0x36: {  	p1 =	seq.s32 s10, $0x1;
	s10 =	sld [smem:$0x3FB4];
	_ =	sdelay $0x3  }
0x37: {  	[smem:$0x3FB4] =	sst s10  }
0x38: {  	s10 =	sld [smem:$0x3FB5]  }
0x39: {  	_ = 	snop;
	(pc) =	sbr.ind lr, $3  }
0x3a: {  	_ = 	snop  }
0x3b: {  	_ = 	snop  }
0x3c: {  	p2 =	seq.s32 s10, $0x1;
	s10 =	sld [smem:$0x3FB4]  }
0x3d: {  	_ =	shalt  }
0x3e: {  	_ =	shalt  }
0x3f: {  	_ =	shalt  }
0x40: {  	_ =	shalt  }
0x41: {  	_ =	shalt  }
0x42: {  	_ =	shalt  }
0x43: {  	_ =	shalt  }
0x44: {  	_ =	shalt  }
0x45: {  	_ =	shalt  }
0x46: {  	_ =	shalt  }
0x47: {  	_ =	shalt  }
0x48: {  	_ =	shalt  }
0x49: {  	_ =	shalt  }
0x4a: {  	_ =	shalt  }
0x4b: {  	_ =	shalt  }
0x4c: {  	_ =	shalt  }
0x4d: {  	_ =	shalt  }
0x4e: {  	_ =	shalt  }
0x4f: {  	_ =	shalt  }
0x50: {  	_ =	shalt  }
0x51: {  	_ =	shalt  }
0x52: {  	_ =	shalt  }
0x53: {  	_ =	shalt  }
0x54: {  	_ =	shalt  }
0x55: {  	_ =	shalt  }
0x56: {  	_ =	shalt  }
0x57: {  	_ =	shalt  }
0x58: {  	_ =	shalt  }
0x59: {  	_ =	shalt  }
0x5a: {  	_ =	shalt  }
0x5b: {  	_ =	shalt  }
0x5c: {  	_ =	shalt  }
0x5d: {  	_ =	shalt  }
0x5e: {  	_ =	shalt  }
0x5f: {  	_ =	shalt  }
0x60: {  	_ =	shalt  }
0x61: {  	_ =	shalt  }
0x62: {  	_ =	shalt  }
0x63: {  	_ =	shalt  }
0x64: {  	_ =	shalt  }
0x65: {  	_ =	shalt  }
0x66: {  	_ =	shalt  }
0x67: {  	_ =	shalt  }
0x68: {  	_ =	shalt  }
0x69: {  	_ =	shalt  }
0x6a: {  	_ =	shalt  }
0x6b: {  	_ =	shalt  }
0x6c: {  	_ =	shalt  }
0x6d: {  	_ =	shalt  }
0x6e: {  	_ =	shalt  }
0x6f: {  	_ =	shalt  }
0x70: {  	_ =	shalt  }
0x71: {  	_ =	shalt  }
0x72: {  	_ =	shalt  }
0x73: {  	_ =	shalt  }
0x74: {  	_ =	shalt  }
0x75: {  	_ =	shalt  }
0x76: {  	_ =	shalt  }
0x77: {  	_ =	shalt  }
0x78: {  	_ =	shalt  }
0x79: {  	_ =	shalt  }
0x7a: {  	_ =	shalt  }
0x7b: {  	_ =	shalt  }
0x7c: {  	_ =	shalt  }
0x7d: {  	_ =	shalt  }
0x7e: {  	_ =	shalt  }
0x7f: {  	_ =	shalt  }
0x80: {  	_ =	shalt  }
0x81: {  	_ =	shalt  }
0x82: {  	_ =	shalt  }
0x83: {  	_ =	shalt  }
0x84: {  	_ =	shalt  }
0x85: {  	_ =	shalt  }
0x86: {  	_ =	shalt  }
0x87: {  	_ =	shalt  }
.Lfunc_end0:
.L_simem_size_0:
called_computation.1_lowered:
.L_overlay_start_0:
0x88: {  	s2 =	sld [smem:$0x3FD9]  }
0x89: {  	s3 =	sld [smem:$0x3FFE];
	_ =	sdelay $0x1  }
0x8a: {  	s1 =	srdreg.scid  }
0x8b: {  	s0 =	sand.u32 $0x1, s1  }
0x8c: {  	s17 =	sshll.u32 s0, $0xA;
	s2 =	sadd.s32 s3, s2  }
0x8d: {  	s2 =	sadd.s32 s2, s17  }
0x8e: {  	[smem:$0x3FC0] =	sst s2  }
0x8f: {  	_ = 	snop  }
0x90: {  	s2 =	sld [smem:$0x3FD0];
	(tm) =	ssettm $0x1  }
0x91: {  	s18 =	sld [smem:$0x3FFB];
	_ =	sdelay $0x3  }
0x92: {  	_ =	strace s18  }
0x93: {  	s3 =	sld [smem:$0x3FFC];
	_ =	sdelay $0x3  }
0x94: {  	_ =	strace s3  }
0x95: {  	s3 =	sld [smem:$0x3FFD];
	_ =	sdelay $0x3  }
0x96: {  	_ =	strace s3  }
0x97: {  	_ =	strace $0x8FFFFFFF  }
0x98: {  	s19 =	sld [smem:$0x3FDB];
	_ =	sdelay $0x1  }
0x99: {  	s4 =	simm.s32 $_scs_section_size  }
0x9a: {  	s5 =	simm.s32 $_size__tile_overlayer_lowered;
	s6 =	simm.s32 $_tile_overlayer_lowered  }
0x9b: {  	s22 =	simm.s32 $0x1BFF;
	s21 =	sshll.u32 s6, $0x1;
	s3 =	sadd.s32 s4, s19  }
0x9c: {  	s7 =	simm.s32 $0x0;
	s20 =	sshll.u32 s5, $0x1;
	s5 =	sadd.s32 s21, s3  }
0x9d: {  	[timem:s7], [sflag:s22] =	dma.local [hbm:s5], s20  }
0x9e: {  	_ =	swait.ge [sflag:s22], s20  }
0x9f: {  	s4 =	ssub.s32 $0x0, s20;
	[sflag:s22] =	ssyncset.done $0x0  }
0xa0: {  	[sflag:s22] =	ssyncadd.s32 s4;
	_ =	sdelay $0x1  }
0xa1: {  	s23 =	simm.s32 $0x1B8B  }
0xa2: {  	_ =	swait.ge [sflag:s23], $0x1  }
0xa3: {  	[sflag:s23] =	ssyncset.done $0x0  }
0xa4: {  	s25 =	simm.s32 $0x1B8E;
	s24 =	sld [smem:$0x3FFE];
	[sflag:s23] =	ssyncadd.s32 $0xFFFFFFFF  }
0xa5: {  	s26 =	simm.s32 $execute0_lowered;
	[smem:$0x3FD2] =	sst s25  }
0xa6: {  	s5 =	sshll.u32 s26, $0x1;
	_ =	strace $0x80000049;
	[dreg:$0x1] =	wrdreg $0xFFFFFFFF  }
0xa7: {  	s28 =	simm.s32 $_size_execute0_lowered;
	s3 =	sadd.s32 s3, s5;
	[dreg:$0x0] =	wrdreg $0x0  }
0xa8: {  	s5 =	sshll.u32 s28, $0x1;
	[dreg:$0x2] =	wrdreg s3  }
0xa9: {  	[dreg:$0x3] =	wrdreg s5  }
0xaa: {  	[dreg:$0x4] =	wrdreg $0xC0  }
0xab: {  	_ =	task [dreg:s7], $0x5FFFF  }
0xac: {  	[dreg:$0x1] =	wrdreg $0xFFFFFFFF  }
0xad: {  	[dreg:$0x0] =	wrdreg $0x60  }
0xae: {  	[dreg:$0x2] =	wrdreg s24  }
0xaf: {  	[dreg:$0x3] =	wrdreg s2  }
0xb0: {  	[dreg:$0x4] =	wrdreg $0xD4800  }
0xb1: {  	[dreg:$0x5] =	wrdreg $0xFC000  }
0xb2: {  	[dreg:$0x6] =	wrdreg $0x9  }
0xb3: {  	_ =	task.clear_ibuf [dreg:s7], $0x7FFFF;
	_ =	strace $0x90000049  }
0xb4: {  	s29 =	simm.s32 $0x9;
	_ =	strace $0x8000004B  }
0xb5: {  	_ =	swait.ge [sflag:s29], $0x1  }
0xb6: {  	[sflag:s29] =	ssyncadd.s32 $0xFFFFFFFF  }
0xb7: {  	_ =	strace $0x9000004B  }
0xb8: {  	_ =	sfence  }
0xb9: {  	s30 =	sld [smem:$0x0];
	_ =	sdelay $0x2  }
0xba: {  	s31 =	sshll.u32 s1, $0xD;
	s1 =	sshrl.u32 s1, $0x2  }
0xbb: {  	s3 =	sand.u32 $0x4000, s31;
	s1 =	sadd.s32 s1, s30  }
0xbc: {  	s0 =	sor.u32 s3, s0;
	s1 =	sshll.u32 s1, $0x11  }
0xbd: {  	s0 =	sor.u32 s1, s0  }
0xbe: {  	s0 =	sadd.s32 $0x8F2B, s0  }
0xbf: {  	[sflag:s0] =	ssyncadd.remote.s32 $0x1  }
0xc0: {  	_ =	sfence.sel $0xFFFF  }
0xc1: {  	[dreg:$0x0] =	wrdreg $0xFFFFFFFF;
	(pc) =	sbr.abs _section_cstart, $3  }
0xc2: {  	[dreg:$0x1] =	wrdreg $0xFFFFFFFF  }
0xc3: {  	_ =	task.clear_ibuf [dreg:s7], $0x2FFFF;
	_ =	strace $0x9FFFFFFF  }
0xc4: {  	(tm) =	ssettm $0x7FFFFFFF  }
0xc5: {  	_ =	shalt  }
tec
execute0_lowered:
.L_overlay_start_1:
0x0: {  	(tag) =	ssettag $0x1  }
0x1: {  	s5 =	rddreg [dreg:$0x0]  }
0x2: {  	s9 =	rddreg [dreg:$0x1]  }
0x3: {  	s1 =	rddreg [dreg:$0x2]  }
0x4: {  	s2 =	rddreg [dreg:$0x3]  }
0x5: {  	s3 =	srdreg.scid;
	s0 =	rddreg [dreg:$0x4];
	s4 =	simm.s32 $0x0  }
0x6: {  	s15 =	simm.s32 $0x4E80;
	s16 =	simm.s32 $0x80;
	s17 =	simm.s32 $0x9D00  }
0x7: {  	s18 =	simm.s32 $0x1;
	s19 =	simm.s32 $0xA500;
	s20 =	simm.s32 $0x2  }
0x8: {  	s21 =	simm.s32 $0x9C80;
	s6 =	sand.u32 $0x1, s3;
	s3 =	stileid.u32  }
0x9: {  	[smem:$0x7FF] =	sst s4;
	s7 =	sshll.u32 s6, $0x4;
	s8 =	smul.u32 $0x2780, s3  }
0xa: {  	_ =	strace $0x8000004A;
	s10 =	ssub.s32 $0x2, s6;
	s6 =	smul.u32 $0x27800, s6  }
0xb: {  	s31 =	sshll.u32 s3, $0x6;
	s7 =	sor.u32 s3, s7;
	s12 =	sshrl.u32 s10, $0x1  }
0xc: {  	s7 =	smul.u32 $0x9D0, s7;
	s11 =	sshrl.u32 s8, $0x3;
	s10 =	ssub.s32 s10, s12  }
0xd: {  	s14 =	sadd.s32 s8, s2;
	s12 =	simm.s32 $0x3;
	s11 =	sadd.s32 s11, s5  }
0xe: {  	s10 =	smax.u32 s10, $0x1;
	s14 =	sshrl.u32 s14, $0x3;
	s13 =	sadd.s32 s7, s5  }
0xf: {  	s5 =	sadd.s32 s8, s1;
	s8 =	sadd.s32 s8, s6;
	s6 =	sadd.s32 $0x17E00, s11  }
0x10: {  	s11 =	simm.s32 $0xAD00;
	s7 =	sadd.s32 $0x2BE00, s13;
	s30 =	sshrl.u32 s8, $0x3  }
0x11: {  	v0 =	vimm.f32 $0.0e+00;
	s8 =	sadd.s32 $0x4400, s13;
	s13 =	sor.u32 $0x1C03, s31;
	s9 =	sadd.s32 s9, s30  }
.LBB2_1:
0x12: {  	s22 =	simm.s32 $0x40;
	s23 =	simm.s32 $0x0  }
.LBB2_2:
0x13: {  	p0 =	sne.s32 s22, $0x9DC0;
	[tilespmem:s23+$0xAD00] =	vst v0;
	s23 =	smov.u32 s22;
	s22 =	sadd.s32 $0x40, s22  }
.Ltmp0:
0x14: {  	(pc) =	sbr.rel @p0 .LBB2_2-.Ltmp0, $2  }
0x15: {  	_ =	sdelay $0x2  }
0x16: {  	s23 =	sshra.s32 s23, $0x2  }
0x17: {  	[tilespmem:s23+$0xAD00] =	vst v0  }
0x18: {  	[spmem:s5] =	stream.linear.scatter [tilespmem:s11], [sflag:$0x3], $0x2780, $0x38;
	[tilespmem:$0x12380] =	vst v63  }
0x19: {  	_ =	swait.ge [sflag:s12], $0x2780  }
0x1a: {  	[sflag:s12] =	ssyncset.done $0x0  }
0x1b: {  	[sflag:s12] =	ssyncadd.s32 $0xFFFFD880  }
0x1c: {  	[spmem:s14], [sflag:s13] =	dma.local [hbm:s6], $0x4F0  }
0x1d: {  	_ =	swait.ge [sflag:s12], $0x4F0  }
0x1e: {  	[sflag:s12] =	ssyncset.done $0x0  }
0x1f: {  	s22 =	simm.s32 $0x0;
	[sflag:s12] =	ssyncadd.s32 $0xFFFFFB10  }
0x20: {  	[tilespmem:s22], [sflag:$0x3] =	stream.linear.gather [hbm4b:s7+s22], $0x4E80, $0x38;
	[tilespmem:$0x12380] =	vst v63  }
0x21: {  	_ =	swait.ge [sflag:s12], $0x4E80  }
0x22: {  	[sflag:s12] =	ssyncset.done $0x0  }
0x23: {  	[sflag:s12] =	ssyncadd.s32 $0xFFFFB180  }
0x24: {  	[tilespmem:s15], [sflag:$0x3] =	stream.linear.gather [hbm4b:s8+s22], $0x4E80, $0x38;
	[tilespmem:$0x12380] =	vst v63  }
0x25: {  	_ =	swait.ge [sflag:s12], $0x4E80  }
0x26: {  	[sflag:s12] =	ssyncset.done $0x0  }
0x27: {  	[sflag:s12] =	ssyncadd.s32 $0xFFFFB180  }
0x28: {  	[bflag:$0x0] =	sbarrier.arrive $0xFFFF  }
0x29: {  	[tilespmem:s17], [sflag:$0x1] =	stream.indirect.gather [spmem:s2], $0x10, s22, s16, $0xb8;
	[tilespmem:$0x12380] =	vst v63  }
0x2a: {  	_ =	swait.ge [sflag:s18], $0x800  }
0x2b: {  	[sflag:s18] =	ssyncset.done $0x0  }
0x2c: {  	s28 =	simm.s32 $0x80;
	[sflag:s18] =	ssyncadd.s32 $0xFFFFF800  }
0x2d: {  	[tilespmem:s19], [sflag:$0x2] =	stream.indirect.gather [spmem:s2], $0x10, s28, s16, $0xb8;
	[tilespmem:$0x12380] =	vst v63  }
0x2e: {  	s29 =	simm.s32 $0x4E80  }
0x2f: {  	[spmem:s1] =	stream.indirect.scatter.add.f32 [tilespmem:s17], [sflag:$0x3], $0x10, s29, s16, $0xb8;
	[tilespmem:$0x12380] =	vst v63  }
0x30: {  	_ =	swait.ge [sflag:s12], $0x800  }
0x31: {  	[sflag:s12] =	ssyncset.done $0x0  }
0x32: {  	[sflag:s12] =	ssyncadd.s32 $0xFFFFF800  }
0x33: {  	_ =	swait.ge [sflag:s20], $0x800  }
0x34: {  	[sflag:s20] =	ssyncset.done $0x0  }
0x35: {  	s30 =	simm.s32 $0x100;
	[sflag:s20] =	ssyncadd.s32 $0xFFFFF800  }
0x36: {  	[tilespmem:s17], [sflag:$0x1] =	stream.indirect.gather [spmem:s2], $0x10, s30, s16, $0xb8;
	[tilespmem:$0x12380] =	vst v63  }
0x37: {  	s31 =	simm.s32 $0x4F00  }
0x38: {  	[spmem:s1] =	stream.indirect.scatter.add.f32 [tilespmem:s19], [sflag:$0x3], $0x10, s31, s16, $0xb8;
	[tilespmem:$0x12380] =	vst v63  }
0x39: {  	_ =	swait.ge [sflag:s12], $0x800  }
0x3a: {  	s22 =	simm.s32 $0x400;
	[sflag:s12] =	ssyncset.done $0x0  }
.LBB2_4:
0x3b: {  	p0 =	sne.s32 s22, $0x13400  }
0x3c: {  	[sflag:s12] =	ssyncadd.s32 $0xFFFFF800;
	s23 =	smov.u32 s22;
	s22 =	sadd.s32 $0x400, s22  }
0x3d: {  	_ = 	snop  }
0x3e: {  	_ =	swait.ge [sflag:s18], $0x800  }
0x3f: {  	s23 =	sshra.s32 s23, $0x2;
	[sflag:s18] =	ssyncset.done $0x0  }
0x40: {  	s24 =	sadd.s32 $0x80, s23;
	[sflag:s18] =	ssyncadd.s32 $0xFFFFF800  }
0x41: {  	[tilespmem:s19], [sflag:$0x2] =	stream.indirect.gather [spmem:s2], $0x10, s24, s16, $0xb8;
	[tilespmem:$0x12380] =	vst v63  }
0x42: {  	s24 =	sadd.s32 $0x4E80, s23  }
0x43: {  	[spmem:s1] =	stream.indirect.scatter.add.f32 [tilespmem:s17], [sflag:$0x3], $0x10, s24, s16, $0xb8;
	[tilespmem:$0x12380] =	vst v63  }
0x44: {  	_ =	swait.ge [sflag:s12], $0x800  }
0x45: {  	[sflag:s12] =	ssyncset.done $0x0  }
0x46: {  	[sflag:s12] =	ssyncadd.s32 $0xFFFFF800  }
0x47: {  	_ =	swait.ge [sflag:s20], $0x800  }
0x48: {  	[sflag:s20] =	ssyncset.done $0x0  }
0x49: {  	s24 =	sadd.s32 $0x100, s23;
	[sflag:s20] =	ssyncadd.s32 $0xFFFFF800  }
0x4a: {  	[tilespmem:s17], [sflag:$0x1] =	stream.indirect.gather [spmem:s2], $0x10, s24, s16, $0xb8;
	[tilespmem:$0x12380] =	vst v63  }
.Ltmp1:
0x4b: {  	_ = 	snop;
	(pc) =	sbr.rel @p0 .LBB2_4-.Ltmp1, $4  }
0x4c: {  	s23 =	sadd.s32 $0x4F00, s23  }
0x4d: {  	[spmem:s1] =	stream.indirect.scatter.add.f32 [tilespmem:s19], [sflag:$0x3], $0x10, s23, s16, $0xb8;
	[tilespmem:$0x12380] =	vst v63  }
0x4e: {  	_ =	swait.ge [sflag:s12], $0x800  }
0x4f: {  	[sflag:s12] =	ssyncset.done $0x0  }
0x50: {  	[sflag:s12] =	ssyncadd.s32 $0xFFFFF800  }
0x51: {  	_ =	swait.ge [sflag:s18], $0x800  }
0x52: {  	[sflag:s18] =	ssyncset.done $0x0  }
0x53: {  	[sflag:s18] =	ssyncadd.s32 $0xFFFFF800  }
0x54: {  	[spmem:s1] =	stream.indirect.scatter.add.f32 [tilespmem:s17], [sflag:$0x3], $0x10, s21, s16, $0xb8;
	[tilespmem:$0x12380] =	vst v63  }
0x55: {  	_ =	swait.ge [sflag:s12], $0x800  }
0x56: {  	s4 =	sadd.s32 $0x1, s4;
	[sflag:s12] =	ssyncset.done $0x0  }
0x57: {  	p0 =	sne.s32 s4, s10;
	[sflag:s12] =	ssyncadd.s32 $0xFFFFF800  }
.Ltmp2:
0x58: {  	s22 =	sshrl.u32 s5, $0x3;
	[bflag:$0x0] =	sbarrier.arrive $0xFFFF;
	(pc) =	sbr.rel @p0 .LBB2_1-.Ltmp2, $4  }
0x59: {  	[hbm:s9], [sflag:s13] =	dma.local [spmem:s22], $0x4F0  }
0x5a: {  	_ =	swait.ge [sflag:s12], $0x4F0  }
0x5b: {  	[sflag:s12] =	ssyncset.done $0x0  }
0x5c: {  	[sflag:s12] =	ssyncadd.s32 $0xFFFFFB10  }
0x5d: {  	_ =	sfence.sel $0x180000  }
0x5e: {  	[bflag:$0x0] =	sbarrier.arrive $0xFFFF  }
0x5f: {  	p0 =	sne.s32 s3, $0x0;
	_ =	strace $0x9000004A  }
0x60: {  	s0 =	sadd.s32 @!p0 $0x100000, s0;
	[bflag:$0x2] =	sbarrier.arrive $0xFFFF  }
0x61: {  	[sflag:s0] =	ssyncadd.tile.s32 @!p0 $0x1;
	_ =	shalt  }
.Lfunc_end2:
_tile_overlayer_lowered:
.L_overlay_start_2:
0x62: {  	(tag) =	ssettag $0x2  }
0x63: {  	s0 =	rddreg [dreg:$0x0];
	s2 =	stileid.u32  }
0x64: {  	s1 =	rddreg [dreg:$0x1];
	p0 =	sne.s32 s2, $0x0  }
0x65: {  	s3 =	rddreg [dreg:$0x2];
	[bflag:$0x3] =	sbarrier.arrive $0xFFFF;
	s2 =	simm.s32 @!p0 $0x1C03  }
0x66: {  	[timem:s3], [sflag:s2] =	dma.local @!p0 [hbm:s0], s1  }
0x67: {  	s0 =	simm.s32 @!p0 $0x3  }
0x68: {  	_ =	swait.ge @!p0 [sflag:s0], s1  }
0x69: {  	s1 =	ssub.s32 @!p0 $0x0, s1;
	[sflag:s0] =	ssyncset.done @!p0 $0x0  }
0x6a: {  	[sflag:s0] =	ssyncadd.s32 @!p0 s1  }
0x6b: {  	[bflag:$0x3] =	sbarrier.arrive $0xFFFF  }
0x6c: {  	_ =	shalt  }

// kernel: kernel.18.cloned.1.call-start
scs
__scs_entry_jumppad:
0x0: {  	(pc) =	sbr.rel $0x88, $3  }
0x1: {  	(tag) =	ssettag $0x0;
	lr =	simm.s32 $0x1  }
0x2: {  	[smem:$0x3F99] =	sst lr;
	_ =	strace $0xD0000000  }
0x3: {  	_ = 	snop  }
0x4: {  	_ = 	snop  }
0x5: {  	_ = 	snop  }
0x6: {  	_ = 	snop  }
0x7: {  	_ = 	snop  }
__scs_overlays_trampoline_lowered:
0x8: {  	[smem:$0x3FA8] =	sst s0  }
0x9: {  	[smem:$0x3FA9] =	sst s1  }
0xa: {  	[smem:$0x3FAA] =	sst s2  }
0xb: {  	[smem:$0x3FAB] =	sst s3  }
0xc: {  	[smem:$0x3FAC] =	sst s4  }
0xd: {  	[smem:$0x3FAD] =	sst s5  }
0xe: {  	[smem:$0x3FAE] =	sst s6  }
0xf: {  	[smem:$0x3FAF] =	sst s7  }
0x10: {  	[smem:$0x3FB0] =	sst s8  }
0x11: {  	[smem:$0x3FB1] =	sst s9;
	s0 =	simm.s32 @!p0 $0x0  }
0x12: {  	s1 =	sld [smem:$0x3F97];
	s0 =	simm.s32 @p0 $0x1  }
0x13: {  	[smem:$0x3FB2] =	sst s0;
	s0 =	simm.s32 @!p1 $0x0  }
0x14: {  	s2 =	sld [smem:$0x3F96];
	s0 =	simm.s32 @p1 $0x1  }
0x15: {  	[smem:$0x3FB3] =	sst s0;
	s0 =	simm.s32 @!p2 $0x0  }
0x16: {  	s3 =	sld [smem:$0x3FDB];
	s0 =	simm.s32 @p2 $0x1  }
0x17: {  	s4 =	simm.s32 $0x1BF5;
	[smem:$0x3FB5] =	sst s0  }
0x18: {  	s0 =	sld [smem:$0x3F98];
	_ =	swait.ge [sflag:s4], $0x0  }
0x19: {  	s7 =	sld [smem:$0x3F99]  }
0x1a: {  	s8 =	sadd.s32 $0xFFFFE003, lr  }
0x1b: {  	s9 =	sadd.s32 $0xFFFFFEF7, lr;
	s5 =	simm.s32 $0xFFFFFFFF;
	p2 =	slt.u32 s8, $0xFFFFF086  }
0x1c: {  	p1 =	slt.u32 s9, $0xF7A;
	s5 =	simm.s32 @!p2 $0x0  }
0x1d: {  	s5 =	simm.s32 @p1 $0x1;
	p0 =	seq.s32 s7, s2  }
0x1e: {  	s7 =	smul.u32 @!p0 $0xF7A, s2;
	p2 =	seq.s32 @!p0 s5, $0x0  }
0x1f: {  	s9 =	smul.u32 $0xF7A, s1;
	s8 =	simm.s32 @!p0 $0x1BF5;
	p2 =	por !p2, p0  }
0x20: {  	[sflag:s8] =	ssyncset.s32 @!p0 $0xFFFFF086;
	s6 =	sadd.s32 @!p0 s3, s7;
	s7 =	simm.s32 @!p0 $0x108  }
0x21: {  	s3 =	sadd.s32 s3, s9;
	s6 =	sadd.s32 @!p0 $0x88, s6;
	s7 =	simm.s32 @p2 $0x1082  }
0x22: {  	[simem:s7], [sflag:s8] =	dma.local @!p0 [hbm:s6], $0xF7A  }
0x23: {  	s9 =	sor.u32 $0xD0000000, s2;
	s6 =	simm.s32 $0x108;
	_ =	swait.ge @!p0 [sflag:s8], $0x0  }
0x24: {  	s3 =	sadd.s32 $0x88, s3;
	s6 =	simm.s32 @!p1 $0x1082;
	[sflag:s4] =	ssyncset.s32 $0xFFFFF086  }
0x25: {  	[simem:s6], [sflag:s4] =	dma.local [hbm:s3], $0xF7A  }
0x26: {  	[smem:$0x3F99] =	sst s1;
	(tag) =	ssettag s2;
	_ =	strace s9  }
0x27: {  	s1 =	sld [smem:$0x3FA9]  }
0x28: {  	s2 =	sld [smem:$0x3FAA]  }
0x29: {  	s4 =	sld [smem:$0x3FAC]  }
0x2a: {  	p0 =	seq.s32 s5, $0x0;
	s5 =	sld [smem:$0x3FAD]  }
0x2b: {  	s6 =	sld [smem:$0x3FAE]  }
0x2c: {  	s7 =	sld [smem:$0x3FAF]  }
0x2d: {  	s3 =	simm.s32 $0x108;
	s8 =	sld [smem:$0x3FB0]  }
0x2e: {  	s3 =	simm.s32 @!p0 $0x1082;
	s9 =	sld [smem:$0x3FB1]  }
0x2f: {  	lr =	sadd.s32 s0, s3;
	s0 =	sld [smem:$0x3FA8]  }
0x30: {  	s3 =	sld [smem:$0x3FAB]  }
0x31: {  	[smem:$0x3FB4] =	sst s10  }
0x32: {  	s10 =	sld [smem:$0x3FB2];
	_ =	sdelay $0x3  }
0x33: {  	p0 =	seq.s32 s10, $0x1;
	s10 =	sld [smem:$0x3FB4];
	_ =	sdelay $0x3  }
0x34: {  	[smem:$0x3FB4] =	sst s10  }
0x35: {  	s10 =	sld [smem:$0x3FB3];
	_ =	sdelay $0x3  }
0x36: {  	p1 =	seq.s32 s10, $0x1;
	s10 =	sld [smem:$0x3FB4];
	_ =	sdelay $0x3  }
0x37: {  	[smem:$0x3FB4] =	sst s10  }
0x38: {  	s10 =	sld [smem:$0x3FB5]  }
0x39: {  	_ = 	snop;
	(pc) =	sbr.ind lr, $3  }
0x3a: {  	_ = 	snop  }
0x3b: {  	_ = 	snop  }
0x3c: {  	p2 =	seq.s32 s10, $0x1;
	s10 =	sld [smem:$0x3FB4]  }
0x3d: {  	_ =	shalt  }
0x3e: {  	_ =	shalt  }
0x3f: {  	_ =	shalt  }
0x40: {  	_ =	shalt  }
0x41: {  	_ =	shalt  }
0x42: {  	_ =	shalt  }
0x43: {  	_ =	shalt  }
0x44: {  	_ =	shalt  }
0x45: {  	_ =	shalt  }
0x46: {  	_ =	shalt  }
0x47: {  	_ =	shalt  }
0x48: {  	_ =	shalt  }
0x49: {  	_ =	shalt  }
0x4a: {  	_ =	shalt  }
0x4b: {  	_ =	shalt  }
0x4c: {  	_ =	shalt  }
0x4d: {  	_ =	shalt  }
0x4e: {  	_ =	shalt  }
0x4f: {  	_ =	shalt  }
0x50: {  	_ =	shalt  }
0x51: {  	_ =	shalt  }
0x52: {  	_ =	shalt  }
0x53: {  	_ =	shalt  }
0x54: {  	_ =	shalt  }
0x55: {  	_ =	shalt  }
0x56: {  	_ =	shalt  }
0x57: {  	_ =	shalt  }
0x58: {  	_ =	shalt  }
0x59: {  	_ =	shalt  }
0x5a: {  	_ =	shalt  }
0x5b: {  	_ =	shalt  }
0x5c: {  	_ =	shalt  }
0x5d: {  	_ =	shalt  }
0x5e: {  	_ =	shalt  }
0x5f: {  	_ =	shalt  }
0x60: {  	_ =	shalt  }
0x61: {  	_ =	shalt  }
0x62: {  	_ =	shalt  }
0x63: {  	_ =	shalt  }
0x64: {  	_ =	shalt  }
0x65: {  	_ =	shalt  }
0x66: {  	_ =	shalt  }
0x67: {  	_ =	shalt  }
0x68: {  	_ =	shalt  }
0x69: {  	_ =	shalt  }
0x6a: {  	_ =	shalt  }
0x6b: {  	_ =	shalt  }
0x6c: {  	_ =	shalt  }
0x6d: {  	_ =	shalt  }
0x6e: {  	_ =	shalt  }
0x6f: {  	_ =	shalt  }
0x70: {  	_ =	shalt  }
0x71: {  	_ =	shalt  }
0x72: {  	_ =	shalt  }
0x73: {  	_ =	shalt  }
0x74: {  	_ =	shalt  }
0x75: {  	_ =	shalt  }
0x76: {  	_ =	shalt  }
0x77: {  	_ =	shalt  }
0x78: {  	_ =	shalt  }
0x79: {  	_ =	shalt  }
0x7a: {  	_ =	shalt  }
0x7b: {  	_ =	shalt  }
0x7c: {  	_ =	shalt  }
0x7d: {  	_ =	shalt  }
0x7e: {  	_ =	shalt  }
0x7f: {  	_ =	shalt  }
0x80: {  	_ =	shalt  }
0x81: {  	_ =	shalt  }
0x82: {  	_ =	shalt  }
0x83: {  	_ =	shalt  }
0x84: {  	_ =	shalt  }
0x85: {  	_ =	shalt  }
0x86: {  	_ =	shalt  }
0x87: {  	_ =	shalt  }
.Lfunc_end0:
.L_simem_size_0:
called_computation.2_lowered:
.L_overlay_start_0:
0x88: {  	s2 =	sld [smem:$0x3FD9]  }
0x89: {  	s3 =	sld [smem:$0x3FFE];
	_ =	sdelay $0x1  }
0x8a: {  	s1 =	srdreg.scid  }
0x8b: {  	s0 =	sand.u32 $0x1, s1  }
0x8c: {  	s17 =	sshll.u32 s0, $0xA;
	s2 =	sadd.s32 s3, s2  }
0x8d: {  	s2 =	sadd.s32 s2, s17  }
0x8e: {  	[smem:$0x3FC0] =	sst s2  }
0x8f: {  	_ = 	snop  }
0x90: {  	s2 =	sld [smem:$0x3FD0];
	(tm) =	ssettm $0x1  }
0x91: {  	s18 =	sld [smem:$0x3FFB];
	_ =	sdelay $0x3  }
0x92: {  	_ =	strace s18  }
0x93: {  	s3 =	sld [smem:$0x3FFC];
	_ =	sdelay $0x3  }
0x94: {  	_ =	strace s3  }
0x95: {  	s3 =	sld [smem:$0x3FFD];
	_ =	sdelay $0x3  }
0x96: {  	_ =	strace s3  }
0x97: {  	_ =	strace $0x8FFFFFFF  }
0x98: {  	s19 =	sld [smem:$0x3FDB];
	_ =	sdelay $0x1  }
0x99: {  	s4 =	simm.s32 $_scs_section_size  }
0x9a: {  	s5 =	simm.s32 $_size__tile_overlayer_lowered;
	s6 =	simm.s32 $_tile_overlayer_lowered  }
0x9b: {  	s22 =	simm.s32 $0x1BFF;
	s21 =	sshll.u32 s6, $0x1;
	s3 =	sadd.s32 s4, s19  }
0x9c: {  	s7 =	simm.s32 $0x0;
	s20 =	sshll.u32 s5, $0x1;
	s5 =	sadd.s32 s21, s3  }
0x9d: {  	[timem:s7], [sflag:s22] =	dma.local [hbm:s5], s20  }
0x9e: {  	_ =	swait.ge [sflag:s22], s20  }
0x9f: {  	s4 =	ssub.s32 $0x0, s20;
	[sflag:s22] =	ssyncset.done $0x0  }
0xa0: {  	[sflag:s22] =	ssyncadd.s32 s4;
	_ =	sdelay $0x1  }
0xa1: {  	s23 =	simm.s32 $0x1B8B  }
0xa2: {  	_ =	swait.ge [sflag:s23], $0x1  }
0xa3: {  	[sflag:s23] =	ssyncset.done $0x0  }
0xa4: {  	s25 =	simm.s32 $0x1B8E;
	s24 =	sld [smem:$0x3FFE];
	[sflag:s23] =	ssyncadd.s32 $0xFFFFFFFF  }
0xa5: {  	s26 =	simm.s32 $execute0_lowered;
	[smem:$0x3FD2] =	sst s25  }
0xa6: {  	s5 =	sshll.u32 s26, $0x1;
	_ =	strace $0x8000004C;
	[dreg:$0x1] =	wrdreg $0xFFFFFFFF  }
0xa7: {  	s28 =	simm.s32 $_size_execute0_lowered;
	s3 =	sadd.s32 s3, s5;
	[dreg:$0x0] =	wrdreg $0x0  }
0xa8: {  	s5 =	sshll.u32 s28, $0x1;
	[dreg:$0x2] =	wrdreg s3  }
0xa9: {  	[dreg:$0x3] =	wrdreg s5  }
0xaa: {  	[dreg:$0x4] =	wrdreg $0xC0  }
0xab: {  	_ =	task [dreg:s7], $0x5FFFF  }
0xac: {  	[dreg:$0x1] =	wrdreg $0xFFFFFFFF  }
0xad: {  	[dreg:$0x0] =	wrdreg $0x60  }
0xae: {  	[dreg:$0x2] =	wrdreg s24  }
0xaf: {  	[dreg:$0x3] =	wrdreg s2  }
0xb0: {  	[dreg:$0x4] =	wrdreg $0xD4800  }
0xb1: {  	[dreg:$0x5] =	wrdreg $0xFC000  }
0xb2: {  	[dreg:$0x6] =	wrdreg $0x9  }
0xb3: {  	_ =	task.clear_ibuf [dreg:s7], $0x7FFFF;
	_ =	strace $0x9000004C  }
0xb4: {  	s29 =	simm.s32 $0x9;
	_ =	strace $0x8000004E  }
0xb5: {  	_ =	swait.ge [sflag:s29], $0x1  }
0xb6: {  	[sflag:s29] =	ssyncadd.s32 $0xFFFFFFFF  }
0xb7: {  	_ =	strace $0x9000004E  }
0xb8: {  	_ =	sfence  }
0xb9: {  	s30 =	sld [smem:$0x0];
	_ =	sdelay $0x2  }
0xba: {  	s31 =	sshll.u32 s1, $0xD;
	s1 =	sshrl.u32 s1, $0x2  }
0xbb: {  	s3 =	sand.u32 $0x4000, s31;
	s1 =	sadd.s32 s1, s30  }
0xbc: {  	s0 =	sor.u32 s3, s0;
	s1 =	sshll.u32 s1, $0x11  }
0xbd: {  	s0 =	sor.u32 s1, s0  }
0xbe: {  	s0 =	sadd.s32 $0x8F2B, s0  }
0xbf: {  	[sflag:s0] =	ssyncadd.remote.s32 $0x1  }
0xc0: {  	_ =	sfence.sel $0xFFFF  }
0xc1: {  	[dreg:$0x0] =	wrdreg $0xFFFFFFFF;
	(pc) =	sbr.abs _section_cstart, $3  }
0xc2: {  	[dreg:$0x1] =	wrdreg $0xFFFFFFFF  }
0xc3: {  	_ =	task.clear_ibuf [dreg:s7], $0x2FFFF;
	_ =	strace $0x9FFFFFFF  }
0xc4: {  	(tm) =	ssettm $0x7FFFFFFF  }
0xc5: {  	_ =	shalt  }
tec
execute0_lowered:
.L_overlay_start_1:
0x0: {  	(tag) =	ssettag $0x1  }
0x1: {  	s5 =	rddreg [dreg:$0x0]  }
0x2: {  	s9 =	rddreg [dreg:$0x1]  }
0x3: {  	s1 =	rddreg [dreg:$0x2]  }
0x4: {  	s2 =	rddreg [dreg:$0x3]  }
0x5: {  	s3 =	srdreg.scid;
	s0 =	rddreg [dreg:$0x4];
	s4 =	simm.s32 $0x0  }
0x6: {  	s15 =	simm.s32 $0x4E80;
	s16 =	simm.s32 $0x80;
	s17 =	simm.s32 $0x9D00  }
0x7: {  	s18 =	simm.s32 $0x1;
	s19 =	simm.s32 $0xA500;
	s20 =	simm.s32 $0x2  }
0x8: {  	s21 =	simm.s32 $0x9C80;
	s6 =	sand.u32 $0x1, s3;
	s3 =	stileid.u32  }
0x9: {  	[smem:$0x7FF] =	sst s4;
	s7 =	sshll.u32 s6, $0x4;
	s8 =	smul.u32 $0x2780, s3  }
0xa: {  	_ =	strace $0x8000004D;
	s10 =	ssub.s32 $0x2, s6;
	s6 =	smul.u32 $0x27800, s6  }
0xb: {  	s31 =	sshll.u32 s3, $0x6;
	s7 =	sor.u32 s3, s7;
	s12 =	sshrl.u32 s10, $0x1  }
0xc: {  	s7 =	smul.u32 $0x9D0, s7;
	s11 =	sshrl.u32 s8, $0x3;
	s10 =	ssub.s32 s10, s12  }
0xd: {  	s14 =	sadd.s32 s8, s2;
	s12 =	simm.s32 $0x3;
	s11 =	sadd.s32 s11, s5  }
0xe: {  	s10 =	smax.u32 s10, $0x1;
	s14 =	sshrl.u32 s14, $0x3;
	s13 =	sadd.s32 s7, s5  }
0xf: {  	s5 =	sadd.s32 s8, s1;
	s8 =	sadd.s32 s8, s6;
	s6 =	sadd.s32 $0x17E00, s11  }
0x10: {  	s11 =	simm.s32 $0xAD00;
	s7 =	sadd.s32 $0x2BE00, s13;
	s30 =	sshrl.u32 s8, $0x3  }
0x11: {  	v0 =	vimm.f32 $0.0e+00;
	s8 =	sadd.s32 $0x4400, s13;
	s13 =	sor.u32 $0x1C03, s31;
	s9 =	sadd.s32 s9, s30  }
.LBB2_1:
0x12: {  	s22 =	simm.s32 $0x40;
	s23 =	simm.s32 $0x0  }
.LBB2_2:
0x13: {  	p0 =	sne.s32 s22, $0x9DC0;
	[tilespmem:s23+$0xAD00] =	vst v0;
	s23 =	smov.u32 s22;
	s22 =	sadd.s32 $0x40, s22  }
.Ltmp0:
0x14: {  	(pc) =	sbr.rel @p0 .LBB2_2-.Ltmp0, $2  }
0x15: {  	_ =	sdelay $0x2  }
0x16: {  	s23 =	sshra.s32 s23, $0x2  }
0x17: {  	[tilespmem:s23+$0xAD00] =	vst v0  }
0x18: {  	[spmem:s5] =	stream.linear.scatter [tilespmem:s11], [sflag:$0x3], $0x2780, $0x38;
	[tilespmem:$0x12380] =	vst v63  }
0x19: {  	_ =	swait.ge [sflag:s12], $0x2780  }
0x1a: {  	[sflag:s12] =	ssyncset.done $0x0  }
0x1b: {  	[sflag:s12] =	ssyncadd.s32 $0xFFFFD880  }
0x1c: {  	[spmem:s14], [sflag:s13] =	dma.local [hbm:s6], $0x4F0  }
0x1d: {  	_ =	swait.ge [sflag:s12], $0x4F0  }
0x1e: {  	[sflag:s12] =	ssyncset.done $0x0  }
0x1f: {  	s22 =	simm.s32 $0x0;
	[sflag:s12] =	ssyncadd.s32 $0xFFFFFB10  }
0x20: {  	[tilespmem:s22], [sflag:$0x3] =	stream.linear.gather [hbm4b:s7+s22], $0x4E80, $0x38;
	[tilespmem:$0x12380] =	vst v63  }
0x21: {  	_ =	swait.ge [sflag:s12], $0x4E80  }
0x22: {  	[sflag:s12] =	ssyncset.done $0x0  }
0x23: {  	[sflag:s12] =	ssyncadd.s32 $0xFFFFB180  }
0x24: {  	[tilespmem:s15], [sflag:$0x3] =	stream.linear.gather [hbm4b:s8+s22], $0x4E80, $0x38;
	[tilespmem:$0x12380] =	vst v63  }
0x25: {  	_ =	swait.ge [sflag:s12], $0x4E80  }
0x26: {  	[sflag:s12] =	ssyncset.done $0x0  }
0x27: {  	[sflag:s12] =	ssyncadd.s32 $0xFFFFB180  }
0x28: {  	[bflag:$0x0] =	sbarrier.arrive $0xFFFF  }
0x29: {  	[tilespmem:s17], [sflag:$0x1] =	stream.indirect.gather [spmem:s2], $0x10, s22, s16, $0xb8;
	[tilespmem:$0x12380] =	vst v63  }
0x2a: {  	_ =	swait.ge [sflag:s18], $0x800  }
0x2b: {  	[sflag:s18] =	ssyncset.done $0x0  }
0x2c: {  	s28 =	simm.s32 $0x80;
	[sflag:s18] =	ssyncadd.s32 $0xFFFFF800  }
0x2d: {  	[tilespmem:s19], [sflag:$0x2] =	stream.indirect.gather [spmem:s2], $0x10, s28, s16, $0xb8;
	[tilespmem:$0x12380] =	vst v63  }
0x2e: {  	s29 =	simm.s32 $0x4E80  }
0x2f: {  	[spmem:s1] =	stream.indirect.scatter.add.f32 [tilespmem:s17], [sflag:$0x3], $0x10, s29, s16, $0xb8;
	[tilespmem:$0x12380] =	vst v63  }
0x30: {  	_ =	swait.ge [sflag:s12], $0x800  }
0x31: {  	[sflag:s12] =	ssyncset.done $0x0  }
0x32: {  	[sflag:s12] =	ssyncadd.s32 $0xFFFFF800  }
0x33: {  	_ =	swait.ge [sflag:s20], $0x800  }
0x34: {  	[sflag:s20] =	ssyncset.done $0x0  }
0x35: {  	s30 =	simm.s32 $0x100;
	[sflag:s20] =	ssyncadd.s32 $0xFFFFF800  }
0x36: {  	[tilespmem:s17], [sflag:$0x1] =	stream.indirect.gather [spmem:s2], $0x10, s30, s16, $0xb8;
	[tilespmem:$0x12380] =	vst v63  }
0x37: {  	s31 =	simm.s32 $0x4F00  }
0x38: {  	[spmem:s1] =	stream.indirect.scatter.add.f32 [tilespmem:s19], [sflag:$0x3], $0x10, s31, s16, $0xb8;
	[tilespmem:$0x12380] =	vst v63  }
0x39: {  	_ =	swait.ge [sflag:s12], $0x800  }
0x3a: {  	s22 =	simm.s32 $0x400;
	[sflag:s12] =	ssyncset.done $0x0  }
.LBB2_4:
0x3b: {  	p0 =	sne.s32 s22, $0x13400  }
0x3c: {  	[sflag:s12] =	ssyncadd.s32 $0xFFFFF800;
	s23 =	smov.u32 s22;
	s22 =	sadd.s32 $0x400, s22  }
0x3d: {  	_ = 	snop  }
0x3e: {  	_ =	swait.ge [sflag:s18], $0x800  }
0x3f: {  	s23 =	sshra.s32 s23, $0x2;
	[sflag:s18] =	ssyncset.done $0x0  }
0x40: {  	s24 =	sadd.s32 $0x80, s23;
	[sflag:s18] =	ssyncadd.s32 $0xFFFFF800  }
0x41: {  	[tilespmem:s19], [sflag:$0x2] =	stream.indirect.gather [spmem:s2], $0x10, s24, s16, $0xb8;
	[tilespmem:$0x12380] =	vst v63  }
0x42: {  	s24 =	sadd.s32 $0x4E80, s23  }
0x43: {  	[spmem:s1] =	stream.indirect.scatter.add.f32 [tilespmem:s17], [sflag:$0x3], $0x10, s24, s16, $0xb8;
	[tilespmem:$0x12380] =	vst v63  }
0x44: {  	_ =	swait.ge [sflag:s12], $0x800  }
0x45: {  	[sflag:s12] =	ssyncset.done $0x0  }
0x46: {  	[sflag:s12] =	ssyncadd.s32 $0xFFFFF800  }
0x47: {  	_ =	swait.ge [sflag:s20], $0x800  }
0x48: {  	[sflag:s20] =	ssyncset.done $0x0  }
0x49: {  	s24 =	sadd.s32 $0x100, s23;
	[sflag:s20] =	ssyncadd.s32 $0xFFFFF800  }
0x4a: {  	[tilespmem:s17], [sflag:$0x1] =	stream.indirect.gather [spmem:s2], $0x10, s24, s16, $0xb8;
	[tilespmem:$0x12380] =	vst v63  }
.Ltmp1:
0x4b: {  	_ = 	snop;
	(pc) =	sbr.rel @p0 .LBB2_4-.Ltmp1, $4  }
0x4c: {  	s23 =	sadd.s32 $0x4F00, s23  }
0x4d: {  	[spmem:s1] =	stream.indirect.scatter.add.f32 [tilespmem:s19], [sflag:$0x3], $0x10, s23, s16, $0xb8;
	[tilespmem:$0x12380] =	vst v63  }
0x4e: {  	_ =	swait.ge [sflag:s12], $0x800  }
0x4f: {  	[sflag:s12] =	ssyncset.done $0x0  }
0x50: {  	[sflag:s12] =	ssyncadd.s32 $0xFFFFF800  }
0x51: {  	_ =	swait.ge [sflag:s18], $0x800  }
0x52: {  	[sflag:s18] =	ssyncset.done $0x0  }
0x53: {  	[sflag:s18] =	ssyncadd.s32 $0xFFFFF800  }
0x54: {  	[spmem:s1] =	stream.indirect.scatter.add.f32 [tilespmem:s17], [sflag:$0x3], $0x10, s21, s16, $0xb8;
	[tilespmem:$0x12380] =	vst v63  }
0x55: {  	_ =	swait.ge [sflag:s12], $0x800  }
0x56: {  	s4 =	sadd.s32 $0x1, s4;
	[sflag:s12] =	ssyncset.done $0x0  }
0x57: {  	p0 =	sne.s32 s4, s10;
	[sflag:s12] =	ssyncadd.s32 $0xFFFFF800  }
.Ltmp2:
0x58: {  	s22 =	sshrl.u32 s5, $0x3;
	[bflag:$0x0] =	sbarrier.arrive $0xFFFF;
	(pc) =	sbr.rel @p0 .LBB2_1-.Ltmp2, $4  }
0x59: {  	[hbm:s9], [sflag:s13] =	dma.local [spmem:s22], $0x4F0  }
0x5a: {  	_ =	swait.ge [sflag:s12], $0x4F0  }
0x5b: {  	[sflag:s12] =	ssyncset.done $0x0  }
0x5c: {  	[sflag:s12] =	ssyncadd.s32 $0xFFFFFB10  }
0x5d: {  	_ =	sfence.sel $0x180000  }
0x5e: {  	[bflag:$0x0] =	sbarrier.arrive $0xFFFF  }
0x5f: {  	p0 =	sne.s32 s3, $0x0;
	_ =	strace $0x9000004D  }
0x60: {  	s0 =	sadd.s32 @!p0 $0x100000, s0;
	[bflag:$0x2] =	sbarrier.arrive $0xFFFF  }
0x61: {  	[sflag:s0] =	ssyncadd.tile.s32 @!p0 $0x1;
	_ =	shalt  }
.Lfunc_end2:
_tile_overlayer_lowered:
.L_overlay_start_2:
0x62: {  	(tag) =	ssettag $0x2  }
0x63: {  	s0 =	rddreg [dreg:$0x0];
	s2 =	stileid.u32  }
0x64: {  	s1 =	rddreg [dreg:$0x1];
	p0 =	sne.s32 s2, $0x0  }
0x65: {  	s3 =	rddreg [dreg:$0x2];
	[bflag:$0x3] =	sbarrier.arrive $0xFFFF;
	s2 =	simm.s32 @!p0 $0x1C03  }
0x66: {  	[timem:s3], [sflag:s2] =	dma.local @!p0 [hbm:s0], s1  }
0x67: {  	s0 =	simm.s32 @!p0 $0x3  }
0x68: {  	_ =	swait.ge @!p0 [sflag:s0], s1  }
0x69: {  	s1 =	ssub.s32 @!p0 $0x0, s1;
	[sflag:s0] =	ssyncset.done @!p0 $0x0  }
0x6a: {  	[sflag:s0] =	ssyncadd.s32 @!p0 s1  }
0x6b: {  	[bflag:$0x3] =	sbarrier.arrive $0xFFFF  }
0x6c: {  	_ =	shalt  }

// kernel: kernel.21.cloned.1.call-start
scs
__scs_entry_jumppad:
0x0: {  	(pc) =	sbr.rel $0x88, $3  }
0x1: {  	(tag) =	ssettag $0x0;
	lr =	simm.s32 $0x1  }
0x2: {  	[smem:$0x3F99] =	sst lr;
	_ =	strace $0xD0000000  }
0x3: {  	_ = 	snop  }
0x4: {  	_ = 	snop  }
0x5: {  	_ = 	snop  }
0x6: {  	_ = 	snop  }
0x7: {  	_ = 	snop  }
__scs_overlays_trampoline_lowered:
0x8: {  	[smem:$0x3FA8] =	sst s0  }
0x9: {  	[smem:$0x3FA9] =	sst s1  }
0xa: {  	[smem:$0x3FAA] =	sst s2  }
0xb: {  	[smem:$0x3FAB] =	sst s3  }
0xc: {  	[smem:$0x3FAC] =	sst s4  }
0xd: {  	[smem:$0x3FAD] =	sst s5  }
0xe: {  	[smem:$0x3FAE] =	sst s6  }
0xf: {  	[smem:$0x3FAF] =	sst s7  }
0x10: {  	[smem:$0x3FB0] =	sst s8  }
0x11: {  	[smem:$0x3FB1] =	sst s9;
	s0 =	simm.s32 @!p0 $0x0  }
0x12: {  	s1 =	sld [smem:$0x3F97];
	s0 =	simm.s32 @p0 $0x1  }
0x13: {  	[smem:$0x3FB2] =	sst s0;
	s0 =	simm.s32 @!p1 $0x0  }
0x14: {  	s2 =	sld [smem:$0x3F96];
	s0 =	simm.s32 @p1 $0x1  }
0x15: {  	[smem:$0x3FB3] =	sst s0;
	s0 =	simm.s32 @!p2 $0x0  }
0x16: {  	s3 =	sld [smem:$0x3FDB];
	s0 =	simm.s32 @p2 $0x1  }
0x17: {  	s4 =	simm.s32 $0x1BF5;
	[smem:$0x3FB5] =	sst s0  }
0x18: {  	s0 =	sld [smem:$0x3F98];
	_ =	swait.ge [sflag:s4], $0x0  }
0x19: {  	s7 =	sld [smem:$0x3F99]  }
0x1a: {  	s8 =	sadd.s32 $0xFFFFE003, lr  }
0x1b: {  	s9 =	sadd.s32 $0xFFFFFEF7, lr;
	s5 =	simm.s32 $0xFFFFFFFF;
	p2 =	slt.u32 s8, $0xFFFFF086  }
0x1c: {  	p1 =	slt.u32 s9, $0xF7A;
	s5 =	simm.s32 @!p2 $0x0  }
0x1d: {  	s5 =	simm.s32 @p1 $0x1;
	p0 =	seq.s32 s7, s2  }
0x1e: {  	s7 =	smul.u32 @!p0 $0xF7A, s2;
	p2 =	seq.s32 @!p0 s5, $0x0  }
0x1f: {  	s9 =	smul.u32 $0xF7A, s1;
	s8 =	simm.s32 @!p0 $0x1BF5;
	p2 =	por !p2, p0  }
0x20: {  	[sflag:s8] =	ssyncset.s32 @!p0 $0xFFFFF086;
	s6 =	sadd.s32 @!p0 s3, s7;
	s7 =	simm.s32 @!p0 $0x108  }
0x21: {  	s3 =	sadd.s32 s3, s9;
	s6 =	sadd.s32 @!p0 $0x88, s6;
	s7 =	simm.s32 @p2 $0x1082  }
0x22: {  	[simem:s7], [sflag:s8] =	dma.local @!p0 [hbm:s6], $0xF7A  }
0x23: {  	s9 =	sor.u32 $0xD0000000, s2;
	s6 =	simm.s32 $0x108;
	_ =	swait.ge @!p0 [sflag:s8], $0x0  }
0x24: {  	s3 =	sadd.s32 $0x88, s3;
	s6 =	simm.s32 @!p1 $0x1082;
	[sflag:s4] =	ssyncset.s32 $0xFFFFF086  }
0x25: {  	[simem:s6], [sflag:s4] =	dma.local [hbm:s3], $0xF7A  }
0x26: {  	[smem:$0x3F99] =	sst s1;
	(tag) =	ssettag s2;
	_ =	strace s9  }
0x27: {  	s1 =	sld [smem:$0x3FA9]  }
0x28: {  	s2 =	sld [smem:$0x3FAA]  }
0x29: {  	s4 =	sld [smem:$0x3FAC]  }
0x2a: {  	p0 =	seq.s32 s5, $0x0;
	s5 =	sld [smem:$0x3FAD]  }
0x2b: {  	s6 =	sld [smem:$0x3FAE]  }
0x2c: {  	s7 =	sld [smem:$0x3FAF]  }
0x2d: {  	s3 =	simm.s32 $0x108;
	s8 =	sld [smem:$0x3FB0]  }
0x2e: {  	s3 =	simm.s32 @!p0 $0x1082;
	s9 =	sld [smem:$0x3FB1]  }
0x2f: {  	lr =	sadd.s32 s0, s3;
	s0 =	sld [smem:$0x3FA8]  }
0x30: {  	s3 =	sld [smem:$0x3FAB]  }
0x31: {  	[smem:$0x3FB4] =	sst s10  }
0x32: {  	s10 =	sld [smem:$0x3FB2];
	_ =	sdelay $0x3  }
0x33: {  	p0 =	seq.s32 s10, $0x1;
	s10 =	sld [smem:$0x3FB4];
	_ =	sdelay $0x3  }
0x34: {  	[smem:$0x3FB4] =	sst s10  }
0x35: {  	s10 =	sld [smem:$0x3FB3];
	_ =	sdelay $0x3  }
0x36: {  	p1 =	seq.s32 s10, $0x1;
	s10 =	sld [smem:$0x3FB4];
	_ =	sdelay $0x3  }
0x37: {  	[smem:$0x3FB4] =	sst s10  }
0x38: {  	s10 =	sld [smem:$0x3FB5]  }
0x39: {  	_ = 	snop;
	(pc) =	sbr.ind lr, $3  }
0x3a: {  	_ = 	snop  }
0x3b: {  	_ = 	snop  }
0x3c: {  	p2 =	seq.s32 s10, $0x1;
	s10 =	sld [smem:$0x3FB4]  }
0x3d: {  	_ =	shalt  }
0x3e: {  	_ =	shalt  }
0x3f: {  	_ =	shalt  }
0x40: {  	_ =	shalt  }
0x41: {  	_ =	shalt  }
0x42: {  	_ =	shalt  }
0x43: {  	_ =	shalt  }
0x44: {  	_ =	shalt  }
0x45: {  	_ =	shalt  }
0x46: {  	_ =	shalt  }
0x47: {  	_ =	shalt  }
0x48: {  	_ =	shalt  }
0x49: {  	_ =	shalt  }
0x4a: {  	_ =	shalt  }
0x4b: {  	_ =	shalt  }
0x4c: {  	_ =	shalt  }
0x4d: {  	_ =	shalt  }
0x4e: {  	_ =	shalt  }
0x4f: {  	_ =	shalt  }
0x50: {  	_ =	shalt  }
0x51: {  	_ =	shalt  }
0x52: {  	_ =	shalt  }
0x53: {  	_ =	shalt  }
0x54: {  	_ =	shalt  }
0x55: {  	_ =	shalt  }
0x56: {  	_ =	shalt  }
0x57: {  	_ =	shalt  }
0x58: {  	_ =	shalt  }
0x59: {  	_ =	shalt  }
0x5a: {  	_ =	shalt  }
0x5b: {  	_ =	shalt  }
0x5c: {  	_ =	shalt  }
0x5d: {  	_ =	shalt  }
0x5e: {  	_ =	shalt  }
0x5f: {  	_ =	shalt  }
0x60: {  	_ =	shalt  }
0x61: {  	_ =	shalt  }
0x62: {  	_ =	shalt  }
0x63: {  	_ =	shalt  }
0x64: {  	_ =	shalt  }
0x65: {  	_ =	shalt  }
0x66: {  	_ =	shalt  }
0x67: {  	_ =	shalt  }
0x68: {  	_ =	shalt  }
0x69: {  	_ =	shalt  }
0x6a: {  	_ =	shalt  }
0x6b: {  	_ =	shalt  }
0x6c: {  	_ =	shalt  }
0x6d: {  	_ =	shalt  }
0x6e: {  	_ =	shalt  }
0x6f: {  	_ =	shalt  }
0x70: {  	_ =	shalt  }
0x71: {  	_ =	shalt  }
0x72: {  	_ =	shalt  }
0x73: {  	_ =	shalt  }
0x74: {  	_ =	shalt  }
0x75: {  	_ =	shalt  }
0x76: {  	_ =	shalt  }
0x77: {  	_ =	shalt  }
0x78: {  	_ =	shalt  }
0x79: {  	_ =	shalt  }
0x7a: {  	_ =	shalt  }
0x7b: {  	_ =	shalt  }
0x7c: {  	_ =	shalt  }
0x7d: {  	_ =	shalt  }
0x7e: {  	_ =	shalt  }
0x7f: {  	_ =	shalt  }
0x80: {  	_ =	shalt  }
0x81: {  	_ =	shalt  }
0x82: {  	_ =	shalt  }
0x83: {  	_ =	shalt  }
0x84: {  	_ =	shalt  }
0x85: {  	_ =	shalt  }
0x86: {  	_ =	shalt  }
0x87: {  	_ =	shalt  }
.Lfunc_end0:
.L_simem_size_0:
called_computation.3_lowered:
.L_overlay_start_0:
0x88: {  	s2 =	sld [smem:$0x3FD9]  }
0x89: {  	s3 =	sld [smem:$0x3FFE];
	_ =	sdelay $0x1  }
0x8a: {  	s1 =	srdreg.scid  }
0x8b: {  	s0 =	sand.u32 $0x1, s1  }
0x8c: {  	s16 =	sshll.u32 s0, $0xA;
	s2 =	sadd.s32 s3, s2  }
0x8d: {  	s2 =	sadd.s32 s2, s16  }
0x8e: {  	[smem:$0x3FC0] =	sst s2  }
0x8f: {  	_ = 	snop  }
0x90: {  	(tm) =	ssettm $0x1  }
0x91: {  	s17 =	sld [smem:$0x3FFB];
	_ =	sdelay $0x3  }
0x92: {  	_ =	strace s17  }
0x93: {  	s2 =	sld [smem:$0x3FFC];
	_ =	sdelay $0x3  }
0x94: {  	_ =	strace s2  }
0x95: {  	s2 =	sld [smem:$0x3FFD];
	_ =	sdelay $0x3  }
0x96: {  	_ =	strace s2  }
0x97: {  	_ =	strace $0x8FFFFFFF  }
0x98: {  	s18 =	sld [smem:$0x3FDB];
	_ =	sdelay $0x1  }
0x99: {  	s19 =	simm.s32 $_scs_section_size  }
0x9a: {  	s4 =	simm.s32 $_size__tile_overlayer_lowered;
	s5 =	simm.s32 $_tile_overlayer_lowered  }
0x9b: {  	s22 =	simm.s32 $0x1BFF;
	s21 =	sshll.u32 s5, $0x1;
	s2 =	sadd.s32 s19, s18  }
0x9c: {  	s6 =	simm.s32 $0x0;
	s20 =	sshll.u32 s4, $0x1;
	s4 =	sadd.s32 s21, s2  }
0x9d: {  	[timem:s6], [sflag:s22] =	dma.local [hbm:s4], s20  }
0x9e: {  	_ =	swait.ge [sflag:s22], s20  }
0x9f: {  	s3 =	ssub.s32 $0x0, s20;
	[sflag:s22] =	ssyncset.done $0x0  }
0xa0: {  	[sflag:s22] =	ssyncadd.s32 s3;
	_ =	sdelay $0x1  }
0xa1: {  	s23 =	simm.s32 $0x1B8B  }
0xa2: {  	_ =	swait.ge [sflag:s23], $0x1  }
0xa3: {  	[sflag:s23] =	ssyncset.done $0x0  }
0xa4: {  	s25 =	simm.s32 $0x1B8E;
	s24 =	sld [smem:$0x3FFE];
	[sflag:s23] =	ssyncadd.s32 $0xFFFFFFFF  }
0xa5: {  	s26 =	simm.s32 $execute0_lowered;
	[smem:$0x3FD2] =	sst s25  }
0xa6: {  	s4 =	sshll.u32 s26, $0x1;
	_ =	strace $0x8000004F;
	[dreg:$0x1] =	wrdreg $0xFFFFFFFF  }
0xa7: {  	s28 =	simm.s32 $_size_execute0_lowered;
	s2 =	sadd.s32 s2, s4;
	[dreg:$0x0] =	wrdreg $0x0  }
0xa8: {  	s4 =	sshll.u32 s28, $0x1;
	[dreg:$0x2] =	wrdreg s2  }
0xa9: {  	[dreg:$0x3] =	wrdreg s4  }
0xaa: {  	[dreg:$0x4] =	wrdreg $0xC0  }
0xab: {  	_ =	task [dreg:s6], $0x5FFFF  }
0xac: {  	[dreg:$0x1] =	wrdreg $0xFFFFFFFF  }
0xad: {  	[dreg:$0x0] =	wrdreg $0x60  }
0xae: {  	[dreg:$0x2] =	wrdreg s24  }
0xaf: {  	[dreg:$0x3] =	wrdreg $0xD4800  }
0xb0: {  	[dreg:$0x4] =	wrdreg $0xFC000  }
0xb1: {  	[dreg:$0x5] =	wrdreg $0x9  }
0xb2: {  	_ =	task.clear_ibuf [dreg:s6], $0x6FFFF;
	_ =	strace $0x9000004F  }
0xb3: {  	s29 =	simm.s32 $0x9;
	_ =	strace $0x80000051  }
0xb4: {  	_ =	swait.ge [sflag:s29], $0x1  }
0xb5: {  	[sflag:s29] =	ssyncadd.s32 $0xFFFFFFFF  }
0xb6: {  	_ =	strace $0x90000051  }
0xb7: {  	_ =	sfence  }
0xb8: {  	s30 =	sld [smem:$0x0];
	_ =	sdelay $0x2  }
0xb9: {  	s31 =	sshll.u32 s1, $0xD;
	s1 =	sshrl.u32 s1, $0x2  }
0xba: {  	s3 =	sand.u32 $0x4000, s31;
	s1 =	sadd.s32 s1, s30  }
0xbb: {  	s0 =	sor.u32 s3, s0;
	s1 =	sshll.u32 s1, $0x11  }
0xbc: {  	s0 =	sor.u32 s1, s0  }
0xbd: {  	s0 =	sadd.s32 $0x8F2B, s0  }
0xbe: {  	[sflag:s0] =	ssyncadd.remote.s32 $0x1  }
0xbf: {  	_ =	sfence.sel $0xFFFF  }
0xc0: {  	[dreg:$0x0] =	wrdreg $0xFFFFFFFF;
	(pc) =	sbr.abs _section_cstart, $3  }
0xc1: {  	[dreg:$0x1] =	wrdreg $0xFFFFFFFF  }
0xc2: {  	_ =	task.clear_ibuf [dreg:s6], $0x2FFFF;
	_ =	strace $0x9FFFFFFF  }
0xc3: {  	(tm) =	ssettm $0x7FFFFFFF  }
tec
execute0_lowered:
.L_overlay_start_1:
0x0: {  	(tag) =	ssettag $0x1  }
0x1: {  	s5 =	rddreg [dreg:$0x0]  }
0x2: {  	s2 =	rddreg [dreg:$0x1]  }
0x3: {  	s3 =	rddreg [dreg:$0x2];
	s4 =	srdreg.scid  }
0x4: {  	s0 =	rddreg [dreg:$0x3];
	s1 =	stileid.u32;
	s12 =	simm.s32 $0x3  }
0x5: {  	s15 =	simm.s32 $0x4E80;
	s16 =	simm.s32 $0x80;
	s17 =	simm.s32 $0x9D00  }
0x6: {  	s18 =	simm.s32 $0x1;
	s19 =	simm.s32 $0xA500;
	s20 =	simm.s32 $0x2  }
0x7: {  	s21 =	simm.s32 $0x9C80;
	s6 =	sand.u32 $0x1, s4;
	s4 =	simm.s32 $0x0  }
0x8: {  	s7 =	smul.u32 $0x2780, s1;
	s13 =	sshll.u32 s1, $0x6;
	s8 =	sshll.u32 s6, $0x4  }
0x9: {  	[smem:$0x7FF] =	sst s4;
	s9 =	smul.u32 $0x27800, s6;
	s6 =	ssub.s32 $0x2, s6  }
0xa: {  	s13 =	sor.u32 $0x1C03, s13;
	s8 =	sor.u32 s1, s8;
	_ =	strace $0x80000050  }
0xb: {  	s10 =	sshrl.u32 s7, $0x3;
	s11 =	sshrl.u32 s6, $0x1;
	s14 =	sadd.s32 s7, s3  }
0xc: {  	s8 =	smul.u32 $0x9D0, s8;
	s10 =	sadd.s32 s10, s5;
	s9 =	sadd.s32 s7, s9  }
0xd: {  	s11 =	ssub.s32 s6, s11;
	s14 =	sshrl.u32 s14, $0x3;
	s9 =	sshrl.u32 s9, $0x3  }
0xe: {  	s6 =	sadd.s32 $0x17E00, s10;
	s10 =	smax.u32 s11, $0x1;
	s11 =	simm.s32 $0xAD00  }
0xf: {  	s8 =	sadd.s32 s8, s5;
	s9 =	sadd.s32 s9, s5;
	s5 =	sadd.s32 s7, s2  }
0x10: {  	v0 =	vimm.f32 $0.0e+00;
	s7 =	sadd.s32 $0x2BE00, s8;
	s8 =	sadd.s32 $0x4400, s8;
	s9 =	sadd.s32 $0x1CE00, s9  }
.LBB2_1:
0x11: {  	s22 =	simm.s32 $0x40;
	s23 =	simm.s32 $0x0  }
.LBB2_2:
0x12: {  	p0 =	sne.s32 s22, $0x9DC0;
	[tilespmem:s23+$0xAD00] =	vst v0;
	s23 =	smov.u32 s22;
	s22 =	sadd.s32 $0x40, s22  }
.Ltmp0:
0x13: {  	(pc) =	sbr.rel @p0 .LBB2_2-.Ltmp0, $2  }
0x14: {  	_ =	sdelay $0x2  }
0x15: {  	s23 =	sshra.s32 s23, $0x2  }
0x16: {  	[tilespmem:s23+$0xAD00] =	vst v0  }
0x17: {  	[spmem:s5] =	stream.linear.scatter [tilespmem:s11], [sflag:$0x3], $0x2780, $0x38;
	[tilespmem:$0x12380] =	vst v63  }
0x18: {  	_ =	swait.ge [sflag:s12], $0x2780  }
0x19: {  	[sflag:s12] =	ssyncset.done $0x0  }
0x1a: {  	[sflag:s12] =	ssyncadd.s32 $0xFFFFD880  }
0x1b: {  	[spmem:s14], [sflag:s13] =	dma.local [hbm:s6], $0x4F0  }
0x1c: {  	_ =	swait.ge [sflag:s12], $0x4F0  }
0x1d: {  	[sflag:s12] =	ssyncset.done $0x0  }
0x1e: {  	s22 =	simm.s32 $0x0;
	[sflag:s12] =	ssyncadd.s32 $0xFFFFFB10  }
0x1f: {  	[tilespmem:s22], [sflag:$0x3] =	stream.linear.gather [hbm4b:s7+s22], $0x4E80, $0x38;
	[tilespmem:$0x12380] =	vst v63  }
0x20: {  	_ =	swait.ge [sflag:s12], $0x4E80  }
0x21: {  	[sflag:s12] =	ssyncset.done $0x0  }
0x22: {  	[sflag:s12] =	ssyncadd.s32 $0xFFFFB180  }
0x23: {  	[tilespmem:s15], [sflag:$0x3] =	stream.linear.gather [hbm4b:s8+s22], $0x4E80, $0x38;
	[tilespmem:$0x12380] =	vst v63  }
0x24: {  	_ =	swait.ge [sflag:s12], $0x4E80  }
0x25: {  	[sflag:s12] =	ssyncset.done $0x0  }
0x26: {  	[sflag:s12] =	ssyncadd.s32 $0xFFFFB180  }
0x27: {  	[bflag:$0x0] =	sbarrier.arrive $0xFFFF  }
0x28: {  	[tilespmem:s17], [sflag:$0x1] =	stream.indirect.gather [spmem:s3], $0x10, s22, s16, $0xb8;
	[tilespmem:$0x12380] =	vst v63  }
0x29: {  	_ =	swait.ge [sflag:s18], $0x800  }
0x2a: {  	[sflag:s18] =	ssyncset.done $0x0  }
0x2b: {  	s28 =	simm.s32 $0x80;
	[sflag:s18] =	ssyncadd.s32 $0xFFFFF800  }
0x2c: {  	[tilespmem:s19], [sflag:$0x2] =	stream.indirect.gather [spmem:s3], $0x10, s28, s16, $0xb8;
	[tilespmem:$0x12380] =	vst v63  }
0x2d: {  	s29 =	simm.s32 $0x4E80  }
0x2e: {  	[spmem:s2] =	stream.indirect.scatter.add.f32 [tilespmem:s17], [sflag:$0x3], $0x10, s29, s16, $0xb8;
	[tilespmem:$0x12380] =	vst v63  }
0x2f: {  	_ =	swait.ge [sflag:s12], $0x800  }
0x30: {  	[sflag:s12] =	ssyncset.done $0x0  }
0x31: {  	[sflag:s12] =	ssyncadd.s32 $0xFFFFF800  }
0x32: {  	_ =	swait.ge [sflag:s20], $0x800  }
0x33: {  	[sflag:s20] =	ssyncset.done $0x0  }
0x34: {  	s30 =	simm.s32 $0x100;
	[sflag:s20] =	ssyncadd.s32 $0xFFFFF800  }
0x35: {  	[tilespmem:s17], [sflag:$0x1] =	stream.indirect.gather [spmem:s3], $0x10, s30, s16, $0xb8;
	[tilespmem:$0x12380] =	vst v63  }
0x36: {  	s31 =	simm.s32 $0x4F00  }
0x37: {  	[spmem:s2] =	stream.indirect.scatter.add.f32 [tilespmem:s19], [sflag:$0x3], $0x10, s31, s16, $0xb8;
	[tilespmem:$0x12380] =	vst v63  }
0x38: {  	_ =	swait.ge [sflag:s12], $0x800  }
0x39: {  	s22 =	simm.s32 $0x400;
	[sflag:s12] =	ssyncset.done $0x0  }
.LBB2_4:
0x3a: {  	p0 =	sne.s32 s22, $0x13400  }
0x3b: {  	[sflag:s12] =	ssyncadd.s32 $0xFFFFF800;
	s23 =	smov.u32 s22;
	s22 =	sadd.s32 $0x400, s22  }
0x3c: {  	_ = 	snop  }
0x3d: {  	_ =	swait.ge [sflag:s18], $0x800  }
0x3e: {  	s23 =	sshra.s32 s23, $0x2;
	[sflag:s18] =	ssyncset.done $0x0  }
0x3f: {  	s24 =	sadd.s32 $0x80, s23;
	[sflag:s18] =	ssyncadd.s32 $0xFFFFF800  }
0x40: {  	[tilespmem:s19], [sflag:$0x2] =	stream.indirect.gather [spmem:s3], $0x10, s24, s16, $0xb8;
	[tilespmem:$0x12380] =	vst v63  }
0x41: {  	s24 =	sadd.s32 $0x4E80, s23  }
0x42: {  	[spmem:s2] =	stream.indirect.scatter.add.f32 [tilespmem:s17], [sflag:$0x3], $0x10, s24, s16, $0xb8;
	[tilespmem:$0x12380] =	vst v63  }
0x43: {  	_ =	swait.ge [sflag:s12], $0x800  }
0x44: {  	[sflag:s12] =	ssyncset.done $0x0  }
0x45: {  	[sflag:s12] =	ssyncadd.s32 $0xFFFFF800  }
0x46: {  	_ =	swait.ge [sflag:s20], $0x800  }
0x47: {  	[sflag:s20] =	ssyncset.done $0x0  }
0x48: {  	s24 =	sadd.s32 $0x100, s23;
	[sflag:s20] =	ssyncadd.s32 $0xFFFFF800  }
0x49: {  	[tilespmem:s17], [sflag:$0x1] =	stream.indirect.gather [spmem:s3], $0x10, s24, s16, $0xb8;
	[tilespmem:$0x12380] =	vst v63  }
.Ltmp1:
0x4a: {  	_ = 	snop;
	(pc) =	sbr.rel @p0 .LBB2_4-.Ltmp1, $4  }
0x4b: {  	s23 =	sadd.s32 $0x4F00, s23  }
0x4c: {  	[spmem:s2] =	stream.indirect.scatter.add.f32 [tilespmem:s19], [sflag:$0x3], $0x10, s23, s16, $0xb8;
	[tilespmem:$0x12380] =	vst v63  }
0x4d: {  	_ =	swait.ge [sflag:s12], $0x800  }
0x4e: {  	[sflag:s12] =	ssyncset.done $0x0  }
0x4f: {  	[sflag:s12] =	ssyncadd.s32 $0xFFFFF800  }
0x50: {  	_ =	swait.ge [sflag:s18], $0x800  }
0x51: {  	[sflag:s18] =	ssyncset.done $0x0  }
0x52: {  	[sflag:s18] =	ssyncadd.s32 $0xFFFFF800  }
0x53: {  	[spmem:s2] =	stream.indirect.scatter.add.f32 [tilespmem:s17], [sflag:$0x3], $0x10, s21, s16, $0xb8;
	[tilespmem:$0x12380] =	vst v63  }
0x54: {  	_ =	swait.ge [sflag:s12], $0x800  }
0x55: {  	s4 =	sadd.s32 $0x1, s4;
	[sflag:s12] =	ssyncset.done $0x0  }
0x56: {  	p0 =	sne.s32 s4, s10;
	[sflag:s12] =	ssyncadd.s32 $0xFFFFF800  }
.Ltmp2:
0x57: {  	s22 =	sshrl.u32 s5, $0x3;
	[bflag:$0x0] =	sbarrier.arrive $0xFFFF;
	(pc) =	sbr.rel @p0 .LBB2_1-.Ltmp2, $4  }
0x58: {  	[hbm:s9], [sflag:s13] =	dma.local [spmem:s22], $0x4F0  }
0x59: {  	_ =	swait.ge [sflag:s12], $0x4F0  }
0x5a: {  	[sflag:s12] =	ssyncset.done $0x0  }
0x5b: {  	[sflag:s12] =	ssyncadd.s32 $0xFFFFFB10  }
0x5c: {  	_ =	sfence.sel $0x180000  }
0x5d: {  	[bflag:$0x0] =	sbarrier.arrive $0xFFFF  }
0x5e: {  	p0 =	sne.s32 s1, $0x0;
	_ =	strace $0x90000050  }
0x5f: {  	s0 =	sadd.s32 @!p0 $0x100000, s0;
	[bflag:$0x2] =	sbarrier.arrive $0xFFFF  }
0x60: {  	[sflag:s0] =	ssyncadd.tile.s32 @!p0 $0x1;
	_ =	shalt  }
.Lfunc_end2:
_tile_overlayer_lowered:
.L_overlay_start_2:
0x61: {  	(tag) =	ssettag $0x2  }
0x62: {  	s0 =	rddreg [dreg:$0x0];
	s2 =	stileid.u32  }
0x63: {  	s1 =	rddreg [dreg:$0x1];
	p0 =	sne.s32 s2, $0x0  }
0x64: {  	s3 =	rddreg [dreg:$0x2];
	[bflag:$0x3] =	sbarrier.arrive $0xFFFF;
	s2 =	simm.s32 @!p0 $0x1C03  }
0x65: {  	[timem:s3], [sflag:s2] =	dma.local @!p0 [hbm:s0], s1  }
0x66: {  	s0 =	simm.s32 @!p0 $0x3  }
0x67: {  	_ =	swait.ge @!p0 [sflag:s0], s1  }
0x68: {  	s1 =	ssub.s32 @!p0 $0x0, s1;
	[sflag:s0] =	ssyncset.done @!p0 $0x0  }
0x69: {  	[sflag:s0] =	ssyncadd.s32 @!p0 s1  }
0x6a: {  	[bflag:$0x3] =	sbarrier.arrive $0xFFFF  }
0x6b: {  	_ =	shalt  }

// kernel: kernel.24.cloned.1.call-start
scs
__scs_entry_jumppad:
0x0: {  	(pc) =	sbr.rel $0x88, $3  }
0x1: {  	(tag) =	ssettag $0x0;
	lr =	simm.s32 $0x1  }
0x2: {  	[smem:$0x3F99] =	sst lr;
	_ =	strace $0xD0000000  }
0x3: {  	_ = 	snop  }
0x4: {  	_ = 	snop  }
0x5: {  	_ = 	snop  }
0x6: {  	_ = 	snop  }
0x7: {  	_ = 	snop  }
__scs_overlays_trampoline_lowered:
0x8: {  	[smem:$0x3FA8] =	sst s0  }
0x9: {  	[smem:$0x3FA9] =	sst s1  }
0xa: {  	[smem:$0x3FAA] =	sst s2  }
0xb: {  	[smem:$0x3FAB] =	sst s3  }
0xc: {  	[smem:$0x3FAC] =	sst s4  }
0xd: {  	[smem:$0x3FAD] =	sst s5  }
0xe: {  	[smem:$0x3FAE] =	sst s6  }
0xf: {  	[smem:$0x3FAF] =	sst s7  }
0x10: {  	[smem:$0x3FB0] =	sst s8  }
0x11: {  	[smem:$0x3FB1] =	sst s9;
	s0 =	simm.s32 @!p0 $0x0  }
0x12: {  	s1 =	sld [smem:$0x3F97];
	s0 =	simm.s32 @p0 $0x1  }
0x13: {  	[smem:$0x3FB2] =	sst s0;
	s0 =	simm.s32 @!p1 $0x0  }
0x14: {  	s2 =	sld [smem:$0x3F96];
	s0 =	simm.s32 @p1 $0x1  }
0x15: {  	[smem:$0x3FB3] =	sst s0;
	s0 =	simm.s32 @!p2 $0x0  }
0x16: {  	s3 =	sld [smem:$0x3FDB];
	s0 =	simm.s32 @p2 $0x1  }
0x17: {  	s4 =	simm.s32 $0x1BF5;
	[smem:$0x3FB5] =	sst s0  }
0x18: {  	s0 =	sld [smem:$0x3F98];
	_ =	swait.ge [sflag:s4], $0x0  }
0x19: {  	s7 =	sld [smem:$0x3F99]  }
0x1a: {  	s8 =	sadd.s32 $0xFFFFE003, lr  }
0x1b: {  	s9 =	sadd.s32 $0xFFFFFEF7, lr;
	s5 =	simm.s32 $0xFFFFFFFF;
	p2 =	slt.u32 s8, $0xFFFFF086  }
0x1c: {  	p1 =	slt.u32 s9, $0xF7A;
	s5 =	simm.s32 @!p2 $0x0  }
0x1d: {  	s5 =	simm.s32 @p1 $0x1;
	p0 =	seq.s32 s7, s2  }
0x1e: {  	s7 =	smul.u32 @!p0 $0xF7A, s2;
	p2 =	seq.s32 @!p0 s5, $0x0  }
0x1f: {  	s9 =	smul.u32 $0xF7A, s1;
	s8 =	simm.s32 @!p0 $0x1BF5;
	p2 =	por !p2, p0  }
0x20: {  	[sflag:s8] =	ssyncset.s32 @!p0 $0xFFFFF086;
	s6 =	sadd.s32 @!p0 s3, s7;
	s7 =	simm.s32 @!p0 $0x108  }
0x21: {  	s3 =	sadd.s32 s3, s9;
	s6 =	sadd.s32 @!p0 $0x88, s6;
	s7 =	simm.s32 @p2 $0x1082  }
0x22: {  	[simem:s7], [sflag:s8] =	dma.local @!p0 [hbm:s6], $0xF7A  }
0x23: {  	s9 =	sor.u32 $0xD0000000, s2;
	s6 =	simm.s32 $0x108;
	_ =	swait.ge @!p0 [sflag:s8], $0x0  }
0x24: {  	s3 =	sadd.s32 $0x88, s3;
	s6 =	simm.s32 @!p1 $0x1082;
	[sflag:s4] =	ssyncset.s32 $0xFFFFF086  }
0x25: {  	[simem:s6], [sflag:s4] =	dma.local [hbm:s3], $0xF7A  }
0x26: {  	[smem:$0x3F99] =	sst s1;
	(tag) =	ssettag s2;
	_ =	strace s9  }
0x27: {  	s1 =	sld [smem:$0x3FA9]  }
0x28: {  	s2 =	sld [smem:$0x3FAA]  }
0x29: {  	s4 =	sld [smem:$0x3FAC]  }
0x2a: {  	p0 =	seq.s32 s5, $0x0;
	s5 =	sld [smem:$0x3FAD]  }
0x2b: {  	s6 =	sld [smem:$0x3FAE]  }
0x2c: {  	s7 =	sld [smem:$0x3FAF]  }
0x2d: {  	s3 =	simm.s32 $0x108;
	s8 =	sld [smem:$0x3FB0]  }
0x2e: {  	s3 =	simm.s32 @!p0 $0x1082;
	s9 =	sld [smem:$0x3FB1]  }
0x2f: {  	lr =	sadd.s32 s0, s3;
	s0 =	sld [smem:$0x3FA8]  }
0x30: {  	s3 =	sld [smem:$0x3FAB]  }
0x31: {  	[smem:$0x3FB4] =	sst s10  }
0x32: {  	s10 =	sld [smem:$0x3FB2];
	_ =	sdelay $0x3  }
0x33: {  	p0 =	seq.s32 s10, $0x1;
	s10 =	sld [smem:$0x3FB4];
	_ =	sdelay $0x3  }
0x34: {  	[smem:$0x3FB4] =	sst s10  }
0x35: {  	s10 =	sld [smem:$0x3FB3];
	_ =	sdelay $0x3  }
0x36: {  	p1 =	seq.s32 s10, $0x1;
	s10 =	sld [smem:$0x3FB4];
	_ =	sdelay $0x3  }
0x37: {  	[smem:$0x3FB4] =	sst s10  }
0x38: {  	s10 =	sld [smem:$0x3FB5]  }
0x39: {  	_ = 	snop;
	(pc) =	sbr.ind lr, $3  }
0x3a: {  	_ = 	snop  }
0x3b: {  	_ = 	snop  }
0x3c: {  	p2 =	seq.s32 s10, $0x1;
	s10 =	sld [smem:$0x3FB4]  }
0x3d: {  	_ =	shalt  }
0x3e: {  	_ =	shalt  }
0x3f: {  	_ =	shalt  }
0x40: {  	_ =	shalt  }
0x41: {  	_ =	shalt  }
0x42: {  	_ =	shalt  }
0x43: {  	_ =	shalt  }
0x44: {  	_ =	shalt  }
0x45: {  	_ =	shalt  }
0x46: {  	_ =	shalt  }
0x47: {  	_ =	shalt  }
0x48: {  	_ =	shalt  }
0x49: {  	_ =	shalt  }
0x4a: {  	_ =	shalt  }
0x4b: {  	_ =	shalt  }
0x4c: {  	_ =	shalt  }
0x4d: {  	_ =	shalt  }
0x4e: {  	_ =	shalt  }
0x4f: {  	_ =	shalt  }
0x50: {  	_ =	shalt  }
0x51: {  	_ =	shalt  }
0x52: {  	_ =	shalt  }
0x53: {  	_ =	shalt  }
0x54: {  	_ =	shalt  }
0x55: {  	_ =	shalt  }
0x56: {  	_ =	shalt  }
0x57: {  	_ =	shalt  }
0x58: {  	_ =	shalt  }
0x59: {  	_ =	shalt  }
0x5a: {  	_ =	shalt  }
0x5b: {  	_ =	shalt  }
0x5c: {  	_ =	shalt  }
0x5d: {  	_ =	shalt  }
0x5e: {  	_ =	shalt  }
0x5f: {  	_ =	shalt  }
0x60: {  	_ =	shalt  }
0x61: {  	_ =	shalt  }
0x62: {  	_ =	shalt  }
0x63: {  	_ =	shalt  }
0x64: {  	_ =	shalt  }
0x65: {  	_ =	shalt  }
0x66: {  	_ =	shalt  }
0x67: {  	_ =	shalt  }
0x68: {  	_ =	shalt  }
0x69: {  	_ =	shalt  }
0x6a: {  	_ =	shalt  }
0x6b: {  	_ =	shalt  }
0x6c: {  	_ =	shalt  }
0x6d: {  	_ =	shalt  }
0x6e: {  	_ =	shalt  }
0x6f: {  	_ =	shalt  }
0x70: {  	_ =	shalt  }
0x71: {  	_ =	shalt  }
0x72: {  	_ =	shalt  }
0x73: {  	_ =	shalt  }
0x74: {  	_ =	shalt  }
0x75: {  	_ =	shalt  }
0x76: {  	_ =	shalt  }
0x77: {  	_ =	shalt  }
0x78: {  	_ =	shalt  }
0x79: {  	_ =	shalt  }
0x7a: {  	_ =	shalt  }
0x7b: {  	_ =	shalt  }
0x7c: {  	_ =	shalt  }
0x7d: {  	_ =	shalt  }
0x7e: {  	_ =	shalt  }
0x7f: {  	_ =	shalt  }
0x80: {  	_ =	shalt  }
0x81: {  	_ =	shalt  }
0x82: {  	_ =	shalt  }
0x83: {  	_ =	shalt  }
0x84: {  	_ =	shalt  }
0x85: {  	_ =	shalt  }
0x86: {  	_ =	shalt  }
0x87: {  	_ =	shalt  }
.Lfunc_end0:
.L_simem_size_0:
called_computation.4_lowered:
.L_overlay_start_0:
0x88: {  	s2 =	sld [smem:$0x3FD9]  }
0x89: {  	s3 =	sld [smem:$0x3FFE];
	_ =	sdelay $0x1  }
0x8a: {  	s1 =	srdreg.scid  }
0x8b: {  	s0 =	sand.u32 $0x1, s1  }
0x8c: {  	s17 =	sshll.u32 s0, $0xA;
	s2 =	sadd.s32 s3, s2  }
0x8d: {  	s2 =	sadd.s32 s2, s17  }
0x8e: {  	[smem:$0x3FC0] =	sst s2  }
0x8f: {  	_ = 	snop  }
0x90: {  	s18 =	sld [smem:$0x3FD0];
	(tm) =	ssettm $0x1  }
0x91: {  	s19 =	sld [smem:$0x3FFB];
	_ =	sdelay $0x3  }
0x92: {  	_ =	strace s19  }
0x93: {  	s2 =	sld [smem:$0x3FFC];
	_ =	sdelay $0x3  }
0x94: {  	_ =	strace s2  }
0x95: {  	s2 =	sld [smem:$0x3FFD];
	_ =	sdelay $0x3  }
0x96: {  	_ =	strace s2  }
0x97: {  	_ =	strace $0x8FFFFFFF  }
0x98: {  	s20 =	sld [smem:$0x3FDB];
	_ =	sdelay $0x1  }
0x99: {  	s4 =	simm.s32 $_scs_section_size  }
0x9a: {  	s5 =	simm.s32 $_size__tile_overlayer_lowered;
	s6 =	simm.s32 $_tile_overlayer_lowered  }
0x9b: {  	s7 =	simm.s32 $0x1BFF;
	s21 =	sshll.u32 s6, $0x1;
	s4 =	sadd.s32 s4, s20  }
0x9c: {  	s22 =	simm.s32 $0x0;
	s5 =	sshll.u32 s5, $0x1;
	s6 =	sadd.s32 s21, s4  }
0x9d: {  	[timem:s22], [sflag:s7] =	dma.local [hbm:s6], s5  }
0x9e: {  	_ =	swait.ge [sflag:s7], s5  }
0x9f: {  	s5 =	ssub.s32 $0x0, s5;
	[sflag:s7] =	ssyncset.done $0x0  }
0xa0: {  	[sflag:s7] =	ssyncadd.s32 s5;
	_ =	sdelay $0x1  }
0xa1: {  	s23 =	simm.s32 $0x1B8B  }
0xa2: {  	_ =	swait.ge [sflag:s23], $0x1  }
0xa3: {  	[sflag:s23] =	ssyncset.done $0x0  }
0xa4: {  	[sflag:s23] =	ssyncadd.s32 $0xFFFFFFFF  }
0xa5: {  	s5 =	sld [smem:$0x0]  }
0xa6: {  	s6 =	sand.u32 $0xFFFFFFFE, s1  }
0xa7: {  	p0 =	sne.s32 s1, s6  }
0xa8: {  	s6 =	sshll.u32 @p0 s6, $0xE  }
0xa9: {  	s6 =	sadd.s32 @p0 $0x11B8D, s6;
	s7 =	sshll.u32 @p0 s5, $0x11  }
0xaa: {  	s6 =	sor.u32 @p0 s7, s6  }
0xab: {  	[sflag:s6] =	ssyncadd.remote.s32 @p0 $0x1;
	_ =	sdelay $0x1  }
0xac: {  	s6 =	simm.s32 @p0 $0x1B8D  }
0xad: {  	_ =	swait.eq @p0 [sflag:s6], $0x1  }
0xae: {  	[sflag:s6] =	ssyncadd.s32 @p0 $0xFFFFFFFF  }
0xaf: {  	s7 =	sshll.u32 @!p0 s1, $0xE  }
0xb0: {  	s7 =	sor.u32 @!p0 $0x4000, s7;
	s6 =	simm.s32 @!p0 $0x1B8D  }
0xb1: {  	s5 =	sshll.u32 @!p0 s5, $0x11;
	s7 =	sadd.s32 @!p0 $0x11B8D, s7;
	_ =	swait.eq @!p0 [sflag:s6], $0x1  }
0xb2: {  	s5 =	sor.u32 @!p0 s5, s7;
	[sflag:s6] =	ssyncadd.s32 @!p0 $0xFFFFFFFF  }
0xb3: {  	s25 =	simm.s32 $0x1B8E;
	s24 =	sld [smem:$0x3FFE];
	[sflag:s5] =	ssyncadd.remote.s32 @!p0 $0x1  }
0xb4: {  	s26 =	simm.s32 $execute0_lowered;
	[smem:$0x3FD2] =	sst s25  }
0xb5: {  	s6 =	sshll.u32 s26, $0x1;
	_ =	strace $0x80000052;
	[dreg:$0x1] =	wrdreg $0xFFFFFFFF  }
0xb6: {  	s28 =	simm.s32 $_size_execute0_lowered;
	s4 =	sadd.s32 s4, s6;
	[dreg:$0x0] =	wrdreg $0x0  }
0xb7: {  	s6 =	sshll.u32 s28, $0x1;
	[dreg:$0x2] =	wrdreg s4  }
0xb8: {  	[dreg:$0x3] =	wrdreg s6  }
0xb9: {  	[dreg:$0x4] =	wrdreg $0xC0  }
0xba: {  	_ =	task [dreg:s22], $0x5FFFF  }
0xbb: {  	[dreg:$0x1] =	wrdreg $0xFFFFFFFF  }
0xbc: {  	[dreg:$0x0] =	wrdreg $0x60  }
0xbd: {  	[dreg:$0x2] =	wrdreg s24  }
0xbe: {  	[dreg:$0x3] =	wrdreg s18  }
0xbf: {  	[dreg:$0x4] =	wrdreg $0xD4800  }
0xc0: {  	[dreg:$0x5] =	wrdreg $0xFC000  }
0xc1: {  	[dreg:$0x6] =	wrdreg $0xA  }
0xc2: {  	_ =	task.clear_ibuf [dreg:s22], $0x7FFFF;
	_ =	strace $0x90000052  }
0xc3: {  	s29 =	simm.s32 $0xA;
	_ =	strace $0x80000054  }
0xc4: {  	_ =	swait.ge [sflag:s29], $0x1  }
0xc5: {  	[sflag:s29] =	ssyncadd.s32 $0xFFFFFFFF  }
0xc6: {  	_ =	strace $0x90000054  }
0xc7: {  	_ =	sfence  }
0xc8: {  	s30 =	sld [smem:$0x0];
	_ =	sdelay $0x2  }
0xc9: {  	s31 =	sshll.u32 s1, $0xD;
	s1 =	sshrl.u32 s1, $0x2  }
0xca: {  	s4 =	sand.u32 $0x4000, s31;
	s1 =	sadd.s32 s1, s30  }
0xcb: {  	s0 =	sor.u32 s4, s0;
	s1 =	sshll.u32 s1, $0x11  }
0xcc: {  	s0 =	sor.u32 s1, s0  }
0xcd: {  	s0 =	sadd.s32 $0x8F2B, s0  }
0xce: {  	[sflag:s0] =	ssyncadd.remote.s32 $0x1  }
0xcf: {  	_ =	sfence.sel $0xFFFF  }
0xd0: {  	[dreg:$0x0] =	wrdreg $0xFFFFFFFF;
	(pc) =	sbr.abs _section_cstart, $3  }
0xd1: {  	[dreg:$0x1] =	wrdreg $0xFFFFFFFF  }
0xd2: {  	_ =	task.clear_ibuf [dreg:s22], $0x2FFFF;
	_ =	strace $0x9FFFFFFF  }
0xd3: {  	(tm) =	ssettm $0x7FFFFFFF  }
tec
execute0_lowered:
.L_overlay_start_1:
0x0: {  	(tag) =	ssettag $0x1  }
0x1: {  	s5 =	rddreg [dreg:$0x0]  }
0x2: {  	s9 =	rddreg [dreg:$0x1]  }
0x3: {  	s1 =	rddreg [dreg:$0x2]  }
0x4: {  	s2 =	rddreg [dreg:$0x3]  }
0x5: {  	s3 =	srdreg.scid;
	s0 =	rddreg [dreg:$0x4];
	s4 =	simm.s32 $0x0  }
0x6: {  	s15 =	simm.s32 $0x4E80;
	s16 =	simm.s32 $0x80;
	s17 =	simm.s32 $0x9D00  }
0x7: {  	s18 =	simm.s32 $0x1;
	s19 =	simm.s32 $0xA500;
	s20 =	simm.s32 $0x2  }
0x8: {  	s21 =	simm.s32 $0x9C80;
	s6 =	sand.u32 $0x1, s3;
	s3 =	stileid.u32  }
0x9: {  	[smem:$0x7FF] =	sst s4;
	s7 =	sshll.u32 s6, $0x4;
	s8 =	smul.u32 $0x2780, s3  }
0xa: {  	_ =	strace $0x80000053;
	s10 =	ssub.s32 $0x2, s6;
	s6 =	smul.u32 $0x27800, s6  }
0xb: {  	s31 =	sshll.u32 s3, $0x6;
	s7 =	sor.u32 s3, s7;
	s12 =	sshrl.u32 s10, $0x1  }
0xc: {  	s7 =	smul.u32 $0x9D0, s7;
	s11 =	sshrl.u32 s8, $0x3;
	s10 =	ssub.s32 s10, s12  }
0xd: {  	s14 =	sadd.s32 s8, s2;
	s12 =	simm.s32 $0x3;
	s11 =	sadd.s32 s11, s5  }
0xe: {  	s10 =	smax.u32 s10, $0x1;
	s14 =	sshrl.u32 s14, $0x3;
	s13 =	sadd.s32 s7, s5  }
0xf: {  	s5 =	sadd.s32 s8, s1;
	s8 =	sadd.s32 s8, s6;
	s6 =	sadd.s32 $0x26C00, s11  }
0x10: {  	s11 =	simm.s32 $0xAD00;
	s7 =	sadd.s32 $0x2BE00, s13;
	s30 =	sshrl.u32 s8, $0x3  }
0x11: {  	v0 =	vimm.f32 $0.0e+00;
	s8 =	sadd.s32 $0x4400, s13;
	s13 =	sor.u32 $0x1C03, s31;
	s9 =	sadd.s32 s9, s30  }
.LBB2_1:
0x12: {  	s22 =	simm.s32 $0x40;
	s23 =	simm.s32 $0x0  }
.LBB2_2:
0x13: {  	p0 =	sne.s32 s22, $0x9DC0;
	[tilespmem:s23+$0xAD00] =	vst v0;
	s23 =	smov.u32 s22;
	s22 =	sadd.s32 $0x40, s22  }
.Ltmp0:
0x14: {  	(pc) =	sbr.rel @p0 .LBB2_2-.Ltmp0, $2  }
0x15: {  	_ =	sdelay $0x2  }
0x16: {  	s23 =	sshra.s32 s23, $0x2  }
0x17: {  	[tilespmem:s23+$0xAD00] =	vst v0  }
0x18: {  	[spmem:s5] =	stream.linear.scatter [tilespmem:s11], [sflag:$0x3], $0x2780, $0x38;
	[tilespmem:$0x12380] =	vst v63  }
0x19: {  	_ =	swait.ge [sflag:s12], $0x2780  }
0x1a: {  	[sflag:s12] =	ssyncset.done $0x0  }
0x1b: {  	[sflag:s12] =	ssyncadd.s32 $0xFFFFD880  }
0x1c: {  	[spmem:s14], [sflag:s13] =	dma.local [hbm:s6], $0x4F0  }
0x1d: {  	_ =	swait.ge [sflag:s12], $0x4F0  }
0x1e: {  	[sflag:s12] =	ssyncset.done $0x0  }
0x1f: {  	s22 =	simm.s32 $0x0;
	[sflag:s12] =	ssyncadd.s32 $0xFFFFFB10  }
0x20: {  	[tilespmem:s22], [sflag:$0x3] =	stream.linear.gather [hbm4b:s7+s22], $0x4E80, $0x38;
	[tilespmem:$0x12380] =	vst v63  }
0x21: {  	_ =	swait.ge [sflag:s12], $0x4E80  }
0x22: {  	[sflag:s12] =	ssyncset.done $0x0  }
0x23: {  	[sflag:s12] =	ssyncadd.s32 $0xFFFFB180  }
0x24: {  	[tilespmem:s15], [sflag:$0x3] =	stream.linear.gather [hbm4b:s8+s22], $0x4E80, $0x38;
	[tilespmem:$0x12380] =	vst v63  }
0x25: {  	_ =	swait.ge [sflag:s12], $0x4E80  }
0x26: {  	[sflag:s12] =	ssyncset.done $0x0  }
0x27: {  	[sflag:s12] =	ssyncadd.s32 $0xFFFFB180  }
0x28: {  	[bflag:$0x0] =	sbarrier.arrive $0xFFFF  }
0x29: {  	[tilespmem:s17], [sflag:$0x1] =	stream.indirect.gather [spmem:s2], $0x10, s22, s16, $0xb8;
	[tilespmem:$0x12380] =	vst v63  }
0x2a: {  	_ =	swait.ge [sflag:s18], $0x800  }
0x2b: {  	[sflag:s18] =	ssyncset.done $0x0  }
0x2c: {  	s28 =	simm.s32 $0x80;
	[sflag:s18] =	ssyncadd.s32 $0xFFFFF800  }
0x2d: {  	[tilespmem:s19], [sflag:$0x2] =	stream.indirect.gather [spmem:s2], $0x10, s28, s16, $0xb8;
	[tilespmem:$0x12380] =	vst v63  }
0x2e: {  	s29 =	simm.s32 $0x4E80  }
0x2f: {  	[spmem:s1] =	stream.indirect.scatter.add.f32 [tilespmem:s17], [sflag:$0x3], $0x10, s29, s16, $0xb8;
	[tilespmem:$0x12380] =	vst v63  }
0x30: {  	_ =	swait.ge [sflag:s12], $0x800  }
0x31: {  	[sflag:s12] =	ssyncset.done $0x0  }
0x32: {  	[sflag:s12] =	ssyncadd.s32 $0xFFFFF800  }
0x33: {  	_ =	swait.ge [sflag:s20], $0x800  }
0x34: {  	[sflag:s20] =	ssyncset.done $0x0  }
0x35: {  	s30 =	simm.s32 $0x100;
	[sflag:s20] =	ssyncadd.s32 $0xFFFFF800  }
0x36: {  	[tilespmem:s17], [sflag:$0x1] =	stream.indirect.gather [spmem:s2], $0x10, s30, s16, $0xb8;
	[tilespmem:$0x12380] =	vst v63  }
0x37: {  	s31 =	simm.s32 $0x4F00  }
0x38: {  	[spmem:s1] =	stream.indirect.scatter.add.f32 [tilespmem:s19], [sflag:$0x3], $0x10, s31, s16, $0xb8;
	[tilespmem:$0x12380] =	vst v63  }
0x39: {  	_ =	swait.ge [sflag:s12], $0x800  }
0x3a: {  	s22 =	simm.s32 $0x400;
	[sflag:s12] =	ssyncset.done $0x0  }
.LBB2_4:
0x3b: {  	p0 =	sne.s32 s22, $0x13400  }
0x3c: {  	[sflag:s12] =	ssyncadd.s32 $0xFFFFF800;
	s23 =	smov.u32 s22;
	s22 =	sadd.s32 $0x400, s22  }
0x3d: {  	_ = 	snop  }
0x3e: {  	_ =	swait.ge [sflag:s18], $0x800  }
0x3f: {  	s23 =	sshra.s32 s23, $0x2;
	[sflag:s18] =	ssyncset.done $0x0  }
0x40: {  	s24 =	sadd.s32 $0x80, s23;
	[sflag:s18] =	ssyncadd.s32 $0xFFFFF800  }
0x41: {  	[tilespmem:s19], [sflag:$0x2] =	stream.indirect.gather [spmem:s2], $0x10, s24, s16, $0xb8;
	[tilespmem:$0x12380] =	vst v63  }
0x42: {  	s24 =	sadd.s32 $0x4E80, s23  }
0x43: {  	[spmem:s1] =	stream.indirect.scatter.add.f32 [tilespmem:s17], [sflag:$0x3], $0x10, s24, s16, $0xb8;
	[tilespmem:$0x12380] =	vst v63  }
0x44: {  	_ =	swait.ge [sflag:s12], $0x800  }
0x45: {  	[sflag:s12] =	ssyncset.done $0x0  }
0x46: {  	[sflag:s12] =	ssyncadd.s32 $0xFFFFF800  }
0x47: {  	_ =	swait.ge [sflag:s20], $0x800  }
0x48: {  	[sflag:s20] =	ssyncset.done $0x0  }
0x49: {  	s24 =	sadd.s32 $0x100, s23;
	[sflag:s20] =	ssyncadd.s32 $0xFFFFF800  }
0x4a: {  	[tilespmem:s17], [sflag:$0x1] =	stream.indirect.gather [spmem:s2], $0x10, s24, s16, $0xb8;
	[tilespmem:$0x12380] =	vst v63  }
.Ltmp1:
0x4b: {  	_ = 	snop;
	(pc) =	sbr.rel @p0 .LBB2_4-.Ltmp1, $4  }
0x4c: {  	s23 =	sadd.s32 $0x4F00, s23  }
0x4d: {  	[spmem:s1] =	stream.indirect.scatter.add.f32 [tilespmem:s19], [sflag:$0x3], $0x10, s23, s16, $0xb8;
	[tilespmem:$0x12380] =	vst v63  }
0x4e: {  	_ =	swait.ge [sflag:s12], $0x800  }
0x4f: {  	[sflag:s12] =	ssyncset.done $0x0  }
0x50: {  	[sflag:s12] =	ssyncadd.s32 $0xFFFFF800  }
0x51: {  	_ =	swait.ge [sflag:s18], $0x800  }
0x52: {  	[sflag:s18] =	ssyncset.done $0x0  }
0x53: {  	[sflag:s18] =	ssyncadd.s32 $0xFFFFF800  }
0x54: {  	[spmem:s1] =	stream.indirect.scatter.add.f32 [tilespmem:s17], [sflag:$0x3], $0x10, s21, s16, $0xb8;
	[tilespmem:$0x12380] =	vst v63  }
0x55: {  	_ =	swait.ge [sflag:s12], $0x800  }
0x56: {  	s4 =	sadd.s32 $0x1, s4;
	[sflag:s12] =	ssyncset.done $0x0  }
0x57: {  	p0 =	sne.s32 s4, s10;
	[sflag:s12] =	ssyncadd.s32 $0xFFFFF800  }
.Ltmp2:
0x58: {  	s22 =	sshrl.u32 s5, $0x3;
	[bflag:$0x0] =	sbarrier.arrive $0xFFFF;
	(pc) =	sbr.rel @p0 .LBB2_1-.Ltmp2, $4  }
0x59: {  	[hbm:s9], [sflag:s13] =	dma.local [spmem:s22], $0x4F0  }
0x5a: {  	_ =	swait.ge [sflag:s12], $0x4F0  }
0x5b: {  	[sflag:s12] =	ssyncset.done $0x0  }
0x5c: {  	[sflag:s12] =	ssyncadd.s32 $0xFFFFFB10  }
0x5d: {  	_ =	sfence.sel $0x180000  }
0x5e: {  	[bflag:$0x0] =	sbarrier.arrive $0xFFFF  }
0x5f: {  	p0 =	sne.s32 s3, $0x0;
	_ =	strace $0x90000053  }
0x60: {  	s0 =	sadd.s32 @!p0 $0x100000, s0;
	[bflag:$0x2] =	sbarrier.arrive $0xFFFF  }
0x61: {  	[sflag:s0] =	ssyncadd.tile.s32 @!p0 $0x1;
	_ =	shalt  }
.Lfunc_end2:
_tile_overlayer_lowered:
.L_overlay_start_2:
0x62: {  	(tag) =	ssettag $0x2  }
0x63: {  	s0 =	rddreg [dreg:$0x0];
	s2 =	stileid.u32  }
0x64: {  	s1 =	rddreg [dreg:$0x1];
	p0 =	sne.s32 s2, $0x0  }
0x65: {  	s3 =	rddreg [dreg:$0x2];
	[bflag:$0x3] =	sbarrier.arrive $0xFFFF;
	s2 =	simm.s32 @!p0 $0x1C03  }
0x66: {  	[timem:s3], [sflag:s2] =	dma.local @!p0 [hbm:s0], s1  }
0x67: {  	s0 =	simm.s32 @!p0 $0x3  }
0x68: {  	_ =	swait.ge @!p0 [sflag:s0], s1  }
0x69: {  	s1 =	ssub.s32 @!p0 $0x0, s1;
	[sflag:s0] =	ssyncset.done @!p0 $0x0  }
0x6a: {  	[sflag:s0] =	ssyncadd.s32 @!p0 s1  }
0x6b: {  	[bflag:$0x3] =	sbarrier.arrive $0xFFFF  }
0x6c: {  	_ =	shalt  }

</sc_bundles>
